<compile_context>
chip_gen: v7x
topology: tpu7x:2x2x1
jax: 0.10.2.dev20260603
libtpu: 0.0.44.dev20260713+nightly
codegen_flags: <defaults>
</compile_context>

<pallas_src>
import functools

import jax
import jax.numpy as jnp
from jax import lax
from jax.experimental import pallas as pl
from jax.experimental.pallas import tpu as pltpu
from jax.experimental.pallas import tpu_sc as plsc

F = 100000
L = 16
UNROLL = 8


@functools.lru_cache(maxsize=None)
def _build_sc_kernel():
    info = plsc.get_sparse_core_info()
    ns = info.num_subcores
    nc = 1
    nw = nc * ns
    step = L * UNROLL
    chunk = ((F + nw - 1) // nw + step - 1) // step * step
    n_outer = chunk // step
    mesh = plsc.VectorSubcoreMesh(core_axis_name="c", subcore_axis_name="s",
                                  num_cores=nc, num_subcores=ns)

    @functools.partial(
        pl.kernel,
        out_type=jax.ShapeDtypeStruct((F,), jnp.float32),
        mesh=mesh,
        compiler_params=pltpu.CompilerParams(needs_layout_passes=False),
        scratch_types=[
            pltpu.VMEM((chunk,), jnp.float32),
            pltpu.VMEM((chunk,), jnp.float32),
            pltpu.VMEM((chunk,), jnp.float32),
            pltpu.VMEM((chunk,), jnp.float32),
            pltpu.VMEM((4 * L,), jnp.float32),
            pltpu.SemaphoreType.DMA,
            pltpu.SemaphoreType.DMA,
            pltpu.SemaphoreType.DMA,
        ],
    )
    def sc_kernel(x0_hbm, x1_hbm, x2_hbm, params_hbm, out_hbm,
                  x0_v, x1_v, x2_v, o_v, p_v, s0, s1, s2):
        wid = lax.axis_index("s") * nc + lax.axis_index("c")
        base = jnp.minimum(wid * chunk, F - chunk)
        half = chunk // 2
        cp = pltpu.async_copy(params_hbm, p_v, s0)
        h0 = [pltpu.async_copy(x_hbm.at[pl.ds(base, half)],
                               x_v.at[pl.ds(0, half)], s0)
              for x_hbm, x_v in ((x0_hbm, x0_v), (x1_hbm, x1_v), (x2_hbm, x2_v))]
        h1 = [pltpu.async_copy(x_hbm.at[pl.ds(base + half, half)],
                               x_v.at[pl.ds(half, half)], s1)
              for x_hbm, x_v in ((x0_hbm, x0_v), (x1_hbm, x1_v), (x2_hbm, x2_v))]
        cp.wait()
        for c in h0:
            c.wait()
        w0 = p_v[pl.ds(0 * L, L)]
        w1 = p_v[pl.ds(1 * L, L)]
        w2 = p_v[pl.ds(2 * L, L)]
        cc = p_v[pl.ds(3 * L, L)]

        def bf16_round(v):
            u = plsc.bitcast(v, jnp.int32)
            u = (u + 0x7FFF + ((u >> 16) & 1)) & jnp.int32(-65536)
            return plsc.bitcast(u, jnp.float32)

        LOG2E = 1.4426950408889634
        LN2_HI = 0.693359375
        LN2_LO = -2.12194440e-4

        def compute(lo, hi):
            @plsc.parallel_loop(lo, hi, step=L, unroll=UNROLL)
            def _loop(off):
                a0 = x0_v[pl.ds(off, L)]
                a1 = x1_v[pl.ds(off, L)]
                a2 = x2_v[pl.ds(off, L)]
                x = (w0 * bf16_round(a0) + w1 * bf16_round(a1)
                     + w2 * bf16_round(a2) + cc)
                bias = jnp.where(x >= 0.0, 0.5, -0.5)
                n = jnp.clip((x * LOG2E + bias).astype(jnp.int32), -126, 126)
                nf = n.astype(jnp.float32)
                r = (x - nf * LN2_HI) - nf * LN2_LO
                scale = plsc.bitcast((n + 127) << 23, jnp.float32)
                e = jnp.exp(r) * scale
                o_v[pl.ds(off, L)] = (a0 + a1 + a2) / (1.0 + e)

        compute(0, half)
        o0 = pltpu.async_copy(o_v.at[pl.ds(0, half)],
                              out_hbm.at[pl.ds(base, half)], s2)
        for c in h1:
            c.wait()
        compute(half, chunk)
        o1 = pltpu.async_copy(o_v.at[pl.ds(half, half)],
                              out_hbm.at[pl.ds(base + half, half)], s2)
        o0.wait()
        o1.wait()

    return sc_kernel


def kernel(intensities, avg_dist, W_gcn, b_gcn, W_attn, b_attn):
    del W_gcn, b_gcn
    def _bf16_round(v):
        u = lax.bitcast_convert_type(v, jnp.int32)
        u = (u + 0x7FFF + ((u >> 16) & 1)) & jnp.int32(-65536)
        return lax.bitcast_convert_type(u, jnp.float32)

    wb = _bf16_round(W_attn[0])
    avb = _bf16_round(avg_dist)
    w = -wb
    c = w[3] * avb - b_attn[0]
    params = jnp.concatenate([
        jnp.full((L,), w[0], jnp.float32),
        jnp.full((L,), w[1], jnp.float32),
        jnp.full((L,), w[2], jnp.float32),
        jnp.full((L,), c, jnp.float32),
    ])
    return _build_sc_kernel()(intensities[0], intensities[1], intensities[2],
                              params)

# --- scband reference (transcript-rebuilt; emitter-appended) ---
"""Pipeline reference for scband-arin-9929964388354 (READ-ONLY COPY).

The authoritative reference and input builder live on the scoring server;
editing this copy changes nothing except your own understanding.
"""

import jax, jax.numpy as jnp
import numpy as np

INPUT_DIM = 100000
HIDDEN_DIM = 16


def setup_inputs(seed: int = 0) -> dict:
    key = jax.random.key(seed)
    k1, k2, k3, k4, k5, k6 = jax.random.split(key, 6)
    intensities = jax.random.normal(k1, (3, INPUT_DIM), dtype=jnp.float32)
    avg_dist = jax.random.uniform(k2, (), dtype=jnp.float32) * 100.0
    W_gcn = jax.random.normal(k3, (INPUT_DIM, HIDDEN_DIM), dtype=jnp.float32) / np.sqrt(INPUT_DIM)
    b_gcn = jnp.zeros((HIDDEN_DIM,), dtype=jnp.float32)
    W_attn = jax.random.normal(k5, (1, 4), dtype=jnp.float32) * 0.5
    b_attn = jnp.zeros((1,), dtype=jnp.float32)
    return {"intensities": intensities, "avg_dist": avg_dist,
            "W_gcn": W_gcn, "b_gcn": b_gcn, "W_attn": W_attn, "b_attn": b_attn}


def _gcn_conv(x, W, b):
    # GCNConv on the hardcoded 3-node graph edge_index=[[0,0,1,1,2,2],[1,2,0,2,0,1]]
    # with self-loops and symmetric normalization: D^-1/2 (A+I) D^-1/2 (x @ W) + b
    N = 3
    src = jnp.array([0, 0, 1, 1, 2, 2, 0, 1, 2], dtype=jnp.int32)
    dst = jnp.array([1, 2, 0, 2, 0, 1, 0, 1, 2], dtype=jnp.int32)
    h = x @ W  # [3, hidden]
    deg = jnp.zeros((N,), jnp.float32).at[dst].add(1.0)
    dinv = jax.lax.rsqrt(deg)
    norm = dinv[src] * dinv[dst]  # [E]
    out = jnp.zeros((N, W.shape[1]), jnp.float32).at[dst].add(norm[:, None] * h[src])
    return out + b


def reference(intensities, avg_dist, W_gcn, b_gcn, W_attn, b_attn):
    # h is computed but (as in the original torch forward) not used in the output
    h = _gcn_conv(intensities, W_gcn, b_gcn)
    F = intensities.shape[1]
    # attn expects in_features = 3 + 1: 3 intensity channels + 1 avg-dist row
    attn_input = jnp.concatenate(
        [intensities, avg_dist * jnp.ones((1, F), dtype=jnp.float32)], axis=0)  # [4, F]
    # nn.Linear(4,1): y = x @ W.T + b applied to attn_input.t(), then transposed back
    alpha = jax.nn.sigmoid((attn_input.T @ W_attn.T + b_attn).T)  # [1, F]
    C_composite = jnp.sum(alpha * intensities, axis=0)  # [F]
    return C_composite

if __name__ == "__main__":
    import jax
    _d = setup_inputs()
    print(jax.jit(kernel)(*tuple(_d.values())))

</pallas_src>

<mosaic_0001>
#map = affine_map<(d0, d1) -> (0)>
module attributes {stable_mosaic.version = 14 : i64} {
  func.func @sc_kernel(%arg0: i32, %arg1: i32, %arg2: memref<100000xf32, #tpu.memory_space<hbm>>, %arg3: memref<100000xf32, #tpu.memory_space<hbm>>, %arg4: memref<100000xf32, #tpu.memory_space<hbm>>, %arg5: memref<64xf32, #tpu.memory_space<hbm>>, %arg6: memref<100000xf32, #tpu.memory_space<hbm>>, %arg7: memref<6272xf32, #tpu.memory_space<vmem>>, %arg8: memref<6272xf32, #tpu.memory_space<vmem>>, %arg9: memref<6272xf32, #tpu.memory_space<vmem>>, %arg10: memref<6272xf32, #tpu.memory_space<vmem>>, %arg11: memref<64xf32, #tpu.memory_space<vmem>>, %arg12: memref<!tpu.dma_semaphore, #tpu.memory_space<semaphore_mem>>, %arg13: memref<!tpu.dma_semaphore, #tpu.memory_space<semaphore_mem>>, %arg14: memref<!tpu.dma_semaphore, #tpu.memory_space<semaphore_mem>>) attributes {dimension_semantics = [#tpu.dimension_semantics<core_parallel>, #tpu.dimension_semantics<subcore_parallel>], iteration_bounds = array<i64: 1, 16>, scalar_prefetch = 0 : i64, scratch_operands = 8 : i64, tpu.core_type = #tpu.core_type<sc_vector_subcore>, window_params = [{transform_indices = #map}, {transform_indices = #map}, {transform_indices = #map}, {transform_indices = #map}, {transform_indices = #map}]} {
    %mul3A = arith.constant 1 : i32
    %mul3A_0 = arith.muli %arg1, %mul3A : i32
    %add3A = arith.addi %mul3A_0, %arg0 : i32
    %mul3A_1 = arith.constant 6272 : i32
    %mul3A_2 = arith.muli %add3A, %mul3A_1 : i32
    %min3A = arith.constant 93728 : i32
    %min3A_3 = arith.minsi %mul3A_2, %min3A : i32
    tpu.enqueue_dma source(%arg5 : memref<64xf32, #tpu.memory_space<hbm>>) target(%arg11 : memref<64xf32, #tpu.memory_space<vmem>>) target_semaphore(%arg12 : memref<!tpu.dma_semaphore, #tpu.memory_space<semaphore_mem>>)
    %dma_start3A = arith.constant 0 : i32
    %dma_start3A_4 = tpu.memref_slice %arg7[%dma_start3A] : memref<6272xf32, #tpu.memory_space<vmem>> -> memref<3136xf32, #tpu.memory_space<vmem>>
    %dma_start3A_5 = tpu.memref_slice %arg2[%min3A_3] : memref<100000xf32, #tpu.memory_space<hbm>> -> memref<3136xf32, #tpu.memory_space<hbm>>
    %dma_start3A_6 = arith.constant 0 : i32
    %dma_start3A_7 = tpu.memref_slice %arg7[%dma_start3A_6] : memref<6272xf32, #tpu.memory_space<vmem>> -> memref<3136xf32, #tpu.memory_space<vmem>>
    %dma_start3A_8 = tpu.memref_slice %arg2[%min3A_3] : memref<100000xf32, #tpu.memory_space<hbm>> -> memref<3136xf32, #tpu.memory_space<hbm>>
    tpu.enqueue_dma source(%dma_start3A_8 : memref<3136xf32, #tpu.memory_space<hbm>>) target(%dma_start3A_7 : memref<3136xf32, #tpu.memory_space<vmem>>) target_semaphore(%arg12 : memref<!tpu.dma_semaphore, #tpu.memory_space<semaphore_mem>>)
    %dma_start3A_9 = arith.constant 0 : i32
    %dma_start3A_10 = tpu.memref_slice %arg8[%dma_start3A_9] : memref<6272xf32, #tpu.memory_space<vmem>> -> memref<3136xf32, #tpu.memory_space<vmem>>
    %dma_start3A_11 = tpu.memref_slice %arg3[%min3A_3] : memref<100000xf32, #tpu.memory_space<hbm>> -> memref<3136xf32, #tpu.memory_space<hbm>>
    %dma_start3A_12 = arith.constant 0 : i32
    %dma_start3A_13 = tpu.memref_slice %arg8[%dma_start3A_12] : memref<6272xf32, #tpu.memory_space<vmem>> -> memref<3136xf32, #tpu.memory_space<vmem>>
    %dma_start3A_14 = tpu.memref_slice %arg3[%min3A_3] : memref<100000xf32, #tpu.memory_space<hbm>> -> memref<3136xf32, #tpu.memory_space<hbm>>
    tpu.enqueue_dma source(%dma_start3A_14 : memref<3136xf32, #tpu.memory_space<hbm>>) target(%dma_start3A_13 : memref<3136xf32, #tpu.memory_space<vmem>>) target_semaphore(%arg12 : memref<!tpu.dma_semaphore, #tpu.memory_space<semaphore_mem>>)
    %dma_start3A_15 = arith.constant 0 : i32
    %dma_start3A_16 = tpu.memref_slice %arg9[%dma_start3A_15] : memref<6272xf32, #tpu.memory_space<vmem>> -> memref<3136xf32, #tpu.memory_space<vmem>>
    %dma_start3A_17 = tpu.memref_slice %arg4[%min3A_3] : memref<100000xf32, #tpu.memory_space<hbm>> -> memref<3136xf32, #tpu.memory_space<hbm>>
    %dma_start3A_18 = arith.constant 0 : i32
    %dma_start3A_19 = tpu.memref_slice %arg9[%dma_start3A_18] : memref<6272xf32, #tpu.memory_space<vmem>> -> memref<3136xf32, #tpu.memory_space<vmem>>
    %dma_start3A_20 = tpu.memref_slice %arg4[%min3A_3] : memref<100000xf32, #tpu.memory_space<hbm>> -> memref<3136xf32, #tpu.memory_space<hbm>>
    tpu.enqueue_dma source(%dma_start3A_20 : memref<3136xf32, #tpu.memory_space<hbm>>) target(%dma_start3A_19 : memref<3136xf32, #tpu.memory_space<vmem>>) target_semaphore(%arg12 : memref<!tpu.dma_semaphore, #tpu.memory_space<semaphore_mem>>)
    %add3A_21 = arith.constant 3136 : i32
    %add3A_22 = arith.addi %min3A_3, %add3A_21 : i32
    %dma_start3A_23 = arith.constant 3136 : i32
    %dma_start3A_24 = tpu.memref_slice %arg7[%dma_start3A_23] : memref<6272xf32, #tpu.memory_space<vmem>> -> memref<3136xf32, #tpu.memory_space<vmem>>
    %dma_start3A_25 = tpu.memref_slice %arg2[%add3A_22] : memref<100000xf32, #tpu.memory_space<hbm>> -> memref<3136xf32, #tpu.memory_space<hbm>>
    %dma_start3A_26 = arith.constant 3136 : i32
    %dma_start3A_27 = tpu.memref_slice %arg7[%dma_start3A_26] : memref<6272xf32, #tpu.memory_space<vmem>> -> memref<3136xf32, #tpu.memory_space<vmem>>
    %dma_start3A_28 = tpu.memref_slice %arg2[%add3A_22] : memref<100000xf32, #tpu.memory_space<hbm>> -> memref<3136xf32, #tpu.memory_space<hbm>>
    tpu.enqueue_dma source(%dma_start3A_28 : memref<3136xf32, #tpu.memory_space<hbm>>) target(%dma_start3A_27 : memref<3136xf32, #tpu.memory_space<vmem>>) target_semaphore(%arg13 : memref<!tpu.dma_semaphore, #tpu.memory_space<semaphore_mem>>)
    %add3A_29 = arith.constant 3136 : i32
    %add3A_30 = arith.addi %min3A_3, %add3A_29 : i32
    %dma_start3A_31 = arith.constant 3136 : i32
    %dma_start3A_32 = tpu.memref_slice %arg8[%dma_start3A_31] : memref<6272xf32, #tpu.memory_space<vmem>> -> memref<3136xf32, #tpu.memory_space<vmem>>
    %dma_start3A_33 = tpu.memref_slice %arg3[%add3A_30] : memref<100000xf32, #tpu.memory_space<hbm>> -> memref<3136xf32, #tpu.memory_space<hbm>>
    %dma_start3A_34 = arith.constant 3136 : i32
    %dma_start3A_35 = tpu.memref_slice %arg8[%dma_start3A_34] : memref<6272xf32, #tpu.memory_space<vmem>> -> memref<3136xf32, #tpu.memory_space<vmem>>
    %dma_start3A_36 = tpu.memref_slice %arg3[%add3A_30] : memref<100000xf32, #tpu.memory_space<hbm>> -> memref<3136xf32, #tpu.memory_space<hbm>>
    tpu.enqueue_dma source(%dma_start3A_36 : memref<3136xf32, #tpu.memory_space<hbm>>) target(%dma_start3A_35 : memref<3136xf32, #tpu.memory_space<vmem>>) target_semaphore(%arg13 : memref<!tpu.dma_semaphore, #tpu.memory_space<semaphore_mem>>)
    %add3A_37 = arith.constant 3136 : i32
    %add3A_38 = arith.addi %min3A_3, %add3A_37 : i32
    %dma_start3A_39 = arith.constant 3136 : i32
    %dma_start3A_40 = tpu.memref_slice %arg9[%dma_start3A_39] : memref<6272xf32, #tpu.memory_space<vmem>> -> memref<3136xf32, #tpu.memory_space<vmem>>
    %dma_start3A_41 = tpu.memref_slice %arg4[%add3A_38] : memref<100000xf32, #tpu.memory_space<hbm>> -> memref<3136xf32, #tpu.memory_space<hbm>>
    %dma_start3A_42 = arith.constant 3136 : i32
    %dma_start3A_43 = tpu.memref_slice %arg9[%dma_start3A_42] : memref<6272xf32, #tpu.memory_space<vmem>> -> memref<3136xf32, #tpu.memory_space<vmem>>
    %dma_start3A_44 = tpu.memref_slice %arg4[%add3A_38] : memref<100000xf32, #tpu.memory_space<hbm>> -> memref<3136xf32, #tpu.memory_space<hbm>>
    tpu.enqueue_dma source(%dma_start3A_44 : memref<3136xf32, #tpu.memory_space<hbm>>) target(%dma_start3A_43 : memref<3136xf32, #tpu.memory_space<vmem>>) target_semaphore(%arg13 : memref<!tpu.dma_semaphore, #tpu.memory_space<semaphore_mem>>)
    tpu.wait_dma2 semaphore(%arg12 : memref<!tpu.dma_semaphore, #tpu.memory_space<semaphore_mem>>) src(%arg5 : memref<64xf32, #tpu.memory_space<hbm>>) dst(%arg11 : memref<64xf32, #tpu.memory_space<vmem>>)
    %dma_wait3A = arith.constant 0 : i32
    %dma_wait3A_45 = tpu.memref_slice %arg7[%dma_wait3A] : memref<6272xf32, #tpu.memory_space<vmem>> -> memref<3136xf32, #tpu.memory_space<vmem>>
    %dma_wait3A_46 = tpu.memref_slice %arg2[%min3A_3] : memref<100000xf32, #tpu.memory_space<hbm>> -> memref<3136xf32, #tpu.memory_space<hbm>>
    %dma_wait3A_47 = arith.constant 0 : i32
    %dma_wait3A_48 = tpu.memref_slice %arg7[%dma_wait3A_47] : memref<6272xf32, #tpu.memory_space<vmem>> -> memref<3136xf32, #tpu.memory_space<vmem>>
    %dma_wait3A_49 = tpu.memref_slice %arg2[%min3A_3] : memref<100000xf32, #tpu.memory_space<hbm>> -> memref<3136xf32, #tpu.memory_space<hbm>>
    tpu.wait_dma2 semaphore(%arg12 : memref<!tpu.dma_semaphore, #tpu.memory_space<semaphore_mem>>) src(%dma_wait3A_49 : memref<3136xf32, #tpu.memory_space<hbm>>) dst(%dma_wait3A_48 : memref<3136xf32, #tpu.memory_space<vmem>>)
    %dma_wait3A_50 = arith.constant 0 : i32
    %dma_wait3A_51 = tpu.memref_slice %arg8[%dma_wait3A_50] : memref<6272xf32, #tpu.memory_space<vmem>> -> memref<3136xf32, #tpu.memory_space<vmem>>
    %dma_wait3A_52 = tpu.memref_slice %arg3[%min3A_3] : memref<100000xf32, #tpu.memory_space<hbm>> -> memref<3136xf32, #tpu.memory_space<hbm>>
    %dma_wait3A_53 = arith.constant 0 : i32
    %dma_wait3A_54 = tpu.memref_slice %arg8[%dma_wait3A_53] : memref<6272xf32, #tpu.memory_space<vmem>> -> memref<3136xf32, #tpu.memory_space<vmem>>
    %dma_wait3A_55 = tpu.memref_slice %arg3[%min3A_3] : memref<100000xf32, #tpu.memory_space<hbm>> -> memref<3136xf32, #tpu.memory_space<hbm>>
    tpu.wait_dma2 semaphore(%arg12 : memref<!tpu.dma_semaphore, #tpu.memory_space<semaphore_mem>>) src(%dma_wait3A_55 : memref<3136xf32, #tpu.memory_space<hbm>>) dst(%dma_wait3A_54 : memref<3136xf32, #tpu.memory_space<vmem>>)
    %dma_wait3A_56 = arith.constant 0 : i32
    %dma_wait3A_57 = tpu.memref_slice %arg9[%dma_wait3A_56] : memref<6272xf32, #tpu.memory_space<vmem>> -> memref<3136xf32, #tpu.memory_space<vmem>>
    %dma_wait3A_58 = tpu.memref_slice %arg4[%min3A_3] : memref<100000xf32, #tpu.memory_space<hbm>> -> memref<3136xf32, #tpu.memory_space<hbm>>
    %dma_wait3A_59 = arith.constant 0 : i32
    %dma_wait3A_60 = tpu.memref_slice %arg9[%dma_wait3A_59] : memref<6272xf32, #tpu.memory_space<vmem>> -> memref<3136xf32, #tpu.memory_space<vmem>>
    %dma_wait3A_61 = tpu.memref_slice %arg4[%min3A_3] : memref<100000xf32, #tpu.memory_space<hbm>> -> memref<3136xf32, #tpu.memory_space<hbm>>
    tpu.wait_dma2 semaphore(%arg12 : memref<!tpu.dma_semaphore, #tpu.memory_space<semaphore_mem>>) src(%dma_wait3A_61 : memref<3136xf32, #tpu.memory_space<hbm>>) dst(%dma_wait3A_60 : memref<3136xf32, #tpu.memory_space<vmem>>)
    %get3A = arith.constant 0 : index
    %get3A_62 = tpu.vector_load %arg11[%get3A] {strides = array<i32>} : memref<64xf32, #tpu.memory_space<vmem>>, vector<16xf32>,
    %get3A_63 = arith.constant 16 : index
    %get3A_64 = tpu.vector_load %arg11[%get3A_63] {strides = array<i32>} : memref<64xf32, #tpu.memory_space<vmem>>, vector<16xf32>,
    %get3A_65 = arith.constant 32 : index
    %get3A_66 = tpu.vector_load %arg11[%get3A_65] {strides = array<i32>} : memref<64xf32, #tpu.memory_space<vmem>>, vector<16xf32>,
    %get3A_67 = arith.constant 48 : index
    %get3A_68 = tpu.vector_load %arg11[%get3A_67] {strides = array<i32>} : memref<64xf32, #tpu.memory_space<vmem>>, vector<16xf32>,
    %parallel_loop3A = arith.constant 0 : i32
    %parallel_loop3A_69 = arith.constant 3136 : i32
    %parallel_loop3A_70 = arith.constant 16 : i32
    scf.for %parallel_loop3A_118 = %parallel_loop3A to %parallel_loop3A_69 step %parallel_loop3A_70  : i32 {
      %parallel_loop3A_119 = arith.index_cast %parallel_loop3A_118 : i32 to index
      %parallel_loop3A_120 = tpu.vector_load %arg7[%parallel_loop3A_119] {strides = array<i32>} : memref<6272xf32, #tpu.memory_space<vmem>>, vector<16xf32>,
      %parallel_loop3A_121 = arith.index_cast %parallel_loop3A_118 : i32 to index
      %parallel_loop3A_122 = tpu.vector_load %arg8[%parallel_loop3A_121] {strides = array<i32>} : memref<6272xf32, #tpu.memory_space<vmem>>, vector<16xf32>,
      %parallel_loop3A_123 = arith.index_cast %parallel_loop3A_118 : i32 to index
      %parallel_loop3A_124 = tpu.vector_load %arg9[%parallel_loop3A_123] {strides = array<i32>} : memref<6272xf32, #tpu.memory_space<vmem>>, vector<16xf32>,
      %parallel_loop3A_125 = vector.bitcast %parallel_loop3A_120 : vector<16xf32> to vector<16xi32>
      %parallel_loop3A_126 = arith.constant 32767 : i32
      %parallel_loop3A_127 = vector.broadcast %parallel_loop3A_126 : i32 to vector<16xi32>
      %parallel_loop3A_128 = arith.addi %parallel_loop3A_125, %parallel_loop3A_127 : vector<16xi32>
      %parallel_loop3A_129 = arith.constant 16 : i32
      %parallel_loop3A_130 = vector.broadcast %parallel_loop3A_129 : i32 to vector<16xi32>
      %parallel_loop3A_131 = arith.shrsi %parallel_loop3A_125, %parallel_loop3A_130 : vector<16xi32>
      %parallel_loop3A_132 = arith.constant 1 : i32
      %parallel_loop3A_133 = vector.broadcast %parallel_loop3A_132 : i32 to vector<16xi32>
      %parallel_loop3A_134 = arith.andi %parallel_loop3A_131, %parallel_loop3A_133 : vector<16xi32>
      %parallel_loop3A_135 = arith.addi %parallel_loop3A_128, %parallel_loop3A_134 : vector<16xi32>
      %parallel_loop3A_136 = arith.constant -65536 : i32
      %parallel_loop3A_137 = vector.broadcast %parallel_loop3A_136 : i32 to vector<16xi32>
      %parallel_loop3A_138 = arith.andi %parallel_loop3A_135, %parallel_loop3A_137 : vector<16xi32>
      %parallel_loop3A_139 = vector.bitcast %parallel_loop3A_138 : vector<16xi32> to vector<16xf32>
      %parallel_loop3A_140 = arith.mulf %get3A_62, %parallel_loop3A_139 : vector<16xf32>
      %parallel_loop3A_141 = vector.bitcast %parallel_loop3A_122 : vector<16xf32> to vector<16xi32>
      %parallel_loop3A_142 = arith.constant 32767 : i32
      %parallel_loop3A_143 = vector.broadcast %parallel_loop3A_142 : i32 to vector<16xi32>
      %parallel_loop3A_144 = arith.addi %parallel_loop3A_141, %parallel_loop3A_143 : vector<16xi32>
      %parallel_loop3A_145 = arith.constant 16 : i32
      %parallel_loop3A_146 = vector.broadcast %parallel_loop3A_145 : i32 to vector<16xi32>
      %parallel_loop3A_147 = arith.shrsi %parallel_loop3A_141, %parallel_loop3A_146 : vector<16xi32>
      %parallel_loop3A_148 = arith.constant 1 : i32
      %parallel_loop3A_149 = vector.broadcast %parallel_loop3A_148 : i32 to vector<16xi32>
      %parallel_loop3A_150 = arith.andi %parallel_loop3A_147, %parallel_loop3A_149 : vector<16xi32>
      %parallel_loop3A_151 = arith.addi %parallel_loop3A_144, %parallel_loop3A_150 : vector<16xi32>
      %parallel_loop3A_152 = arith.constant -65536 : i32
      %parallel_loop3A_153 = vector.broadcast %parallel_loop3A_152 : i32 to vector<16xi32>
      %parallel_loop3A_154 = arith.andi %parallel_loop3A_151, %parallel_loop3A_153 : vector<16xi32>
      %parallel_loop3A_155 = vector.bitcast %parallel_loop3A_154 : vector<16xi32> to vector<16xf32>
      %parallel_loop3A_156 = arith.mulf %get3A_64, %parallel_loop3A_155 : vector<16xf32>
      %parallel_loop3A_157 = arith.addf %parallel_loop3A_140, %parallel_loop3A_156 : vector<16xf32>
      %parallel_loop3A_158 = vector.bitcast %parallel_loop3A_124 : vector<16xf32> to vector<16xi32>
      %parallel_loop3A_159 = arith.constant 32767 : i32
      %parallel_loop3A_160 = vector.broadcast %parallel_loop3A_159 : i32 to vector<16xi32>
      %parallel_loop3A_161 = arith.addi %parallel_loop3A_158, %parallel_loop3A_160 : vector<16xi32>
      %parallel_loop3A_162 = arith.constant 16 : i32
      %parallel_loop3A_163 = vector.broadcast %parallel_loop3A_162 : i32 to vector<16xi32>
      %parallel_loop3A_164 = arith.shrsi %parallel_loop3A_158, %parallel_loop3A_163 : vector<16xi32>
      %parallel_loop3A_165 = arith.constant 1 : i32
      %parallel_loop3A_166 = vector.broadcast %parallel_loop3A_165 : i32 to vector<16xi32>
      %parallel_loop3A_167 = arith.andi %parallel_loop3A_164, %parallel_loop3A_166 : vector<16xi32>
      %parallel_loop3A_168 = arith.addi %parallel_loop3A_161, %parallel_loop3A_167 : vector<16xi32>
      %parallel_loop3A_169 = arith.constant -65536 : i32
      %parallel_loop3A_170 = vector.broadcast %parallel_loop3A_169 : i32 to vector<16xi32>
      %parallel_loop3A_171 = arith.andi %parallel_loop3A_168, %parallel_loop3A_170 : vector<16xi32>
      %parallel_loop3A_172 = vector.bitcast %parallel_loop3A_171 : vector<16xi32> to vector<16xf32>
      %parallel_loop3A_173 = arith.mulf %get3A_66, %parallel_loop3A_172 : vector<16xf32>
      %parallel_loop3A_174 = arith.addf %parallel_loop3A_157, %parallel_loop3A_173 : vector<16xf32>
      %parallel_loop3A_175 = arith.addf %parallel_loop3A_174, %get3A_68 : vector<16xf32>
      %parallel_loop3A_176 = arith.constant 0.000000e+00 : f32
      %parallel_loop3A_177 = vector.broadcast %parallel_loop3A_176 : f32 to vector<16xf32>
      %parallel_loop3A_178 = arith.cmpf oge, %parallel_loop3A_175, %parallel_loop3A_177 : vector<16xf32>
      %parallel_loop3A_179 = arith.constant 5.000000e-01 : f32
      %parallel_loop3A_180 = arith.constant -5.000000e-01 : f32
      %parallel_loop3A_181 = vector.broadcast %parallel_loop3A_179 : f32 to vector<16xf32>
      %parallel_loop3A_182 = vector.broadcast %parallel_loop3A_180 : f32 to vector<16xf32>
      %parallel_loop3A_183 = arith.select %parallel_loop3A_178, %parallel_loop3A_181, %parallel_loop3A_182 : vector<16xi1>, vector<16xf32>
      %parallel_loop3A_184 = arith.constant 1.44269502 : f32
      %parallel_loop3A_185 = vector.broadcast %parallel_loop3A_184 : f32 to vector<16xf32>
      %parallel_loop3A_186 = arith.mulf %parallel_loop3A_175, %parallel_loop3A_185 : vector<16xf32>
      %parallel_loop3A_187 = arith.addf %parallel_loop3A_186, %parallel_loop3A_183 : vector<16xf32>
      %parallel_loop3A_188 = arith.fptosi %parallel_loop3A_187 : vector<16xf32> to vector<16xi32>
      %parallel_loop3A_189 = arith.constant -126 : i32
      %parallel_loop3A_190 = arith.constant 126 : i32
      %parallel_loop3A_191 = vector.broadcast %parallel_loop3A_189 : i32 to vector<16xi32>
      %parallel_loop3A_192 = arith.maxsi %parallel_loop3A_191, %parallel_loop3A_188 : vector<16xi32>
      %parallel_loop3A_193 = vector.broadcast %parallel_loop3A_190 : i32 to vector<16xi32>
      %parallel_loop3A_194 = arith.minsi %parallel_loop3A_193, %parallel_loop3A_192 : vector<16xi32>
      %parallel_loop3A_195 = arith.sitofp %parallel_loop3A_194 : vector<16xi32> to vector<16xf32>
      %parallel_loop3A_196 = arith.constant 0.693359375 : f32
      %parallel_loop3A_197 = vector.broadcast %parallel_loop3A_196 : f32 to vector<16xf32>
      %parallel_loop3A_198 = arith.mulf %parallel_loop3A_195, %parallel_loop3A_197 : vector<16xf32>
      %parallel_loop3A_199 = arith.subf %parallel_loop3A_175, %parallel_loop3A_198 : vector<16xf32>
      %parallel_loop3A_200 = arith.constant -2.12194442E-4 : f32
      %parallel_loop3A_201 = vector.broadcast %parallel_loop3A_200 : f32 to vector<16xf32>
      %parallel_loop3A_202 = arith.mulf %parallel_loop3A_195, %parallel_loop3A_201 : vector<16xf32>
      %parallel_loop3A_203 = arith.subf %parallel_loop3A_199, %parallel_loop3A_202 : vector<16xf32>
      %parallel_loop3A_204 = arith.constant 127 : i32
      %parallel_loop3A_205 = vector.broadcast %parallel_loop3A_204 : i32 to vector<16xi32>
      %parallel_loop3A_206 = arith.addi %parallel_loop3A_194, %parallel_loop3A_205 : vector<16xi32>
      %parallel_loop3A_207 = arith.constant 23 : i32
      %parallel_loop3A_208 = vector.broadcast %parallel_loop3A_207 : i32 to vector<16xi32>
      %parallel_loop3A_209 = arith.shli %parallel_loop3A_206, %parallel_loop3A_208 : vector<16xi32>
      %parallel_loop3A_210 = vector.bitcast %parallel_loop3A_209 : vector<16xi32> to vector<16xf32>
      %parallel_loop3A_211 = math.exp %parallel_loop3A_203 : vector<16xf32>
      %parallel_loop3A_212 = arith.mulf %parallel_loop3A_211, %parallel_loop3A_210 : vector<16xf32>
      %parallel_loop3A_213 = arith.addf %parallel_loop3A_120, %parallel_loop3A_122 : vector<16xf32>
      %parallel_loop3A_214 = arith.addf %parallel_loop3A_213, %parallel_loop3A_124 : vector<16xf32>
      %parallel_loop3A_215 = arith.constant 1.000000e+00 : f32
      %parallel_loop3A_216 = vector.broadcast %parallel_loop3A_215 : f32 to vector<16xf32>
      %parallel_loop3A_217 = arith.addf %parallel_loop3A_216, %parallel_loop3A_212 : vector<16xf32>
      %parallel_loop3A_218 = arith.divf %parallel_loop3A_214, %parallel_loop3A_217 : vector<16xf32>
      %parallel_loop3A_219 = arith.index_cast %parallel_loop3A_118 : i32 to index
      %parallel_loop3A_220 = tpu.vector_load %arg10[%parallel_loop3A_219] {strides = array<i32>} : memref<6272xf32, #tpu.memory_space<vmem>>, vector<16xf32>,
      tpu.vector_store %arg10[%parallel_loop3A_219], %parallel_loop3A_218 {strides = array<i32>} : memref<6272xf32, #tpu.memory_space<vmem>>, vector<16xf32>,
    } {sc.loop_unroll_factor = 8 : i64, sc.parallel_access}
    %dma_start3A_71 = arith.constant 0 : i32
    %dma_start3A_72 = tpu.memref_slice %arg10[%dma_start3A_71] : memref<6272xf32, #tpu.memory_space<vmem>> -> memref<3136xf32, #tpu.memory_space<vmem>>
    %dma_start3A_73 = tpu.memref_slice %arg6[%min3A_3] : memref<100000xf32, #tpu.memory_space<hbm>> -> memref<3136xf32, #tpu.memory_space<hbm>>
    %dma_start3A_74 = tpu.memref_slice %arg6[%min3A_3] : memref<100000xf32, #tpu.memory_space<hbm>> -> memref<3136xf32, #tpu.memory_space<hbm>>
    %dma_start3A_75 = arith.constant 0 : i32
    %dma_start3A_76 = tpu.memref_slice %arg10[%dma_start3A_75] : memref<6272xf32, #tpu.memory_space<vmem>> -> memref<3136xf32, #tpu.memory_space<vmem>>
    tpu.enqueue_dma source(%dma_start3A_76 : memref<3136xf32, #tpu.memory_space<vmem>>) target(%dma_start3A_74 : memref<3136xf32, #tpu.memory_space<hbm>>) target_semaphore(%arg14 : memref<!tpu.dma_semaphore, #tpu.memory_space<semaphore_mem>>)
    %dma_wait3A_77 = arith.constant 3136 : i32
    %dma_wait3A_78 = tpu.memref_slice %arg7[%dma_wait3A_77] : memref<6272xf32, #tpu.memory_space<vmem>> -> memref<3136xf32, #tpu.memory_space<vmem>>
    %dma_wait3A_79 = tpu.memref_slice %arg2[%add3A_22] : memref<100000xf32, #tpu.memory_space<hbm>> -> memref<3136xf32, #tpu.memory_space<hbm>>
    %dma_wait3A_80 = arith.constant 3136 : i32
    %dma_wait3A_81 = tpu.memref_slice %arg7[%dma_wait3A_80] : memref<6272xf32, #tpu.memory_space<vmem>> -> memref<3136xf32, #tpu.memory_space<vmem>>
    %dma_wait3A_82 = tpu.memref_slice %arg2[%add3A_22] : memref<100000xf32, #tpu.memory_space<hbm>> -> memref<3136xf32, #tpu.memory_space<hbm>>
    tpu.wait_dma2 semaphore(%arg13 : memref<!tpu.dma_semaphore, #tpu.memory_space<semaphore_mem>>) src(%dma_wait3A_82 : memref<3136xf32, #tpu.memory_space<hbm>>) dst(%dma_wait3A_81 : memref<3136xf32, #tpu.memory_space<vmem>>)
    %dma_wait3A_83 = arith.constant 3136 : i32
    %dma_wait3A_84 = tpu.memref_slice %arg8[%dma_wait3A_83] : memref<6272xf32, #tpu.memory_space<vmem>> -> memref<3136xf32, #tpu.memory_space<vmem>>
    %dma_wait3A_85 = tpu.memref_slice %arg3[%add3A_30] : memref<100000xf32, #tpu.memory_space<hbm>> -> memref<3136xf32, #tpu.memory_space<hbm>>
    %dma_wait3A_86 = arith.constant 3136 : i32
    %dma_wait3A_87 = tpu.memref_slice %arg8[%dma_wait3A_86] : memref<6272xf32, #tpu.memory_space<vmem>> -> memref<3136xf32, #tpu.memory_space<vmem>>
    %dma_wait3A_88 = tpu.memref_slice %arg3[%add3A_30] : memref<100000xf32, #tpu.memory_space<hbm>> -> memref<3136xf32, #tpu.memory_space<hbm>>
    tpu.wait_dma2 semaphore(%arg13 : memref<!tpu.dma_semaphore, #tpu.memory_space<semaphore_mem>>) src(%dma_wait3A_88 : memref<3136xf32, #tpu.memory_space<hbm>>) dst(%dma_wait3A_87 : memref<3136xf32, #tpu.memory_space<vmem>>)
    %dma_wait3A_89 = arith.constant 3136 : i32
    %dma_wait3A_90 = tpu.memref_slice %arg9[%dma_wait3A_89] : memref<6272xf32, #tpu.memory_space<vmem>> -> memref<3136xf32, #tpu.memory_space<vmem>>
    %dma_wait3A_91 = tpu.memref_slice %arg4[%add3A_38] : memref<100000xf32, #tpu.memory_space<hbm>> -> memref<3136xf32, #tpu.memory_space<hbm>>
    %dma_wait3A_92 = arith.constant 3136 : i32
    %dma_wait3A_93 = tpu.memref_slice %arg9[%dma_wait3A_92] : memref<6272xf32, #tpu.memory_space<vmem>> -> memref<3136xf32, #tpu.memory_space<vmem>>
    %dma_wait3A_94 = tpu.memref_slice %arg4[%add3A_38] : memref<100000xf32, #tpu.memory_space<hbm>> -> memref<3136xf32, #tpu.memory_space<hbm>>
    tpu.wait_dma2 semaphore(%arg13 : memref<!tpu.dma_semaphore, #tpu.memory_space<semaphore_mem>>) src(%dma_wait3A_94 : memref<3136xf32, #tpu.memory_space<hbm>>) dst(%dma_wait3A_93 : memref<3136xf32, #tpu.memory_space<vmem>>)
    %parallel_loop3A_95 = arith.constant 3136 : i32
    %parallel_loop3A_96 = arith.constant 6272 : i32
    %parallel_loop3A_97 = arith.constant 16 : i32
    scf.for %parallel_loop3A_118 = %parallel_loop3A_95 to %parallel_loop3A_96 step %parallel_loop3A_97  : i32 {
      %parallel_loop3A_119 = arith.index_cast %parallel_loop3A_118 : i32 to index
      %parallel_loop3A_120 = tpu.vector_load %arg7[%parallel_loop3A_119] {strides = array<i32>} : memref<6272xf32, #tpu.memory_space<vmem>>, vector<16xf32>,
      %parallel_loop3A_121 = arith.index_cast %parallel_loop3A_118 : i32 to index
      %parallel_loop3A_122 = tpu.vector_load %arg8[%parallel_loop3A_121] {strides = array<i32>} : memref<6272xf32, #tpu.memory_space<vmem>>, vector<16xf32>,
      %parallel_loop3A_123 = arith.index_cast %parallel_loop3A_118 : i32 to index
      %parallel_loop3A_124 = tpu.vector_load %arg9[%parallel_loop3A_123] {strides = array<i32>} : memref<6272xf32, #tpu.memory_space<vmem>>, vector<16xf32>,
      %parallel_loop3A_125 = vector.bitcast %parallel_loop3A_120 : vector<16xf32> to vector<16xi32>
      %parallel_loop3A_126 = arith.constant 32767 : i32
      %parallel_loop3A_127 = vector.broadcast %parallel_loop3A_126 : i32 to vector<16xi32>
      %parallel_loop3A_128 = arith.addi %parallel_loop3A_125, %parallel_loop3A_127 : vector<16xi32>
      %parallel_loop3A_129 = arith.constant 16 : i32
      %parallel_loop3A_130 = vector.broadcast %parallel_loop3A_129 : i32 to vector<16xi32>
      %parallel_loop3A_131 = arith.shrsi %parallel_loop3A_125, %parallel_loop3A_130 : vector<16xi32>
      %parallel_loop3A_132 = arith.constant 1 : i32
      %parallel_loop3A_133 = vector.broadcast %parallel_loop3A_132 : i32 to vector<16xi32>
      %parallel_loop3A_134 = arith.andi %parallel_loop3A_131, %parallel_loop3A_133 : vector<16xi32>
      %parallel_loop3A_135 = arith.addi %parallel_loop3A_128, %parallel_loop3A_134 : vector<16xi32>
      %parallel_loop3A_136 = arith.constant -65536 : i32
      %parallel_loop3A_137 = vector.broadcast %parallel_loop3A_136 : i32 to vector<16xi32>
      %parallel_loop3A_138 = arith.andi %parallel_loop3A_135, %parallel_loop3A_137 : vector<16xi32>
      %parallel_loop3A_139 = vector.bitcast %parallel_loop3A_138 : vector<16xi32> to vector<16xf32>
      %parallel_loop3A_140 = arith.mulf %get3A_62, %parallel_loop3A_139 : vector<16xf32>
      %parallel_loop3A_141 = vector.bitcast %parallel_loop3A_122 : vector<16xf32> to vector<16xi32>
      %parallel_loop3A_142 = arith.constant 32767 : i32
      %parallel_loop3A_143 = vector.broadcast %parallel_loop3A_142 : i32 to vector<16xi32>
      %parallel_loop3A_144 = arith.addi %parallel_loop3A_141, %parallel_loop3A_143 : vector<16xi32>
      %parallel_loop3A_145 = arith.constant 16 : i32
      %parallel_loop3A_146 = vector.broadcast %parallel_loop3A_145 : i32 to vector<16xi32>
      %parallel_loop3A_147 = arith.shrsi %parallel_loop3A_141, %parallel_loop3A_146 : vector<16xi32>
      %parallel_loop3A_148 = arith.constant 1 : i32
      %parallel_loop3A_149 = vector.broadcast %parallel_loop3A_148 : i32 to vector<16xi32>
      %parallel_loop3A_150 = arith.andi %parallel_loop3A_147, %parallel_loop3A_149 : vector<16xi32>
      %parallel_loop3A_151 = arith.addi %parallel_loop3A_144, %parallel_loop3A_150 : vector<16xi32>
      %parallel_loop3A_152 = arith.constant -65536 : i32
      %parallel_loop3A_153 = vector.broadcast %parallel_loop3A_152 : i32 to vector<16xi32>
      %parallel_loop3A_154 = arith.andi %parallel_loop3A_151, %parallel_loop3A_153 : vector<16xi32>
      %parallel_loop3A_155 = vector.bitcast %parallel_loop3A_154 : vector<16xi32> to vector<16xf32>
      %parallel_loop3A_156 = arith.mulf %get3A_64, %parallel_loop3A_155 : vector<16xf32>
      %parallel_loop3A_157 = arith.addf %parallel_loop3A_140, %parallel_loop3A_156 : vector<16xf32>
      %parallel_loop3A_158 = vector.bitcast %parallel_loop3A_124 : vector<16xf32> to vector<16xi32>
      %parallel_loop3A_159 = arith.constant 32767 : i32
      %parallel_loop3A_160 = vector.broadcast %parallel_loop3A_159 : i32 to vector<16xi32>
      %parallel_loop3A_161 = arith.addi %parallel_loop3A_158, %parallel_loop3A_160 : vector<16xi32>
      %parallel_loop3A_162 = arith.constant 16 : i32
      %parallel_loop3A_163 = vector.broadcast %parallel_loop3A_162 : i32 to vector<16xi32>
      %parallel_loop3A_164 = arith.shrsi %parallel_loop3A_158, %parallel_loop3A_163 : vector<16xi32>
      %parallel_loop3A_165 = arith.constant 1 : i32
      %parallel_loop3A_166 = vector.broadcast %parallel_loop3A_165 : i32 to vector<16xi32>
      %parallel_loop3A_167 = arith.andi %parallel_loop3A_164, %parallel_loop3A_166 : vector<16xi32>
      %parallel_loop3A_168 = arith.addi %parallel_loop3A_161, %parallel_loop3A_167 : vector<16xi32>
      %parallel_loop3A_169 = arith.constant -65536 : i32
      %parallel_loop3A_170 = vector.broadcast %parallel_loop3A_169 : i32 to vector<16xi32>
      %parallel_loop3A_171 = arith.andi %parallel_loop3A_168, %parallel_loop3A_170 : vector<16xi32>
      %parallel_loop3A_172 = vector.bitcast %parallel_loop3A_171 : vector<16xi32> to vector<16xf32>
      %parallel_loop3A_173 = arith.mulf %get3A_66, %parallel_loop3A_172 : vector<16xf32>
      %parallel_loop3A_174 = arith.addf %parallel_loop3A_157, %parallel_loop3A_173 : vector<16xf32>
      %parallel_loop3A_175 = arith.addf %parallel_loop3A_174, %get3A_68 : vector<16xf32>
      %parallel_loop3A_176 = arith.constant 0.000000e+00 : f32
      %parallel_loop3A_177 = vector.broadcast %parallel_loop3A_176 : f32 to vector<16xf32>
      %parallel_loop3A_178 = arith.cmpf oge, %parallel_loop3A_175, %parallel_loop3A_177 : vector<16xf32>
      %parallel_loop3A_179 = arith.constant 5.000000e-01 : f32
      %parallel_loop3A_180 = arith.constant -5.000000e-01 : f32
      %parallel_loop3A_181 = vector.broadcast %parallel_loop3A_179 : f32 to vector<16xf32>
      %parallel_loop3A_182 = vector.broadcast %parallel_loop3A_180 : f32 to vector<16xf32>
      %parallel_loop3A_183 = arith.select %parallel_loop3A_178, %parallel_loop3A_181, %parallel_loop3A_182 : vector<16xi1>, vector<16xf32>
      %parallel_loop3A_184 = arith.constant 1.44269502 : f32
      %parallel_loop3A_185 = vector.broadcast %parallel_loop3A_184 : f32 to vector<16xf32>
      %parallel_loop3A_186 = arith.mulf %parallel_loop3A_175, %parallel_loop3A_185 : vector<16xf32>
      %parallel_loop3A_187 = arith.addf %parallel_loop3A_186, %parallel_loop3A_183 : vector<16xf32>
      %parallel_loop3A_188 = arith.fptosi %parallel_loop3A_187 : vector<16xf32> to vector<16xi32>
      %parallel_loop3A_189 = arith.constant -126 : i32
      %parallel_loop3A_190 = arith.constant 126 : i32
      %parallel_loop3A_191 = vector.broadcast %parallel_loop3A_189 : i32 to vector<16xi32>
      %parallel_loop3A_192 = arith.maxsi %parallel_loop3A_191, %parallel_loop3A_188 : vector<16xi32>
      %parallel_loop3A_193 = vector.broadcast %parallel_loop3A_190 : i32 to vector<16xi32>
      %parallel_loop3A_194 = arith.minsi %parallel_loop3A_193, %parallel_loop3A_192 : vector<16xi32>
      %parallel_loop3A_195 = arith.sitofp %parallel_loop3A_194 : vector<16xi32> to vector<16xf32>
      %parallel_loop3A_196 = arith.constant 0.693359375 : f32
      %parallel_loop3A_197 = vector.broadcast %parallel_loop3A_196 : f32 to vector<16xf32>
      %parallel_loop3A_198 = arith.mulf %parallel_loop3A_195, %parallel_loop3A_197 : vector<16xf32>
      %parallel_loop3A_199 = arith.subf %parallel_loop3A_175, %parallel_loop3A_198 : vector<16xf32>
      %parallel_loop3A_200 = arith.constant -2.12194442E-4 : f32
      %parallel_loop3A_201 = vector.broadcast %parallel_loop3A_200 : f32 to vector<16xf32>
      %parallel_loop3A_202 = arith.mulf %parallel_loop3A_195, %parallel_loop3A_201 : vector<16xf32>
      %parallel_loop3A_203 = arith.subf %parallel_loop3A_199, %parallel_loop3A_202 : vector<16xf32>
      %parallel_loop3A_204 = arith.constant 127 : i32
      %parallel_loop3A_205 = vector.broadcast %parallel_loop3A_204 : i32 to vector<16xi32>
      %parallel_loop3A_206 = arith.addi %parallel_loop3A_194, %parallel_loop3A_205 : vector<16xi32>
      %parallel_loop3A_207 = arith.constant 23 : i32
      %parallel_loop3A_208 = vector.broadcast %parallel_loop3A_207 : i32 to vector<16xi32>
      %parallel_loop3A_209 = arith.shli %parallel_loop3A_206, %parallel_loop3A_208 : vector<16xi32>
      %parallel_loop3A_210 = vector.bitcast %parallel_loop3A_209 : vector<16xi32> to vector<16xf32>
      %parallel_loop3A_211 = math.exp %parallel_loop3A_203 : vector<16xf32>
      %parallel_loop3A_212 = arith.mulf %parallel_loop3A_211, %parallel_loop3A_210 : vector<16xf32>
      %parallel_loop3A_213 = arith.addf %parallel_loop3A_120, %parallel_loop3A_122 : vector<16xf32>
      %parallel_loop3A_214 = arith.addf %parallel_loop3A_213, %parallel_loop3A_124 : vector<16xf32>
      %parallel_loop3A_215 = arith.constant 1.000000e+00 : f32
      %parallel_loop3A_216 = vector.broadcast %parallel_loop3A_215 : f32 to vector<16xf32>
      %parallel_loop3A_217 = arith.addf %parallel_loop3A_216, %parallel_loop3A_212 : vector<16xf32>
      %parallel_loop3A_218 = arith.divf %parallel_loop3A_214, %parallel_loop3A_217 : vector<16xf32>
      %parallel_loop3A_219 = arith.index_cast %parallel_loop3A_118 : i32 to index
      %parallel_loop3A_220 = tpu.vector_load %arg10[%parallel_loop3A_219] {strides = array<i32>} : memref<6272xf32, #tpu.memory_space<vmem>>, vector<16xf32>,
      tpu.vector_store %arg10[%parallel_loop3A_219], %parallel_loop3A_218 {strides = array<i32>} : memref<6272xf32, #tpu.memory_space<vmem>>, vector<16xf32>,
    } {sc.loop_unroll_factor = 8 : i64, sc.parallel_access}
    %add3A_98 = arith.constant 3136 : i32
    %add3A_99 = arith.addi %min3A_3, %add3A_98 : i32
    %dma_start3A_100 = arith.constant 3136 : i32
    %dma_start3A_101 = tpu.memref_slice %arg10[%dma_start3A_100] : memref<6272xf32, #tpu.memory_space<vmem>> -> memref<3136xf32, #tpu.memory_space<vmem>>
    %dma_start3A_102 = tpu.memref_slice %arg6[%add3A_99] : memref<100000xf32, #tpu.memory_space<hbm>> -> memref<3136xf32, #tpu.memory_space<hbm>>
    %dma_start3A_103 = tpu.memref_slice %arg6[%add3A_99] : memref<100000xf32, #tpu.memory_space<hbm>> -> memref<3136xf32, #tpu.memory_space<hbm>>
    %dma_start3A_104 = arith.constant 3136 : i32
    %dma_start3A_105 = tpu.memref_slice %arg10[%dma_start3A_104] : memref<6272xf32, #tpu.memory_space<vmem>> -> memref<3136xf32, #tpu.memory_space<vmem>>
    tpu.enqueue_dma source(%dma_start3A_105 : memref<3136xf32, #tpu.memory_space<vmem>>) target(%dma_start3A_103 : memref<3136xf32, #tpu.memory_space<hbm>>) target_semaphore(%arg14 : memref<!tpu.dma_semaphore, #tpu.memory_space<semaphore_mem>>)
    %dma_wait3A_106 = arith.constant 0 : i32
    %dma_wait3A_107 = tpu.memref_slice %arg10[%dma_wait3A_106] : memref<6272xf32, #tpu.memory_space<vmem>> -> memref<3136xf32, #tpu.memory_space<vmem>>
    %dma_wait3A_108 = tpu.memref_slice %arg6[%min3A_3] : memref<100000xf32, #tpu.memory_space<hbm>> -> memref<3136xf32, #tpu.memory_space<hbm>>
    %dma_wait3A_109 = tpu.memref_slice %arg6[%min3A_3] : memref<100000xf32, #tpu.memory_space<hbm>> -> memref<3136xf32, #tpu.memory_space<hbm>>
    %dma_wait3A_110 = arith.constant 0 : i32
    %dma_wait3A_111 = tpu.memref_slice %arg10[%dma_wait3A_110] : memref<6272xf32, #tpu.memory_space<vmem>> -> memref<3136xf32, #tpu.memory_space<vmem>>
    tpu.wait_dma2 semaphore(%arg14 : memref<!tpu.dma_semaphore, #tpu.memory_space<semaphore_mem>>) src(%dma_wait3A_111 : memref<3136xf32, #tpu.memory_space<vmem>>) dst(%dma_wait3A_109 : memref<3136xf32, #tpu.memory_space<hbm>>)
    %dma_wait3A_112 = arith.constant 3136 : i32
    %dma_wait3A_113 = tpu.memref_slice %arg10[%dma_wait3A_112] : memref<6272xf32, #tpu.memory_space<vmem>> -> memref<3136xf32, #tpu.memory_space<vmem>>
    %dma_wait3A_114 = tpu.memref_slice %arg6[%add3A_99] : memref<100000xf32, #tpu.memory_space<hbm>> -> memref<3136xf32, #tpu.memory_space<hbm>>
    %dma_wait3A_115 = tpu.memref_slice %arg6[%add3A_99] : memref<100000xf32, #tpu.memory_space<hbm>> -> memref<3136xf32, #tpu.memory_space<hbm>>
    %dma_wait3A_116 = arith.constant 3136 : i32
    %dma_wait3A_117 = tpu.memref_slice %arg10[%dma_wait3A_116] : memref<6272xf32, #tpu.memory_space<vmem>> -> memref<3136xf32, #tpu.memory_space<vmem>>
    tpu.wait_dma2 semaphore(%arg14 : memref<!tpu.dma_semaphore, #tpu.memory_space<semaphore_mem>>) src(%dma_wait3A_117 : memref<3136xf32, #tpu.memory_space<vmem>>) dst(%dma_wait3A_115 : memref<3136xf32, #tpu.memory_space<hbm>>)
    return
  }
}

</mosaic_0001>

<sc_bundles>
// kernel: kernel.3.cloned.1.call-start
scs
__scs_entry_jumppad:
0x0: {  	(pc) =	sbr.rel $0x88, $3  }
0x1: {  	(tag) =	ssettag $0x0;
	lr =	simm.s32 $0x1  }
0x2: {  	[smem:$0x3F9D] =	sst lr;
	_ =	strace $0xD0000000  }
0x3: {  	_ = 	snop  }
0x4: {  	_ = 	snop  }
0x5: {  	_ = 	snop  }
0x6: {  	_ = 	snop  }
0x7: {  	_ = 	snop  }
__scs_overlays_trampoline_lowered:
0x8: {  	[smem:$0x3FAC] =	sst s0  }
0x9: {  	[smem:$0x3FAD] =	sst s1  }
0xa: {  	[smem:$0x3FAE] =	sst s2  }
0xb: {  	[smem:$0x3FAF] =	sst s3  }
0xc: {  	[smem:$0x3FB0] =	sst s4  }
0xd: {  	[smem:$0x3FB1] =	sst s5  }
0xe: {  	[smem:$0x3FB2] =	sst s6  }
0xf: {  	[smem:$0x3FB3] =	sst s7  }
0x10: {  	[smem:$0x3FB4] =	sst s8  }
0x11: {  	[smem:$0x3FB5] =	sst s9;
	s0 =	simm.s32 @!p0 $0x0  }
0x12: {  	s1 =	sld [smem:$0x3F9B];
	s0 =	simm.s32 @p0 $0x1  }
0x13: {  	[smem:$0x3FB6] =	sst s0;
	s0 =	simm.s32 @!p1 $0x0  }
0x14: {  	s2 =	sld [smem:$0x3F9A];
	s0 =	simm.s32 @p1 $0x1  }
0x15: {  	[smem:$0x3FB7] =	sst s0;
	s0 =	simm.s32 @!p2 $0x0  }
0x16: {  	s3 =	sld [smem:$0x3FDB];
	s0 =	simm.s32 @p2 $0x1  }
0x17: {  	s4 =	simm.s32 $0x1BF5;
	[smem:$0x3FB9] =	sst s0  }
0x18: {  	s0 =	sld [smem:$0x3F9C];
	_ =	swait.ge [sflag:s4], $0x0  }
0x19: {  	s7 =	sld [smem:$0x3F9D]  }
0x1a: {  	s8 =	sadd.s32 $0xFFFFE003, lr  }
0x1b: {  	s9 =	sadd.s32 $0xFFFFFEF7, lr;
	s5 =	simm.s32 $0xFFFFFFFF;
	p2 =	slt.u32 s8, $0xFFFFF086  }
0x1c: {  	p1 =	slt.u32 s9, $0xF7A;
	s5 =	simm.s32 @!p2 $0x0  }
0x1d: {  	s5 =	simm.s32 @p1 $0x1;
	p0 =	seq.s32 s7, s2  }
0x1e: {  	s7 =	smul.u32 @!p0 $0xF7A, s2;
	p2 =	seq.s32 @!p0 s5, $0x0  }
0x1f: {  	s9 =	smul.u32 $0xF7A, s1;
	s8 =	simm.s32 @!p0 $0x1BF5;
	p2 =	por !p2, p0  }
0x20: {  	[sflag:s8] =	ssyncset.s32 @!p0 $0xFFFFF086;
	s6 =	sadd.s32 @!p0 s3, s7;
	s7 =	simm.s32 @!p0 $0x108  }
0x21: {  	s3 =	sadd.s32 s3, s9;
	s6 =	sadd.s32 @!p0 $0x88, s6;
	s7 =	simm.s32 @p2 $0x1082  }
0x22: {  	[simem:s7], [sflag:s8] =	dma.local @!p0 [hbm:s6], $0xF7A  }
0x23: {  	s9 =	sor.u32 $0xD0000000, s2;
	s6 =	simm.s32 $0x108;
	_ =	swait.ge @!p0 [sflag:s8], $0x0  }
0x24: {  	s3 =	sadd.s32 $0x88, s3;
	s6 =	simm.s32 @!p1 $0x1082;
	[sflag:s4] =	ssyncset.s32 $0xFFFFF086  }
0x25: {  	[simem:s6], [sflag:s4] =	dma.local [hbm:s3], $0xF7A  }
0x26: {  	[smem:$0x3F9D] =	sst s1;
	(tag) =	ssettag s2;
	_ =	strace s9  }
0x27: {  	s1 =	sld [smem:$0x3FAD]  }
0x28: {  	s2 =	sld [smem:$0x3FAE]  }
0x29: {  	s4 =	sld [smem:$0x3FB0]  }
0x2a: {  	p0 =	seq.s32 s5, $0x0;
	s5 =	sld [smem:$0x3FB1]  }
0x2b: {  	s6 =	sld [smem:$0x3FB2]  }
0x2c: {  	s7 =	sld [smem:$0x3FB3]  }
0x2d: {  	s3 =	simm.s32 $0x108;
	s8 =	sld [smem:$0x3FB4]  }
0x2e: {  	s3 =	simm.s32 @!p0 $0x1082;
	s9 =	sld [smem:$0x3FB5]  }
0x2f: {  	lr =	sadd.s32 s0, s3;
	s0 =	sld [smem:$0x3FAC]  }
0x30: {  	s3 =	sld [smem:$0x3FAF]  }
0x31: {  	[smem:$0x3FB8] =	sst s10  }
0x32: {  	s10 =	sld [smem:$0x3FB6];
	_ =	sdelay $0x3  }
0x33: {  	p0 =	seq.s32 s10, $0x1;
	s10 =	sld [smem:$0x3FB8];
	_ =	sdelay $0x3  }
0x34: {  	[smem:$0x3FB8] =	sst s10  }
0x35: {  	s10 =	sld [smem:$0x3FB7];
	_ =	sdelay $0x3  }
0x36: {  	p1 =	seq.s32 s10, $0x1;
	s10 =	sld [smem:$0x3FB8];
	_ =	sdelay $0x3  }
0x37: {  	[smem:$0x3FB8] =	sst s10  }
0x38: {  	s10 =	sld [smem:$0x3FB9]  }
0x39: {  	_ = 	snop;
	(pc) =	sbr.ind lr, $3  }
0x3a: {  	_ = 	snop  }
0x3b: {  	_ = 	snop  }
0x3c: {  	p2 =	seq.s32 s10, $0x1;
	s10 =	sld [smem:$0x3FB8]  }
0x3d: {  	_ =	shalt  }
0x3e: {  	_ =	shalt  }
0x3f: {  	_ =	shalt  }
0x40: {  	_ =	shalt  }
0x41: {  	_ =	shalt  }
0x42: {  	_ =	shalt  }
0x43: {  	_ =	shalt  }
0x44: {  	_ =	shalt  }
0x45: {  	_ =	shalt  }
0x46: {  	_ =	shalt  }
0x47: {  	_ =	shalt  }
0x48: {  	_ =	shalt  }
0x49: {  	_ =	shalt  }
0x4a: {  	_ =	shalt  }
0x4b: {  	_ =	shalt  }
0x4c: {  	_ =	shalt  }
0x4d: {  	_ =	shalt  }
0x4e: {  	_ =	shalt  }
0x4f: {  	_ =	shalt  }
0x50: {  	_ =	shalt  }
0x51: {  	_ =	shalt  }
0x52: {  	_ =	shalt  }
0x53: {  	_ =	shalt  }
0x54: {  	_ =	shalt  }
0x55: {  	_ =	shalt  }
0x56: {  	_ =	shalt  }
0x57: {  	_ =	shalt  }
0x58: {  	_ =	shalt  }
0x59: {  	_ =	shalt  }
0x5a: {  	_ =	shalt  }
0x5b: {  	_ =	shalt  }
0x5c: {  	_ =	shalt  }
0x5d: {  	_ =	shalt  }
0x5e: {  	_ =	shalt  }
0x5f: {  	_ =	shalt  }
0x60: {  	_ =	shalt  }
0x61: {  	_ =	shalt  }
0x62: {  	_ =	shalt  }
0x63: {  	_ =	shalt  }
0x64: {  	_ =	shalt  }
0x65: {  	_ =	shalt  }
0x66: {  	_ =	shalt  }
0x67: {  	_ =	shalt  }
0x68: {  	_ =	shalt  }
0x69: {  	_ =	shalt  }
0x6a: {  	_ =	shalt  }
0x6b: {  	_ =	shalt  }
0x6c: {  	_ =	shalt  }
0x6d: {  	_ =	shalt  }
0x6e: {  	_ =	shalt  }
0x6f: {  	_ =	shalt  }
0x70: {  	_ =	shalt  }
0x71: {  	_ =	shalt  }
0x72: {  	_ =	shalt  }
0x73: {  	_ =	shalt  }
0x74: {  	_ =	shalt  }
0x75: {  	_ =	shalt  }
0x76: {  	_ =	shalt  }
0x77: {  	_ =	shalt  }
0x78: {  	_ =	shalt  }
0x79: {  	_ =	shalt  }
0x7a: {  	_ =	shalt  }
0x7b: {  	_ =	shalt  }
0x7c: {  	_ =	shalt  }
0x7d: {  	_ =	shalt  }
0x7e: {  	_ =	shalt  }
0x7f: {  	_ =	shalt  }
0x80: {  	_ =	shalt  }
0x81: {  	_ =	shalt  }
0x82: {  	_ =	shalt  }
0x83: {  	_ =	shalt  }
0x84: {  	_ =	shalt  }
0x85: {  	_ =	shalt  }
0x86: {  	_ =	shalt  }
0x87: {  	_ =	shalt  }
.Lfunc_end0:
.L_simem_size_0:
called_computation_lowered:
.L_overlay_start_0:
0x88: {  	s0 =	sld [smem:$0x3FD9]  }
0x89: {  	s1 =	sld [smem:$0x3FFE];
	_ =	sdelay $0x3  }
0x8a: {  	s0 =	sadd.s32 s1, s0  }
0x8b: {  	[smem:$0x3FC4] =	sst s0  }
0x8c: {  	_ = 	snop  }
0x8d: {  	s0 =	sld [smem:$0x3FD0];
	(tm) =	ssettm $0x1  }
0x8e: {  	s16 =	sld [smem:$0x3FFB];
	_ =	sdelay $0x3  }
0x8f: {  	_ =	strace s16  }
0x90: {  	s1 =	sld [smem:$0x3FFC];
	_ =	sdelay $0x3  }
0x91: {  	_ =	strace s1  }
0x92: {  	s1 =	sld [smem:$0x3FFD];
	_ =	sdelay $0x3  }
0x93: {  	_ =	strace s1  }
0x94: {  	_ =	strace $0x8FFFFFFF  }
0x95: {  	s17 =	sld [smem:$0x3FDB];
	_ =	sdelay $0x1  }
0x96: {  	s2 =	simm.s32 $_scs_section_size  }
0x97: {  	s3 =	simm.s32 $_size__tile_overlayer_lowered;
	s4 =	simm.s32 $_tile_overlayer_lowered  }
0x98: {  	s20 =	simm.s32 $0x1BFF;
	s19 =	sshll.u32 s4, $0x1;
	s1 =	sadd.s32 s2, s17  }
0x99: {  	s5 =	simm.s32 $0x0;
	s18 =	sshll.u32 s3, $0x1;
	s3 =	sadd.s32 s19, s1  }
0x9a: {  	[timem:s5], [sflag:s20] =	dma.local [hbm:s3], s18  }
0x9b: {  	_ =	swait.ge [sflag:s20], s18  }
0x9c: {  	s2 =	ssub.s32 $0x0, s18;
	[sflag:s20] =	ssyncset.done $0x0  }
0x9d: {  	[sflag:s20] =	ssyncadd.s32 s2;
	_ =	sdelay $0x1  }
0x9e: {  	s21 =	simm.s32 $0x1B8B  }
0x9f: {  	_ =	swait.ge [sflag:s21], $0x1  }
0xa0: {  	[sflag:s21] =	ssyncset.done $0x0  }
0xa1: {  	s23 =	simm.s32 $0x1B8E;
	s22 =	sld [smem:$0x3FFE];
	[sflag:s21] =	ssyncadd.s32 $0xFFFFFFFF  }
0xa2: {  	s24 =	simm.s32 $execute0_lowered;
	[smem:$0x3FD2] =	sst s23  }
0xa3: {  	s3 =	sshll.u32 s24, $0x1;
	_ =	strace $0x80000046;
	[dreg:$0x1] =	wrdreg $0xFFFFFFFF  }
0xa4: {  	s25 =	simm.s32 $_size_execute0_lowered;
	s1 =	sadd.s32 s1, s3;
	[dreg:$0x0] =	wrdreg $0x0  }
0xa5: {  	s3 =	sshll.u32 s25, $0x1;
	[dreg:$0x2] =	wrdreg s1  }
0xa6: {  	[dreg:$0x3] =	wrdreg s3  }
0xa7: {  	[dreg:$0x4] =	wrdreg $0xC0  }
0xa8: {  	_ =	task [dreg:s5], $0x5FFFF  }
0xa9: {  	[dreg:$0x1] =	wrdreg $0xFFFFFFFF  }
0xaa: {  	[dreg:$0x0] =	wrdreg $0x60  }
0xab: {  	[dreg:$0x2] =	wrdreg s22  }
0xac: {  	[dreg:$0x3] =	wrdreg s0  }
0xad: {  	[dreg:$0x4] =	wrdreg $0x9  }
0xae: {  	_ =	task.clear_ibuf [dreg:s5], $0x5FFFF;
	_ =	strace $0x90000046  }
0xaf: {  	s26 =	simm.s32 $0x9;
	_ =	strace $0x80000048  }
0xb0: {  	_ =	swait.ge [sflag:s26], $0x1  }
0xb1: {  	[sflag:s26] =	ssyncadd.s32 $0xFFFFFFFF  }
0xb2: {  	_ =	strace $0x90000048  }
0xb3: {  	_ =	sfence  }
0xb4: {  	s28 =	sld [smem:$0x0];
	_ =	sdelay $0x1  }
0xb5: {  	s29 =	srdreg.scid  }
0xb6: {  	s30 =	sshll.u32 s29, $0xD;
	s31 =	sshrl.u32 s29, $0x2  }
0xb7: {  	s2 =	sand.u32 $0x4000, s30;
	s1 =	sand.u32 $0x1, s29;
	s0 =	sadd.s32 s31, s28  }
0xb8: {  	s1 =	sor.u32 s2, s1;
	s0 =	sshll.u32 s0, $0x11  }
0xb9: {  	s0 =	sor.u32 s0, s1  }
0xba: {  	s0 =	sadd.s32 $0x8F2B, s0  }
0xbb: {  	[sflag:s0] =	ssyncadd.remote.s32 $0x1  }
0xbc: {  	_ =	sfence.sel $0xFFFF  }
0xbd: {  	[dreg:$0x0] =	wrdreg $0xFFFFFFFF;
	(pc) =	sbr.abs _section_cstart, $3  }
0xbe: {  	[dreg:$0x1] =	wrdreg $0xFFFFFFFF  }
0xbf: {  	_ =	task.clear_ibuf [dreg:s5], $0x2FFFF;
	_ =	strace $0x9FFFFFFF  }
0xc0: {  	(tm) =	ssettm $0x7FFFFFFF  }
0xc1: {  	_ =	shalt  }
tec
execute0_lowered:
.L_overlay_start_1:
0x0: {  	(tag) =	ssettag $0x1  }
0x1: {  	s3 =	rddreg [dreg:$0x0]  }
0x2: {  	s2 =	rddreg [dreg:$0x1];
	s1 =	stileid.u32  }
0x3: {  	s0 =	rddreg [dreg:$0x2];
	s5 =	simm.s32 $0x0;
	s4 =	smul.u32 $0x1880, s1  }
0x4: {  	[smem:$0x7FF] =	sst s5  }
0x5: {  	s7 =	simm.s32 $0x6200;
	_ =	strace $0x80000047;
	s4 =	smin.u32 s4, $0x16E20  }
0x6: {  	[tilespmem:s7], [sflag:$0x1] =	stream.linear.gather [hbm4b:s3+s5], $0x80, $0x38;
	[tilespmem:$0x6280] =	vst v63  }
0x7: {  	s6 =	sadd.s32 $0x6A00, s3;
	s4 =	sshrl.u32 s4, $0x3  }
0x8: {  	s14 =	sadd.s32 $0x3800, s3;
	s8 =	sadd.s32 s6, s4  }
0x9: {  	[tilespmem:s5], [sflag:$0x1] =	stream.linear.gather [hbm4b:s8+s5], $0xC40, $0x38;
	[tilespmem:$0x6280] =	vst v63  }
0xa: {  	s9 =	simm.s32 $0x1880;
	s15 =	sadd.s32 $0x600, s3;
	s16 =	sadd.s32 s14, s4  }
0xb: {  	[tilespmem:s9], [sflag:$0x1] =	stream.linear.gather [hbm4b:s16+s5], $0xC40, $0x38;
	[tilespmem:$0x6280] =	vst v63  }
0xc: {  	s10 =	simm.s32 $0x3100;
	s17 =	sadd.s32 s15, s4;
	s3 =	sadd.s32 $0x188, s4  }
0xd: {  	[tilespmem:s10], [sflag:$0x1] =	stream.linear.gather [hbm4b:s17+s5], $0xC40, $0x38;
	[tilespmem:$0x6280] =	vst v63  }
0xe: {  	s18 =	simm.s32 $0xC40;
	s6 =	sadd.s32 s6, s3  }
0xf: {  	[tilespmem:s18], [sflag:$0x2] =	stream.linear.gather [hbm4b:s6+s5], $0xC40, $0x38;
	[tilespmem:$0x6280] =	vst v63  }
0x10: {  	s20 =	simm.s32 $0x24C0;
	s19 =	sadd.s32 s14, s3  }
0x11: {  	[tilespmem:s20], [sflag:$0x2] =	stream.linear.gather [hbm4b:s19+s5], $0xC40, $0x38;
	[tilespmem:$0x6280] =	vst v63  }
0x12: {  	s22 =	simm.s32 $0x3D40;
	s23 =	simm.s32 $0x1;
	s21 =	sadd.s32 s15, s3  }
0x13: {  	[tilespmem:s22], [sflag:$0x2] =	stream.linear.gather [hbm4b:s21+s5], $0xC40, $0x38;
	[tilespmem:$0x6280] =	vst v63  }
0x14: {  	_ =	swait.ge [sflag:s23], $0x80  }
0x15: {  	[sflag:s23] =	ssyncset.done $0x0  }
0x16: {  	[sflag:s23] =	ssyncadd.s32 $0xFFFFFF80  }
0x17: {  	_ =	swait.ge [sflag:s23], $0xC40  }
0x18: {  	[sflag:s23] =	ssyncset.done $0x0  }
0x19: {  	[sflag:s23] =	ssyncadd.s32 $0xFFFFF3C0  }
0x1a: {  	_ =	swait.ge [sflag:s23], $0xC40  }
0x1b: {  	[sflag:s23] =	ssyncset.done $0x0  }
0x1c: {  	[sflag:s23] =	ssyncadd.s32 $0xFFFFF3C0  }
0x1d: {  	_ =	swait.ge [sflag:s23], $0xC40  }
0x1e: {  	[sflag:s23] =	ssyncset.done $0x0  }
0x1f: {  	s24 =	simm.s32 $0x40;
	[sflag:s23] =	ssyncadd.s32 $0xFFFFF3C0  }
0x20: {  	s25 =	simm.s32 $0x18C0;
	v27 =	vld [tilespmem:s24+$0x30]  }
0x21: {  	v28 =	vld [tilespmem:s25+$0x30]  }
0x22: {  	s26 =	simm.s32 $0x3140;
	v25 =	vld [tilespmem:s25+$0xFFFFFFC0]  }
0x23: {  	v10 =	vld [tilespmem:s26+$0x30]  }
0x24: {  	v5 =	vld [tilespmem:s24+$0xFFFFFFD0]  }
0x25: {  	v6 =	vld [tilespmem:s25+$0xFFFFFFD0]  }
0x26: {  	v8 =	vld [tilespmem:s24+$0xFFFFFFE0]  }
0x27: {  	v9 =	vld [tilespmem:s25+$0xFFFFFFE0]  }
0x28: {  	v26 =	vld [tilespmem:s24+$0xFFFFFFC0];
	_ =	sdelay $0x1  }
0x29: {  	v4 =	vimm.f32 $-5.000000000e-01  }
0x2a: {  	v7 =	vshrl.u32 v27, $0x10;
	v11 =	vshrl.u32 v28, $0x10;
	v14 =	vshrl.u32 v10, $0x10  }
0x2b: {  	v18 =	vshrl.u32 v25, $0x10;
	v19 =	vshrl.u32 v5, $0x10;
	v21 =	vshrl.u32 v6, $0x10  }
0x2c: {  	v22 =	vshrl.u32 v8, $0x10;
	v23 =	vshrl.u32 v9, $0x10;
	v38 =	vshrl.u32 v26, $0x10  }
0x2d: {  	v7 =	vand.u32 $0x1, v7;
	v12 =	vand.u32 $0x1, v11;
	v14 =	vand.u32 $0x1, v14  }
0x2e: {  	v30 =	vand.u32 $0x1, v18;
	v31 =	vand.u32 $0x1, v19;
	v32 =	vand.u32 $0x1, v21  }
0x2f: {  	v22 =	vand.u32 $0x1, v22;
	v34 =	vand.u32 $0x1, v23;
	v38 =	vand.u32 $0x1, v38  }
0x30: {  	v7 =	vadd.s32 v7, v27;
	v13 =	vadd.s32 v12, v28;
	v16 =	vadd.s32 v14, v10  }
0x31: {  	v38 =	vadd.s32 v38, v26;
	v30 =	vadd.s32 v30, v25;
	v31 =	vadd.s32 v31, v5  }
0x32: {  	v32 =	vadd.s32 v32, v6;
	v43 =	vadd.s32 v22, v8;
	v27 =	vadd.f32 v28, v27  }
0x33: {  	v0 =	vld [tilespmem:$0x6200];
	v34 =	vadd.s32 v34, v9;
	v25 =	vadd.f32 v25, v26;
	v5 =	vadd.f32 v6, v5  }
0x34: {  	v1 =	vld [tilespmem:$0x6210];
	v6 =	vadd.f32 v9, v8;
	v7 =	vadd.s32 $0x7FFF, v7;
	v15 =	vadd.s32 $0x7FFF, v13  }
0x35: {  	v2 =	vld [tilespmem:$0x6220];
	v16 =	vadd.s32 $0x7FFF, v16;
	v38 =	vadd.s32 $0x7FFF, v38;
	v30 =	vadd.s32 $0x7FFF, v30  }
0x36: {  	v31 =	vadd.s32 $0x7FFF, v31;
	v32 =	vadd.s32 $0x7FFF, v32;
	v43 =	vadd.s32 $0x7FFF, v43  }
0x37: {  	v11 =	vld [tilespmem:s24+$0xFFFFFFF0];
	v34 =	vadd.s32 $0x7FFF, v34;
	v7 =	vand.u32 $0xFFFF0000, v7;
	v15 =	vand.u32 $0xFFFF0000, v15  }
0x38: {  	v18 =	vld [tilespmem:s25+$0x20];
	v20 =	vand.u32 $0xFFFF0000, v16;
	v38 =	vand.u32 $0xFFFF0000, v38;
	v30 =	vand.u32 $0xFFFF0000, v30  }
0x39: {  	v12 =	vld [tilespmem:s25+$0xFFFFFFF0];
	v31 =	vand.u32 $0xFFFF0000, v31;
	v32 =	vand.u32 $0xFFFF0000, v32;
	v7 =	vmul.f32 v7, v0  }
0x3a: {  	v14 =	vld [tilespmem:s25+$0x0];
	v43 =	vand.u32 $0xFFFF0000, v43;
	v17 =	vmul.f32 v15, v1;
	v20 =	vmul.f32 v20, v2  }
0x3b: {  	v22 =	vld [tilespmem:s26+$0x10];
	v34 =	vand.u32 $0xFFFF0000, v34;
	v38 =	vmul.f32 v38, v0;
	v30 =	vmul.f32 v30, v1  }
0x3c: {  	v10 =	vadd.f32 v10, v27;
	v31 =	vmul.f32 v31, v0;
	v32 =	vmul.f32 v32, v1  }
0x3d: {  	v13 =	vld [tilespmem:s24+$0x0];
	v43 =	vmul.f32 v43, v0;
	v34 =	vmul.f32 v34, v1;
	v24 =	vshrl.u32 v11, $0x10  }
0x3e: {  	v16 =	vld [tilespmem:s25+$0x10];
	v37 =	vshrl.u32 v18, $0x10;
	v7 =	vadd.f32 v17, v7;
	v29 =	vshrl.u32 v12, $0x10  }
0x3f: {  	v19 =	vshrl.u32 v14, $0x10;
	v35 =	vand.u32 $0x1, v24;
	v37 =	vand.u32 $0x1, v37  }
0x40: {  	v52 =	vshrl.u32 v22, $0x10;
	v30 =	vadd.f32 v30, v38;
	v31 =	vadd.f32 v32, v31  }
0x41: {  	v29 =	vand.u32 $0x1, v29;
	v39 =	vand.u32 $0x1, v19;
	v35 =	vadd.s32 v35, v11  }
0x42: {  	v15 =	vld [tilespmem:s24+$0x10];
	v37 =	vadd.s32 v37, v18;
	v56 =	vand.u32 $0x1, v52;
	v11 =	vadd.f32 v12, v11  }
0x43: {  	v3 =	vld [tilespmem:$0x6230];
	v7 =	vadd.f32 v20, v7;
	v20 =	vshrl.u32 v13, $0x10;
	v21 =	vshrl.u32 v16, $0x10  }
0x44: {  	v29 =	vadd.s32 v29, v12;
	v39 =	vadd.s32 v39, v14;
	v35 =	vadd.s32 $0x7FFF, v35  }
0x45: {  	v17 =	vld [tilespmem:s24+$0x20];
	v37 =	vadd.s32 $0x7FFF, v37;
	v12 =	vadd.f32 v14, v13;
	v60 =	vand.u32 $0x1, v20  }
0x46: {  	v41 =	vand.u32 $0x1, v21;
	v29 =	vadd.s32 $0x7FFF, v29;
	v39 =	vadd.s32 $0x7FFF, v39  }
0x47: {  	v35 =	vand.u32 $0xFFFF0000, v35;
	v37 =	vand.u32 $0xFFFF0000, v37;
	v14 =	vadd.f32 v16, v15  }
0x48: {  	v19 =	vld [tilespmem:s26+$0xFFFFFFC0];
	v33 =	vadd.f32 v7, v3;
	v7 =	vshrl.u32 v15, $0x10;
	v41 =	vadd.s32 v41, v16  }
0x49: {  	v29 =	vand.u32 $0xFFFF0000, v29;
	v39 =	vand.u32 $0xFFFF0000, v39;
	v35 =	vmul.f32 v35, v0  }
0x4a: {  	v37 =	vmul.f32 v37, v1;
	v24 =	vshrl.u32 v17, $0x10;
	v40 =	vand.u32 $0x1, v7  }
0x4b: {  	v20 =	vld [tilespmem:s26+$0xFFFFFFD0];
	v41 =	vadd.s32 $0x7FFF, v41;
	v29 =	vmul.f32 v29, v1;
	v39 =	vmul.f32 v39, v1  }
0x4c: {  	v21 =	vld [tilespmem:s26+$0xFFFFFFE0];
	vm0 =	vge.f32 v33, $0.0e+00;
	v23 =	vmul.f32 $1.442695020e+00, v33;
	v42 =	vand.u32 $0x1, v24  }
0x4d: {  	v40 =	vadd.s32 v40, v15;
	v46 =	vshrl.u32 v19, $0x10;
	v41 =	vand.u32 $0xFFFF0000, v41  }
0x4e: {  	v36 =	vsel vm0, $0x3F000000, v4;
	v42 =	vadd.s32 v42, v17;
	v40 =	vadd.s32 $0x7FFF, v40  }
0x4f: {  	v61 =	vand.u32 $0x1, v46;
	v41 =	vmul.f32 v41, v1;
	v29 =	vadd.f32 v29, v35  }
0x50: {  	v24 =	vld [tilespmem:s26+$0x0];
	v23 =	vadd.f32 v36, v23;
	v36 =	vadd.s32 v60, v13;
	v47 =	vshrl.u32 v20, $0x10  }
0x51: {  	v48 =	vshrl.u32 v21, $0x10;
	v42 =	vadd.s32 $0x7FFF, v42;
	v40 =	vand.u32 $0xFFFF0000, v40  }
0x52: {  	v36 =	vadd.s32 $0x7FFF, v36;
	v62 =	vand.u32 $0x1, v47;
	v63 =	vand.u32 $0x1, v48  }
0x53: {  	v42 =	vand.u32 $0xFFFF0000, v42;
	v40 =	vmul.f32 v40, v0;
	v7 =	vtrunc.f32 v23  }
0x54: {  	v23 =	vld [tilespmem:s26+$0xFFFFFFF0];
	v36 =	vand.u32 $0xFFFF0000, v36;
	v46 =	vadd.s32 v62, v20;
	v7 =	vcvt.f32.s32 v7  }
0x55: {  	v42 =	vmul.f32 v42, v0;
	v51 =	vshrl.u32 v24, $0x10;
	v46 =	vadd.s32 $0x7FFF, v46  }
0x56: {  	v36 =	vmul.f32 v36, v0;
	v55 =	vand.u32 $0x1, v51;
	vm9 =	vgt.s32 v7, $0xFFFFFF82  }
0x57: {  	v46 =	vand.u32 $0xFFFF0000, v46;
	v37 =	vadd.f32 v37, v42;
	v44 =	vnsel vm9, $0xFFFFFF82, v7  }
0x58: {  	v48 =	vadd.s32 v55, v24;
	v51 =	vmul.f32 v46, v2;
	vm0 =	vlt.s32 v44, $0x7E  }
0x59: {  	v52 =	vadd.f32 v39, v36;
	v7 =	vld [tilespmem:s26+$0x20];
	v49 =	vshrl.u32 v23, $0x10;
	v44 =	vnsel vm0, $0x7E, v44  }
0x5a: {  	v31 =	vadd.f32 v51, v31;
	v54 =	vand.u32 $0x1, v49;
	v45 =	vcvt.s32.f32 v44  }
0x5b: {  	v60 =	vadd.s32 $0x7FFF, v48;
	v49 =	vadd.s32 v56, v22;
	v47 =	vadd.s32 v54, v23  }
0x5c: {  	v44 =	vshll.u32 v44, $0x17;
	v31 =	vadd.f32 v31, v3;
	v50 =	vmul.f32 $6.933593750e-01, v45  }
0x5d: {  	v44 =	vadd.s32 $0x3F800000, v44;
	v59 =	vadd.s32 $0x7FFF, v47;
	v47 =	vand.u32 $0xFFFF0000, v60  }
0x5e: {  	v53 =	vshrl.u32 v7, $0x10;
	v45 =	vmul.f32 $2.121944420e-04, v45;
	v33 =	vsub.f32 v33, v50  }
0x5f: {  	v55 =	vmul.f32 v47, v2;
	vm1 =	vge.f32 v31, $0.0e+00;
	v57 =	vand.u32 $0x1, v53  }
0x60: {  	v53 =	vadd.f32 v41, v40;
	v50 =	vadd.s32 v57, v7;
	v33 =	vadd.f32 v45, v33  }
0x61: {  	v62 =	vadd.s32 $0x7FFF, v50;
	v50 =	vadd.f32 v34, v43;
	v45 =	vadd.s32 v61, v19  }
0x62: {  	v61 =	vadd.s32 $0x7FFF, v49;
	v45 =	vadd.s32 $0x7FFF, v45;
	v33 =	vmul.f32 $1.442695020e+00, v33  }
0x63: {  	v48 =	vand.u32 $0xFFFF0000, v61;
	v61 =	vmul.f32 $1.442695020e+00, v31;
	v45 =	vand.u32 $0xFFFF0000, v45  }
0x64: {  	v19 =	vadd.f32 v19, v25;
	v49 =	vmul.f32 v45, v2;
	(erf) = vpow2.f32 v33  }
0x65: {  	v33 =	vadd.s32 v63, v21;
	v63 =	vand.u32 $0xFFFF0000, v62;
	v21 =	vadd.f32 v21, v6  }
0x66: {  	v33 =	vadd.s32 $0x7FFF, v33;
	v28 =	vadd.f32 v49, v30;
	v57 =	vmul.f32 v63, v2  }
0x67: {  	v30 =	vadd.f32 v55, v52;
	v52 =	vsel vm1, $0x3F000000, v4;
	v33 =	vand.u32 $0xFFFF0000, v33  }
0x68: {  	v6 =	vadd.f32 v22, v14;
	v35 =	vadd.f32 v52, v61;
	v27 =	vmul.f32 v33, v2  }
0x69: {  	v56 =	vmul.f32 v48, v2;
	v32 =	vadd.f32 v57, v37;
	v28 =	vadd.f32 v28, v3  }
0x6a: {  	v30 =	vadd.f32 v30, v3;
	v35 =	vtrunc.f32 v35;
	v27 =	vadd.f32 v27, v50  }
0x6b: {  	vm10 =	vge.f32 v28, $0.0e+00;
	v60 =	vmul.f32 $1.442695020e+00, v28;
	v32 =	vadd.f32 v32, v3  }
0x6c: {  	vm4 =	vge.f32 v30, $0.0e+00;
	v48 =	vmul.f32 $1.442695020e+00, v30;
	v35 =	vcvt.f32.s32 v35  }
0x6d: {  	v50 =	vsel vm10, $0x3F000000, v4;
	v55 =	vsel vm4, $0x3F000000, v4;
	v27 =	vadd.f32 v27, v3  }
0x6e: {  	vm11 =	vge.f32 v32, $0.0e+00;
	v51 =	vmul.f32 $1.442695020e+00, v32;
	v34 =	vadd.f32 v50, v60  }
0x6f: {  	v38 =	vadd.f32 v55, v48;
	vm13 =	vgt.s32 v35, $0xFFFFFF82;
	v57 =	vsel vm11, $0x3F000000, v4  }
0x70: {  	v35 =	vnsel vm13, $0xFFFFFF82, v35;
	v58 =	vpop (erf);
	vm2 =	vge.f32 v27, $0.0e+00;
	v62 =	vmul.f32 $1.442695020e+00, v27  }
0x71: {  	v34 =	vtrunc.f32 v34;
	v40 =	vadd.f32 v57, v51;
	v44 =	vmul.f32 v44, v58  }
0x72: {  	v58 =	vadd.f32 v56, v53;
	v53 =	vsel vm2, $0x3F000000, v4;
	v34 =	vcvt.f32.s32 v34  }
0x73: {  	v38 =	vtrunc.f32 v38;
	v36 =	vadd.f32 v53, v62;
	v40 =	vtrunc.f32 v40  }
0x74: {  	v44 =	vadd.f32 $1.000000000e+00, v44;
	v33 =	vadd.f32 v58, v3;
	vm12 =	vgt.s32 v34, $0xFFFFFF82  }
0x75: {  	v61 =	vcvt.f32.s32 v40;
	v36 =	vtrunc.f32 v36;
	v34 =	vnsel vm12, $0xFFFFFF82, v34  }
0x76: {  	vm12 =	vlt.s32 v35, $0x7E;
	(erf) = vrcp.f32 v44;
	v44 =	vand.u32 $0xFFFF0000, v59  }
0x77: {  	vm5 =	vge.f32 v33, $0.0e+00;
	v49 =	vmul.f32 $1.442695020e+00, v33;
	v26 =	vcvt.f32.s32 v36  }
0x78: {  	vm10 =	vgt.s32 v61, $0xFFFFFF82;
	vm11 =	vlt.s32 v34, $0x7E;
	v35 =	vnsel vm12, $0x7E, v35  }
0x79: {  	v54 =	vmul.f32 v44, v2;
	v56 =	vsel vm5, $0x3F000000, v4;
	v34 =	vnsel vm11, $0x7E, v34  }
0x7a: {  	v39 =	vadd.f32 v56, v49;
	vm14 =	vgt.s32 v26, $0xFFFFFF82;
	v62 =	vcvt.s32.f32 v34  }
0x7b: {  	v43 =	vshll.u32 v34, $0x17;
	v29 =	vadd.f32 v54, v29;
	v26 =	vnsel vm14, $0xFFFFFF82, v26  }
0x7c: {  	v39 =	vtrunc.f32 v39;
	vm2 =	vlt.s32 v26, $0x7E;
	v55 =	vmul.f32 $6.933593750e-01, v62  }
0x7d: {  	v62 =	vmul.f32 $2.121944420e-04, v62;
	v60 =	vcvt.f32.s32 v39;
	v39 =	vnsel vm10, $0xFFFFFF82, v61  }
0x7e: {  	v29 =	vadd.f32 v29, v3;
	v26 =	vnsel vm2, $0x7E, v26;
	vm6 =	vlt.s32 v39, $0x7E  }
0x7f: {  	v42 =	vcvt.s32.f32 v26;
	v26 =	vshll.u32 v26, $0x17;
	v28 =	vsub.f32 v28, v55  }
0x80: {  	vm3 =	vge.f32 v29, $0.0e+00;
	v63 =	vmul.f32 $1.442695020e+00, v29;
	v39 =	vnsel vm6, $0x7E, v39  }
0x81: {  	vm9 =	vgt.s32 v60, $0xFFFFFF82;
	v26 =	vadd.s32 $0x3F800000, v26;
	v47 =	vcvt.s32.f32 v39  }
0x82: {  	v54 =	vsel vm3, $0x3F000000, v4;
	v57 =	vmul.f32 $6.933593750e-01, v42;
	v42 =	vmul.f32 $2.121944420e-04, v42  }
0x83: {  	v28 =	vadd.f32 v62, v28;
	v39 =	vshll.u32 v39, $0x17;
	v59 =	vpop (erf);
	v37 =	vadd.f32 v54, v63  }
0x84: {  	v63 =	vcvt.s32.f32 v35;
	v35 =	vshll.u32 v35, $0x17;
	v10 =	vmul.f32 v59, v10  }
0x85: {  	v59 =	vcvt.f32.s32 v38;
	v38 =	vnsel vm9, $0xFFFFFF82, v60;
	v61 =	vmul.f32 $6.933593750e-01, v47  }
0x86: {  	v27 =	vsub.f32 v27, v57;
	v54 =	vmul.f32 $2.121944420e-04, v47;
	v28 =	vmul.f32 $1.442695020e+00, v28  }
0x87: {  	v37 =	vtrunc.f32 v37;
	vm5 =	vlt.s32 v38, $0x7E;
	v56 =	vmul.f32 $6.933593750e-01, v63  }
0x88: {  	v63 =	vmul.f32 $2.121944420e-04, v63;
	v58 =	vcvt.f32.s32 v37;
	vm8 =	vgt.s32 v59, $0xFFFFFF82  }
0x89: {  	v38 =	vnsel vm5, $0x7E, v38;
	v32 =	vsub.f32 v32, v61;
	v27 =	vadd.f32 v42, v27  }
0x8a: {  	(erf) = vpow2.f32 v28;
	v37 =	vnsel vm8, $0xFFFFFF82, v59;
	v45 =	vcvt.s32.f32 v38  }
0x8b: {  	v31 =	vsub.f32 v31, v56;
	v38 =	vshll.u32 v38, $0x17;
	vm15 =	vgt.s32 v58, $0xFFFFFF82  }
0x8c: {  	s28 =	simm.s32 $0xC0;
	[tilespmem:$0x1FFB0] =	vst v10;
	vm4 =	vlt.s32 v37, $0x7E;
	v32 =	vadd.f32 v54, v32;
	v27 =	vmul.f32 $1.442695020e+00, v27  }
0x8d: {  	s29 =	simm.s32 $0x1940;
	v40 =	vld [tilespmem:s28+$0x30];
	v51 =	vadd.s32 $0x3F800000, v38;
	v36 =	vnsel vm15, $0xFFFFFF82, v58;
	v37 =	vnsel vm4, $0x7E, v37  }
0x8e: {  	v41 =	vld [tilespmem:s29+$0x30];
	v60 =	vmul.f32 $6.933593750e-01, v45;
	v45 =	vmul.f32 $2.121944420e-04, v45;
	v31 =	vadd.f32 v63, v31  }
0x8f: {  	v9 =	vld [tilespmem:s29+$0xFFFFFFD0];
	v63 =	vadd.s32 $0x3F800000, v43;
	vm3 =	vlt.s32 v36, $0x7E;
	v44 =	vcvt.s32.f32 v37  }
0x90: {  	v37 =	vshll.u32 v37, $0x17;
	v32 =	vmul.f32 $1.442695020e+00, v32;
	v36 =	vnsel vm3, $0x7E, v36  }
0x91: {  	v33 =	vsub.f32 v33, v60;
	v31 =	vmul.f32 $1.442695020e+00, v31;
	v50 =	vadd.s32 $0x3F800000, v37  }
0x92: {  	v34 =	vcvt.s32.f32 v36;
	v36 =	vshll.u32 v36, $0x17;
	v59 =	vmul.f32 $6.933593750e-01, v44  }
0x93: {  	v44 =	vmul.f32 $2.121944420e-04, v44;
	v55 =	vshrl.u32 v40, $0x10;
	v56 =	vshrl.u32 v41, $0x10  }
0x94: {  	v14 =	vld [tilespmem:s29+$0xFFFFFFF0];
	v54 =	vshrl.u32 v9, $0x10;
	v57 =	vand.u32 $0x1, v55;
	v33 =	vadd.f32 v45, v33  }
0x95: {  	s30 =	simm.s32 $0x31C0;
	(erf) = vpow2.f32 v31;
	v58 =	vmul.f32 $6.933593750e-01, v34;
	v30 =	vsub.f32 v30, v59  }
0x96: {  	v48 =	vadd.s32 $0x3F800000, v36;
	v53 =	vmul.f32 $2.121944420e-04, v34;
	v34 =	vld [tilespmem:s30+$0x30];
	(erf) = vpow2.f32 v27  }
0x97: {  	v33 =	vmul.f32 $1.442695020e+00, v33;
	v15 =	vpop (erf);
	v29 =	vsub.f32 v29, v58;
	v30 =	vadd.f32 v44, v30  }
0x98: {  	v58 =	vand.u32 $0x1, v56;
	v44 =	vadd.s32 v57, v40;
	v15 =	vmul.f32 v63, v15  }
0x99: {  	v10 =	vld [tilespmem:s28+$0xFFFFFFD0];
	v57 =	vshrl.u32 v14, $0x10;
	v40 =	vadd.f32 v41, v40;
	v46 =	vadd.s32 v58, v41  }
0x9a: {  	v44 =	vadd.s32 $0x7FFF, v44;
	v29 =	vadd.f32 v53, v29;
	v46 =	vadd.s32 $0x7FFF, v46  }
0x9b: {  	v44 =	vand.u32 $0xFFFF0000, v44;
	v30 =	vmul.f32 $1.442695020e+00, v30;
	v59 =	vshrl.u32 v34, $0x10  }
0x9c: {  	v46 =	vand.u32 $0xFFFF0000, v46;
	v44 =	vmul.f32 v44, v0;
	v47 =	vand.u32 $0x1, v59  }
0x9d: {  	v46 =	vmul.f32 v46, v1;
	v29 =	vmul.f32 $1.442695020e+00, v29;
	v47 =	vadd.s32 v47, v34  }
0x9e: {  	v53 =	vshrl.u32 v10, $0x10;
	v34 =	vadd.f32 v34, v40;
	v47 =	vadd.s32 $0x7FFF, v47  }
0x9f: {  	v61 =	vadd.f32 v46, v44;
	(erf) = vpow2.f32 v29;
	v29 =	vand.u32 $0x1, v53  }
0xa0: {  	v60 =	vand.u32 $0xFFFF0000, v47;
	v47 =	vadd.s32 $0x3F800000, v35;
	v35 =	vadd.f32 v18, v17  }
0xa1: {  	(erf) = vpow2.f32 v30;
	v18 =	vadd.f32 v20, v5;
	v20 =	vadd.f32 v23, v11;
	v11 =	vld [tilespmem:s28+$0xFFFFFFE0]  }
0xa2: {  	v16 =	vpop (erf);
	v5 =	vadd.f32 v24, v12;
	v12 =	vld [tilespmem:s29+$0xFFFFFFE0];
	v24 =	vadd.f32 $1.000000000e+00, v15;
	v30 =	vand.u32 $0x1, v54  }
0xa3: {  	v23 =	vpop (erf);
	v54 =	vadd.s32 v29, v10;
	v62 =	vmul.f32 v60, v2;
	(erf) = vpow2.f32 v33;
	v33 =	vld [tilespmem:s29+$0xFFFFFFC0]  }
0xa4: {  	v16 =	vmul.f32 v47, v16;
	v23 =	vmul.f32 v26, v23;
	v54 =	vadd.s32 $0x7FFF, v54  }
0xa5: {  	(erf) = vpow2.f32 v32;
	v54 =	vand.u32 $0xFFFF0000, v54;
	v42 =	vadd.f32 v62, v61  }
0xa6: {  	v7 =	vadd.f32 v7, v35;
	v26 =	vadd.f32 $1.000000000e+00, v16;
	v54 =	vmul.f32 v54, v0  }
0xa7: {  	v16 =	vld [tilespmem:s29+$0x0];
	v44 =	vadd.f32 v42, v3;
	v42 =	vadd.f32 $1.000000000e+00, v23;
	v55 =	vshrl.u32 v11, $0x10  }
0xa8: {  	v56 =	vshrl.u32 v12, $0x10;
	v52 =	vshrl.u32 v33, $0x10;
	v31 =	vand.u32 $0x1, v55  }
0xa9: {  	v32 =	vand.u32 $0x1, v56;
	v55 =	vadd.s32 v30, v9;
	v9 =	vadd.f32 v9, v10  }
0xaa: {  	vm13 =	vge.f32 v44, $0.0e+00;
	v27 =	vmul.f32 $1.442695020e+00, v44;
	v28 =	vand.u32 $0x1, v52  }
0xab: {  	v56 =	vadd.s32 v31, v11;
	v55 =	vadd.s32 $0x7FFF, v55;
	v11 =	vadd.f32 v12, v11  }
0xac: {  	v49 =	vsel vm13, $0x3F000000, v4;
	v61 =	vshrl.u32 v16, $0x10;
	v53 =	vadd.s32 v28, v33  }
0xad: {  	v22 =	vpop (erf);
	v56 =	vadd.s32 $0x7FFF, v56;
	v55 =	vand.u32 $0xFFFF0000, v55;
	v27 =	vadd.f32 v49, v27  }
0xae: {  	v30 =	vld [tilespmem:s30+$0x20];
	v15 =	vpop (erf);
	v22 =	vmul.f32 v48, v22;
	(erf) = vrcp.f32 v24;
	v46 =	vand.u32 $0x1, v61  }
0xaf: {  	v53 =	vadd.s32 $0x7FFF, v53;
	v56 =	vand.u32 $0xFFFF0000, v56;
	v55 =	vmul.f32 v55, v1  }
0xb0: {  	v36 =	vmul.f32 v50, v15;
	(erf) = vrcp.f32 v26;
	v46 =	vadd.s32 v46, v16  }
0xb1: {  	v23 =	vpop (erf);
	v53 =	vand.u32 $0xFFFF0000, v53;
	v56 =	vmul.f32 v56, v0;
	v8 =	vtrunc.f32 v27  }
0xb2: {  	v15 =	vld [tilespmem:s28+$0x0];
	v27 =	vadd.s32 $0x3F800000, v39;
	v43 =	vadd.f32 $1.000000000e+00, v22;
	v37 =	vmul.f32 v51, v23  }
0xb3: {  	v23 =	vpop (erf);
	v22 =	vld [tilespmem:s28+$0x10];
	v53 =	vmul.f32 v53, v1;
	v41 =	vshrl.u32 v30, $0x10;
	v46 =	vadd.s32 $0x7FFF, v46  }
0xb4: {  	v39 =	vld [tilespmem:s28+$0xFFFFFFC0];
	v55 =	vadd.f32 v55, v54;
	v13 =	vcvt.f32.s32 v8;
	v38 =	vmul.f32 v27, v23  }
0xb5: {  	v41 =	vand.u32 $0x1, v41;
	v46 =	vand.u32 $0xFFFF0000, v46;
	v36 =	vadd.f32 $1.000000000e+00, v36  }
0xb6: {  	v41 =	vadd.s32 v41, v30;
	v46 =	vmul.f32 v46, v1;
	vm14 =	vgt.s32 v13, $0xFFFFFF82  }
0xb7: {  	v35 =	vadd.f32 $1.000000000e+00, v37;
	v41 =	vadd.s32 $0x7FFF, v41;
	v17 =	vnsel vm14, $0xFFFFFF82, v13  }
0xb8: {  	v58 =	vshrl.u32 v15, $0x10;
	v41 =	vand.u32 $0xFFFF0000, v41;
	vm0 =	vlt.s32 v17, $0x7E  }
0xb9: {  	v62 =	vshrl.u32 v22, $0x10;
	v60 =	vshrl.u32 v39, $0x10;
	v45 =	vand.u32 $0x1, v58  }
0xba: {  	v58 =	vadd.s32 v32, v12;
	v41 =	vmul.f32 v41, v2;
	v33 =	vadd.f32 v33, v39  }
0xbb: {  	v17 =	vnsel vm0, $0x7E, v17;
	v50 =	vand.u32 $0x1, v60;
	v47 =	vand.u32 $0x1, v62  }
0xbc: {  	v45 =	vadd.s32 v45, v15;
	v58 =	vadd.s32 $0x7FFF, v58;
	v25 =	vcvt.s32.f32 v17  }
0xbd: {  	v13 =	vld [tilespmem:s28+$0xFFFFFFF0];
	v50 =	vadd.s32 v50, v39;
	v17 =	vshll.u32 v17, $0x17;
	v47 =	vadd.s32 v47, v22  }
0xbe: {  	v45 =	vadd.s32 $0x7FFF, v45;
	v58 =	vand.u32 $0xFFFF0000, v58;
	v17 =	vadd.s32 $0x3F800000, v17  }
0xbf: {  	v29 =	vld [tilespmem:s30+$0x10];
	v50 =	vadd.s32 $0x7FFF, v50;
	v47 =	vadd.s32 $0x7FFF, v47;
	v58 =	vmul.f32 v58, v1  }
0xc0: {  	v23 =	vld [tilespmem:s29+$0x10];
	v45 =	vand.u32 $0xFFFF0000, v45;
	v24 =	vmul.f32 $6.933593750e-01, v25;
	v27 =	vmul.f32 $2.121944420e-04, v25  }
0xc1: {  	v50 =	vand.u32 $0xFFFF0000, v50;
	v47 =	vand.u32 $0xFFFF0000, v47;
	v45 =	vmul.f32 v45, v0  }
0xc2: {  	v25 =	vld [tilespmem:s29+$0x20];
	v12 =	vadd.f32 v14, v13;
	v50 =	vmul.f32 v50, v0;
	v47 =	vmul.f32 v47, v0  }
0xc3: {  	v56 =	vadd.f32 v58, v56;
	v26 =	vsub.f32 v44, v24;
	v44 =	vand.u32 $0x1, v57  }
0xc4: {  	v45 =	vadd.f32 v46, v45;
	v44 =	vadd.s32 v44, v14;
	v50 =	vadd.f32 v53, v50  }
0xc5: {  	v24 =	vld [tilespmem:s28+$0x20];
	v53 =	vshrl.u32 v29, $0x10;
	v14 =	vadd.f32 v16, v15;
	v15 =	vadd.f32 v23, v22  }
0xc6: {  	v26 =	vadd.f32 v27, v26;
	v27 =	vshrl.u32 v13, $0x10;
	v44 =	vadd.s32 $0x7FFF, v44  }
0xc7: {  	v53 =	vand.u32 $0x1, v53;
	v63 =	vand.u32 $0x1, v27;
	v59 =	vshrl.u32 v25, $0x10  }
0xc8: {  	v44 =	vand.u32 $0xFFFF0000, v44;
	v53 =	vadd.s32 v53, v29;
	v26 =	vmul.f32 $1.442695020e+00, v26  }
0xc9: {  	v28 =	vld [tilespmem:s30+$0xFFFFFFE0];
	v49 =	vand.u32 $0x1, v59;
	v48 =	vadd.s32 v63, v13;
	v44 =	vmul.f32 v44, v1  }
0xca: {  	v53 =	vadd.s32 $0x7FFF, v53;
	v27 =	vshrl.u32 v24, $0x10;
	v49 =	vadd.s32 v49, v25  }
0xcb: {  	v48 =	vadd.s32 $0x7FFF, v48;
	v53 =	vand.u32 $0xFFFF0000, v53;
	v16 =	vadd.f32 v25, v24  }
0xcc: {  	(erf) = vpow2.f32 v26;
	v26 =	vshrl.u32 v23, $0x10;
	v62 =	vand.u32 $0x1, v27  }
0xcd: {  	v49 =	vadd.s32 $0x7FFF, v49;
	v48 =	vand.u32 $0xFFFF0000, v48;
	v61 =	vand.u32 $0x1, v26  }
0xce: {  	v27 =	vld [tilespmem:s30+$0xFFFFFFC0];
	v52 =	vadd.s32 v62, v24;
	v62 =	vshrl.u32 v28, $0x10;
	v49 =	vand.u32 $0xFFFF0000, v49  }
0xcf: {  	v26 =	vld [tilespmem:s30+$0xFFFFFFD0];
	v48 =	vmul.f32 v48, v0;
	v51 =	vadd.s32 v61, v23;
	v52 =	vadd.s32 $0x7FFF, v52  }
0xd0: {  	v62 =	vand.u32 $0x1, v62;
	v49 =	vmul.f32 v49, v1;
	v51 =	vadd.s32 $0x7FFF, v51  }
0xd1: {  	v52 =	vand.u32 $0xFFFF0000, v52;
	v62 =	vadd.s32 v62, v28;
	v44 =	vadd.f32 v44, v48  }
0xd2: {  	v51 =	vand.u32 $0xFFFF0000, v51;
	v62 =	vadd.s32 $0x7FFF, v62;
	v52 =	vmul.f32 v52, v0  }
0xd3: {  	v31 =	vld [tilespmem:s30+$0xFFFFFFF0];
	v60 =	vshrl.u32 v27, $0x10;
	v51 =	vmul.f32 v51, v1;
	v62 =	vand.u32 $0xFFFF0000, v62  }
0xd4: {  	v61 =	vshrl.u32 v26, $0x10;
	v60 =	vand.u32 $0x1, v60;
	v40 =	vmul.f32 v62, v2  }
0xd5: {  	v57 =	vpop (erf);
	v49 =	vadd.f32 v49, v52;
	v61 =	vand.u32 $0x1, v61;
	v60 =	vadd.s32 v60, v27  }
0xd6: {  	v59 =	vpop (erf);
	v46 =	vadd.f32 v51, v47;
	v61 =	vadd.s32 v61, v26;
	v60 =	vadd.s32 $0x7FFF, v60  }
0xd7: {  	v40 =	vadd.f32 v40, v56;
	v41 =	vadd.f32 v41, v49;
	v63 =	vpop (erf);
	v61 =	vadd.s32 $0x7FFF, v61  }
0xd8: {  	v60 =	vand.u32 $0xFFFF0000, v60;
	v17 =	vmul.f32 v17, v63;
	v63 =	vshrl.u32 v31, $0x10  }
0xd9: {  	v32 =	vld [tilespmem:s30+$0x0];
	v61 =	vand.u32 $0xFFFF0000, v61;
	v60 =	vmul.f32 v60, v2;
	v40 =	vadd.f32 v40, v3  }
0xda: {  	v41 =	vadd.f32 v41, v3;
	v63 =	vand.u32 $0x1, v63;
	v58 =	vmul.f32 v61, v2  }
0xdb: {  	v17 =	vadd.f32 $1.000000000e+00, v17;
	v63 =	vadd.s32 v63, v31;
	v62 =	vadd.f32 v60, v50  }
0xdc: {  	vm9 =	vge.f32 v40, $0.0e+00;
	v47 =	vmul.f32 $1.442695020e+00, v40;
	vm13 =	vge.f32 v41, $0.0e+00  }
0xdd: {  	v63 =	vadd.s32 $0x7FFF, v63;
	v52 =	vadd.f32 v58, v55;
	v55 =	vsel vm9, $0x3F000000, v4  }
0xde: {  	(erf) = vrcp.f32 v17;
	v17 =	vshrl.u32 v32, $0x10;
	v63 =	vand.u32 $0xFFFF0000, v63  }
0xdf: {  	v47 =	vadd.f32 v55, v47;
	v17 =	vand.u32 $0x1, v17;
	v61 =	vmul.f32 v63, v2  }
0xe0: {  	v63 =	vmul.f32 v53, v2;
	(erf) = vrcp.f32 v42;
	v17 =	vadd.s32 v17, v32  }
0xe1: {  	(erf) = vrcp.f32 v43;
	v43 =	vadd.f32 v62, v3;
	v17 =	vadd.s32 $0x7FFF, v17  }
0xe2: {  	v44 =	vadd.f32 v61, v44;
	v53 =	vadd.f32 v63, v46;
	v17 =	vand.u32 $0xFFFF0000, v17  }
0xe3: {  	v60 =	vsel vm13, $0x3F000000, v4;
	v47 =	vtrunc.f32 v47;
	v17 =	vmul.f32 v17, v2  }
0xe4: {  	vm15 =	vge.f32 v43, $0.0e+00;
	v44 =	vadd.f32 v44, v3;
	v42 =	vadd.f32 v53, v3  }
0xe5: {  	v51 =	vsel vm15, $0x3F000000, v4;
	v17 =	vadd.f32 v17, v45;
	v45 =	vadd.f32 v52, v3  }
0xe6: {  	vm10 =	vge.f32 v44, $0.0e+00;
	v48 =	vmul.f32 $1.442695020e+00, v44;
	vm12 =	vge.f32 v42, $0.0e+00  }
0xe7: {  	v50 =	vmul.f32 $1.442695020e+00, v42;
	v52 =	vmul.f32 $1.442695020e+00, v41;
	v56 =	vsel vm10, $0x3F000000, v4  }
0xe8: {  	v54 =	vpop (erf);
	v17 =	vadd.f32 v17, v3;
	vm8 =	vge.f32 v45, $0.0e+00;
	v46 =	vmul.f32 $1.442695020e+00, v45  }
0xe9: {  	v48 =	vadd.f32 v56, v48;
	v55 =	vadd.f32 v60, v52;
	v8 =	vmul.f32 v54, v34  }
0xea: {  	v34 =	vmul.f32 $1.442695020e+00, v43;
	v53 =	vsel vm8, $0x3F000000, v4;
	v54 =	vpop (erf);
	vm11 =	vge.f32 v17, $0.0e+00  }
0xeb: {  	v49 =	vmul.f32 $1.442695020e+00, v17;
	v46 =	vadd.f32 v53, v46;
	v54 =	vmul.f32 v54, v21  }
0xec: {  	v48 =	vtrunc.f32 v48;
	[tilespmem:$0x1FFC0] =	vst v8;
	v8 =	vmul.f32 v57, v19;
	v58 =	vsel vm11, $0x3F000000, v4  }
0xed: {  	v34 =	vadd.f32 v51, v34;
	v51 =	vtrunc.f32 v55;
	v57 =	vcvt.f32.s32 v47  }
0xee: {  	v49 =	vadd.f32 v58, v49;
	v46 =	vtrunc.f32 v46;
	v58 =	vcvt.f32.s32 v48  }
0xef: {  	[tilespmem:$0x1FFD0] =	vst v8;
	v8 =	vmul.f32 v59, v18;
	v59 =	vsel vm12, $0x3F000000, v4;
	v34 =	vtrunc.f32 v34  }
0xf0: {  	v46 =	vcvt.f32.s32 v46;
	vm8 =	vgt.s32 v57, $0xFFFFFF82;
	v50 =	vadd.f32 v59, v50  }
0xf1: {  	v61 =	vpop (erf);
	v49 =	vtrunc.f32 v49;
	v56 =	vcvt.f32.s32 v34;
	v34 =	vadd.f32 $1.000000000e+00, v38  }
0xf2: {  	vm9 =	vgt.s32 v58, $0xFFFFFF82;
	v38 =	vnsel vm8, $0xFFFFFF82, v57;
	[tilespmem:$0x1FFE0] =	vst v8;
	v8 =	vmul.f32 v61, v20  }
0xf3: {  	v59 =	vcvt.f32.s32 v49;
	vm15 =	vgt.s32 v46, $0xFFFFFF82;
	v61 =	vcvt.f32.s32 v51  }
0xf4: {  	v39 =	vnsel vm9, $0xFFFFFF82, v58;
	vm2 =	vlt.s32 v38, $0x7E;
	v50 =	vtrunc.f32 v50  }
0xf5: {  	vm14 =	vgt.s32 v56, $0xFFFFFF82;
	v46 =	vnsel vm15, $0xFFFFFF82, v46;
	vm3 =	vlt.s32 v39, $0x7E  }
0xf6: {  	v38 =	vnsel vm2, $0x7E, v38;
	v60 =	vcvt.f32.s32 v50;
	vm10 =	vgt.s32 v59, $0xFFFFFF82  }
0xf7: {  	v37 =	vnsel vm14, $0xFFFFFF82, v56;
	vm12 =	vgt.s32 v61, $0xFFFFFF82;
	vm14 =	vlt.s32 v46, $0x7E  }
0xf8: {  	v39 =	vnsel vm3, $0x7E, v39;
	v53 =	vcvt.s32.f32 v38;
	v38 =	vshll.u32 v38, $0x17  }
0xf9: {  	v47 =	vnsel vm10, $0xFFFFFF82, v59;
	vm13 =	vlt.s32 v37, $0x7E;
	v49 =	vnsel vm12, $0xFFFFFF82, v61  }
0xfa: {  	v46 =	vnsel vm14, $0x7E, v46;
	v55 =	vcvt.s32.f32 v39;
	v39 =	vshll.u32 v39, $0x17  }
0xfb: {  	v38 =	vadd.s32 $0x3F800000, v38;
	vm11 =	vgt.s32 v60, $0xFFFFFF82;
	vm4 =	vlt.s32 v47, $0x7E  }
0xfc: {  	vm15 =	vlt.s32 v49, $0x7E;
	v37 =	vnsel vm13, $0x7E, v37;
	v52 =	vcvt.s32.f32 v46  }
0xfd: {  	v46 =	vshll.u32 v46, $0x17;
	v39 =	vadd.s32 $0x3F800000, v39;
	v48 =	vnsel vm11, $0xFFFFFF82, v60  }
0xfe: {  	v50 =	vnsel vm4, $0x7E, v47;
	v60 =	vmul.f32 $6.933593750e-01, v53;
	v61 =	vmul.f32 $6.933593750e-01, v55  }
0xff: {  	v49 =	vnsel vm15, $0x7E, v49;
	v53 =	vmul.f32 $2.121944420e-04, v53;
	v55 =	vmul.f32 $2.121944420e-04, v55  }
0x100: {  	vm5 =	vlt.s32 v48, $0x7E;
	v56 =	vcvt.s32.f32 v50;
	v58 =	vcvt.s32.f32 v49  }
0x101: {  	v59 =	vmul.f32 $6.933593750e-01, v52;
	v52 =	vmul.f32 $2.121944420e-04, v52;
	v50 =	vshll.u32 v50, $0x17  }
0x102: {  	v49 =	vshll.u32 v49, $0x17;
	v51 =	vnsel vm5, $0x7E, v48;
	v48 =	vcvt.s32.f32 v37  }
0x103: {  	v37 =	vshll.u32 v37, $0x17;
	v40 =	vsub.f32 v40, v60;
	v60 =	vsub.f32 v44, v61  }
0x104: {  	s6 =	simm.s32 $0x3240;
	[tilespmem:$0x1FFF0] =	vst v8;
	v10 =	vadd.s32 $0x3F800000, v49;
	v57 =	vcvt.s32.f32 v51;
	v62 =	vmul.f32 $6.933593750e-01, v56  }
0x105: {  	v44 =	vld [tilespmem:s6+$0x30];
	v45 =	vsub.f32 v45, v59;
	v63 =	vmul.f32 $6.933593750e-01, v58;
	v51 =	vshll.u32 v51, $0x17  }
0x106: {  	s5 =	simm.s32 $0x19C0;
	v47 =	vmul.f32 $6.933593750e-01, v48;
	v8 =	vmul.f32 $2.121944420e-04, v48;
	v40 =	vadd.f32 v53, v40  }
0x107: {  	v48 =	vld [tilespmem:s5+$0x30];
	v55 =	vadd.f32 v55, v60;
	v51 =	vadd.s32 $0x3F800000, v51;
	v17 =	vsub.f32 v17, v62  }
0x108: {  	v59 =	vmul.f32 $6.933593750e-01, v57;
	v41 =	vsub.f32 v41, v63;
	v45 =	vadd.f32 v52, v45  }
0x109: {  	s31 =	simm.s32 $0x140;
	v52 =	vmul.f32 $2.121944420e-04, v58;
	v43 =	vsub.f32 v43, v47;
	v40 =	vmul.f32 $1.442695020e+00, v40  }
0x10a: {  	v47 =	vld [tilespmem:s31+$0x30];
	v42 =	vsub.f32 v42, v59;
	v61 =	vshrl.u32 v44, $0x10;
	v45 =	vmul.f32 $1.442695020e+00, v45  }
0x10b: {  	v41 =	vadd.f32 v52, v41;
	v8 =	vadd.f32 v8, v43;
	v43 =	vmul.f32 $2.121944420e-04, v56  }
0x10c: {  	v56 =	vmul.f32 $2.121944420e-04, v57;
	v58 =	vand.u32 $0x1, v61;
	v63 =	vshrl.u32 v48, $0x10  }
0x10d: {  	v58 =	vadd.s32 v58, v44;
	v41 =	vmul.f32 $1.442695020e+00, v41;
	v8 =	vmul.f32 $1.442695020e+00, v8  }
0x10e: {  	v57 =	vand.u32 $0x1, v63;
	v58 =	vadd.s32 $0x7FFF, v58;
	v17 =	vadd.f32 v43, v17  }
0x10f: {  	v42 =	vadd.f32 v56, v42;
	v63 =	vmul.f32 $1.442695020e+00, v55;
	v62 =	vshrl.u32 v47, $0x10  }
0x110: {  	v55 =	vadd.s32 $0x3F800000, v46;
	v57 =	vadd.s32 v57, v48;
	v53 =	vand.u32 $0x1, v62  }
0x111: {  	v57 =	vadd.s32 $0x7FFF, v57;
	(erf) = vpow2.f32 v8;
	v53 =	vadd.s32 v53, v47  }
0x112: {  	v17 =	vmul.f32 $1.442695020e+00, v17;
	(erf) = vpow2.f32 v45;
	v53 =	vadd.s32 $0x7FFF, v53  }
0x113: {  	v57 =	vand.u32 $0xFFFF0000, v57;
	(erf) = vpow2.f32 v40;
	v53 =	vand.u32 $0xFFFF0000, v53  }
0x114: {  	v62 =	vand.u32 $0xFFFF0000, v58;
	v57 =	vmul.f32 v57, v1;
	v53 =	vmul.f32 v53, v0  }
0x115: {  	v42 =	vmul.f32 $1.442695020e+00, v42;
	v45 =	vadd.f32 v27, v33;
	v33 =	vld [tilespmem:s5+$0x0];
	(erf) = vpow2.f32 v63  }
0x116: {  	v43 =	vmul.f32 v62, v2;
	(erf) = vpow2.f32 v17;
	v53 =	vadd.f32 v57, v53  }
0x117: {  	v48 =	vadd.f32 v48, v47;
	(erf) = vpow2.f32 v42;
	v42 =	vadd.f32 v31, v12;
	v31 =	vld [tilespmem:s5+$0xFFFFFFF0]  }
0x118: {  	v46 =	vadd.f32 v26, v9;
	v8 =	vadd.s32 $0x3F800000, v37;
	v43 =	vadd.f32 v43, v53  }
0x119: {  	v48 =	vadd.f32 v44, v48;
	v57 =	vadd.s32 $0x3F800000, v50;
	(erf) = vpow2.f32 v41  }
0x11a: {  	v25 =	vld [tilespmem:s31+$0xFFFFFFE0];
	v62 =	vshrl.u32 v33, $0x10;
	(erf) = vrcp.f32 v36;
	v9 =	vpop (erf);
	v53 =	vadd.f32 v43, v3  }
0x11b: {  	v36 =	vld [tilespmem:s31+$0x20];
	(erf) = vrcp.f32 v35;
	v12 =	vmul.f32 v8, v9;
	v9 =	vpop (erf);
	v8 =	vadd.f32 v29, v15  }
0x11c: {  	v61 =	vshrl.u32 v31, $0x10;
	v15 =	vpop (erf);
	vm7 =	vge.f32 v53, $0.0e+00;
	v43 =	vmul.f32 $1.442695020e+00, v53  }
0x11d: {  	v12 =	vadd.f32 $1.000000000e+00, v12;
	v15 =	vmul.f32 v38, v15;
	v56 =	vsel vm7, $0x3F000000, v4  }
0x11e: {  	v35 =	vld [tilespmem:s5+$0x10];
	(erf) = vrcp.f32 v34;
	v40 =	vand.u32 $0x1, v61;
	v43 =	vadd.f32 v56, v43  }
0x11f: {  	v50 =	vadd.f32 $1.000000000e+00, v15;
	(erf) = vrcp.f32 v12;
	v15 =	vshrl.u32 v25, $0x10  }
0x120: {  	v38 =	vld [tilespmem:s31+$0xFFFFFFC0];
	v56 =	vshrl.u32 v36, $0x10;
	v15 =	vand.u32 $0x1, v15;
	v17 =	vtrunc.f32 v43  }
0x121: {  	v56 =	vand.u32 $0x1, v56;
	v43 =	vadd.f32 v28, v11;
	v13 =	vcvt.f32.s32 v17  }
0x122: {  	v11 =	vadd.f32 v32, v14;
	v14 =	vmul.f32 v55, v9;
	v9 =	vadd.f32 v30, v16  }
0x123: {  	v37 =	vld [tilespmem:s5+$0x20];
	v16 =	vpop (erf);
	v55 =	vshrl.u32 v35, $0x10;
	v15 =	vadd.s32 v15, v25;
	vm8 =	vgt.s32 v13, $0xFFFFFF82  }
0x124: {  	v56 =	vadd.s32 v56, v36;
	v49 =	vmul.f32 v39, v16;
	v13 =	vnsel vm8, $0xFFFFFF82, v13  }
0x125: {  	v26 =	vld [tilespmem:s5+$0xFFFFFFE0];
	v63 =	vshrl.u32 v38, $0x10;
	v55 =	vand.u32 $0x1, v55;
	vm0 =	vlt.s32 v13, $0x7E  }
0x126: {  	v16 =	vpop (erf);
	v15 =	vadd.s32 $0x7FFF, v15;
	v56 =	vadd.s32 $0x7FFF, v56;
	v17 =	vnsel vm0, $0x7E, v13  }
0x127: {  	v14 =	vadd.f32 $1.000000000e+00, v14;
	v27 =	vmul.f32 v57, v16;
	v13 =	vcvt.s32.f32 v17  }
0x128: {  	v23 =	vld [tilespmem:s5+$0xFFFFFFC0];
	v16 =	vpop (erf);
	v57 =	vshrl.u32 v37, $0x10;
	v55 =	vadd.s32 v55, v35;
	v15 =	vand.u32 $0xFFFF0000, v15  }
0x129: {  	v24 =	vld [tilespmem:s5+$0xFFFFFFD0];
	v56 =	vand.u32 $0xFFFF0000, v56;
	v29 =	vmul.f32 v51, v16;
	v58 =	vmul.f32 $6.933593750e-01, v13  }
0x12a: {  	v28 =	vld [tilespmem:s31+$0xFFFFFFF0];
	v16 =	vshrl.u32 v26, $0x10;
	v57 =	vand.u32 $0x1, v57;
	v15 =	vmul.f32 v15, v0  }
0x12b: {  	v32 =	vld [tilespmem:s31+$0x0];
	v55 =	vadd.s32 $0x7FFF, v55;
	v13 =	vmul.f32 $2.121944420e-04, v13;
	v59 =	vsub.f32 v53, v58  }
0x12c: {  	v12 =	vpop (erf);
	v56 =	vmul.f32 v56, v0;
	v49 =	vadd.f32 $1.000000000e+00, v49;
	(erf) = vrcp.f32 v14  }
0x12d: {  	v30 =	vmul.f32 v10, v12;
	v12 =	vshrl.u32 v23, $0x10;
	v10 =	vadd.f32 v13, v59  }
0x12e: {  	v22 =	vld [tilespmem:s31+$0xFFFFFFD0];
	v14 =	vshrl.u32 v24, $0x10;
	v16 =	vand.u32 $0x1, v16;
	v55 =	vand.u32 $0xFFFF0000, v55  }
0x12f: {  	v60 =	vshrl.u32 v28, $0x10;
	v41 =	vand.u32 $0x1, v12;
	v10 =	vmul.f32 $1.442695020e+00, v10  }
0x130: {  	v12 =	vshrl.u32 v32, $0x10;
	v16 =	vadd.s32 v16, v26;
	v39 =	vand.u32 $0x1, v60  }
0x131: {  	v34 =	vld [tilespmem:s31+$0x10];
	v60 =	vand.u32 $0x1, v62;
	v41 =	vadd.s32 v41, v23;
	(erf) = vpow2.f32 v10  }
0x132: {  	v16 =	vadd.s32 $0x7FFF, v16;
	v17 =	vshll.u32 v17, $0x17;
	v60 =	vadd.s32 v60, v33  }
0x133: {  	v62 =	vadd.s32 v39, v28;
	v60 =	vadd.s32 $0x7FFF, v60;
	v13 =	vshrl.u32 v22, $0x10  }
0x134: {  	v16 =	vand.u32 $0xFFFF0000, v16;
	v17 =	vadd.s32 $0x3F800000, v17;
	v60 =	vand.u32 $0xFFFF0000, v60  }
0x135: {  	v16 =	vmul.f32 v16, v1;
	v60 =	vmul.f32 v60, v1;
	v10 =	vand.u32 $0x1, v14;
	v14 =	vpop (erf)  }
0x136: {  	v53 =	vshrl.u32 v34, $0x10;
	v58 =	vand.u32 $0x1, v63;
	v52 =	vand.u32 $0x1, v13;
	v13 =	vpop (erf)  }
0x137: {  	v63 =	vadd.s32 v40, v31;
	v53 =	vand.u32 $0x1, v53;
	v59 =	vand.u32 $0x1, v12;
	v12 =	vpop (erf)  }
0x138: {  	v58 =	vadd.s32 v58, v38;
	v53 =	vadd.s32 v53, v34;
	v59 =	vadd.s32 v59, v32;
	v51 =	vpop (erf)  }
0x139: {  	v53 =	vadd.s32 $0x7FFF, v53;
	v61 =	vadd.s32 v52, v22;
	v59 =	vadd.s32 $0x7FFF, v59;
	v52 =	vpop (erf)  }
0x13a: {  	v53 =	vand.u32 $0xFFFF0000, v53;
	v61 =	vadd.s32 $0x7FFF, v61;
	v59 =	vand.u32 $0xFFFF0000, v59;
	v39 =	vpop (erf)  }
0x13b: {  	v59 =	vmul.f32 v59, v0;
	v10 =	vadd.s32 v10, v24;
	v17 =	vmul.f32 v17, v39  }
0x13c: {  	v10 =	vadd.s32 $0x7FFF, v10;
	v39 =	vadd.s32 $0x7FFF, v58;
	v58 =	vadd.s32 $0x7FFF, v41  }
0x13d: {  	v41 =	vld [tilespmem:s6+$0xFFFFFFC0];
	v39 =	vand.u32 $0xFFFF0000, v39;
	v40 =	vand.u32 $0xFFFF0000, v58;
	v17 =	vadd.f32 $1.000000000e+00, v17  }
0x13e: {  	v10 =	vand.u32 $0xFFFF0000, v10;
	v58 =	vmul.f32 v39, v0;
	v40 =	vmul.f32 v40, v1  }
0x13f: {  	v59 =	vadd.f32 v60, v59;
	v10 =	vmul.f32 v10, v1;
	(erf) = vrcp.f32 v17  }
0x140: {  	v17 =	vadd.s32 v57, v37;
	v58 =	vadd.f32 v40, v58;
	v57 =	vand.u32 $0xFFFF0000, v61  }
0x141: {  	v39 =	vld [tilespmem:s6+$0xFFFFFFD0];
	v61 =	vadd.f32 v16, v15;
	v16 =	vadd.s32 $0x7FFF, v62;
	v62 =	vadd.s32 $0x7FFF, v63  }
0x142: {  	v57 =	vmul.f32 v57, v0;
	v47 =	vshrl.u32 v41, $0x10;
	v17 =	vadd.s32 $0x7FFF, v17  }
0x143: {  	v16 =	vand.u32 $0xFFFF0000, v16;
	v62 =	vand.u32 $0xFFFF0000, v62;
	(erf) = vrcp.f32 v50  }
0x144: {  	v40 =	vld [tilespmem:s6+$0xFFFFFFE0];
	v47 =	vand.u32 $0x1, v47;
	v16 =	vmul.f32 v16, v0;
	v62 =	vmul.f32 v62, v1  }
0x145: {  	v17 =	vand.u32 $0xFFFF0000, v17;
	(erf) = vrcp.f32 v49;
	v49 =	vmul.f32 v51, v45  }
0x146: {  	v45 =	vmul.f32 v52, v46;
	v10 =	vadd.f32 v10, v57;
	v57 =	vshrl.u32 v39, $0x10  }
0x147: {  	v63 =	vadd.s32 v47, v41;
	v17 =	vmul.f32 v17, v1;
	v57 =	vand.u32 $0x1, v57  }
0x148: {  	v47 =	vld [tilespmem:s6+$0xFFFFFFF0];
	v62 =	vadd.f32 v62, v16;
	v16 =	vmul.f32 v53, v0;
	v53 =	vmul.f32 v55, v1  }
0x149: {  	v44 =	vld [tilespmem:s6+$0x0];
	v60 =	vadd.s32 $0x7FFF, v63;
	v15 =	vshrl.u32 v40, $0x10;
	v55 =	vadd.s32 v57, v39  }
0x14a: {  	v60 =	vand.u32 $0xFFFF0000, v60;
	v17 =	vadd.f32 v17, v56;
	v15 =	vand.u32 $0x1, v15  }
0x14b: {  	v55 =	vadd.s32 $0x7FFF, v55;
	v60 =	vmul.f32 v60, v2;
	v57 =	vadd.s32 v15, v40  }
0x14c: {  	v53 =	vadd.f32 v53, v16;
	v16 =	vld [tilespmem:s6+$0x20];
	v55 =	vand.u32 $0xFFFF0000, v55;
	v57 =	vadd.s32 $0x7FFF, v57  }
0x14d: {  	v15 =	vld [tilespmem:s6+$0x10];
	v55 =	vmul.f32 v55, v2;
	v56 =	vshrl.u32 v47, $0x10;
	v58 =	vadd.f32 v60, v58  }
0x14e: {  	v60 =	vshrl.u32 v44, $0x10;
	v57 =	vand.u32 $0xFFFF0000, v57;
	v63 =	vpop (erf);
	v56 =	vand.u32 $0x1, v56  }
0x14f: {  	v60 =	vand.u32 $0x1, v60;
	v48 =	vmul.f32 v63, v48;
	v57 =	vmul.f32 v57, v2  }
0x150: {  	v10 =	vadd.f32 v55, v10;
	v56 =	vadd.s32 v56, v47;
	v60 =	vadd.s32 v60, v44  }
0x151: {  	[tilespmem:$0x1FF80] =	vst v1;
	v1 =	vshrl.u32 v16, $0x10;
	v56 =	vadd.s32 $0x7FFF, v56;
	v60 =	vadd.s32 $0x7FFF, v60  }
0x152: {  	[tilespmem:$0x1FF70] =	vst v0;
	v0 =	vshrl.u32 v15, $0x10;
	v57 =	vadd.f32 v57, v61;
	v61 =	vand.u32 $0x1, v1  }
0x153: {  	v56 =	vand.u32 $0xFFFF0000, v56;
	v60 =	vand.u32 $0xFFFF0000, v60;
	v19 =	vadd.f32 v10, v3  }
0x154: {  	v55 =	vand.u32 $0x1, v0;
	v61 =	vadd.s32 v61, v16;
	v56 =	vmul.f32 v56, v2  }
0x155: {  	v60 =	vmul.f32 v60, v2;
	v55 =	vadd.s32 v55, v15;
	v61 =	vadd.s32 $0x7FFF, v61  }
0x156: {  	v51 =	vadd.f32 v57, v3;
	vm10 =	vge.f32 v19, $0.0e+00;
	v0 =	vmul.f32 $1.442695020e+00, v19  }
0x157: {  	v55 =	vadd.s32 $0x7FFF, v55;
	v61 =	vand.u32 $0xFFFF0000, v61;
	v56 =	vadd.f32 v56, v62  }
0x158: {  	v59 =	vadd.f32 v60, v59;
	v1 =	vsel vm10, $0x3F000000, v4;
	v55 =	vand.u32 $0xFFFF0000, v55  }
0x159: {  	v61 =	vmul.f32 v61, v2;
	vm11 =	vge.f32 v51, $0.0e+00;
	v55 =	vmul.f32 v55, v2  }
0x15a: {  	[tilespmem:$0x1FF90] =	vst v2;
	v57 =	vadd.f32 v1, v0;
	v46 =	vadd.f32 v59, v3;
	v2 =	vpop (erf);
	v0 =	vsel vm11, $0x3F000000, v4  }
0x15b: {  	v17 =	vadd.f32 v61, v17;
	v43 =	vmul.f32 v2, v43;
	v60 =	vadd.f32 v55, v53  }
0x15c: {  	v57 =	vtrunc.f32 v57;
	v53 =	vadd.f32 v58, v3;
	v55 =	vadd.f32 v56, v3  }
0x15d: {  	v2 =	vpop (erf);
	v56 =	vmul.f32 $1.442695020e+00, v51;
	vm13 =	vge.f32 v46, $0.0e+00;
	v59 =	vmul.f32 $1.442695020e+00, v46  }
0x15e: {  	v42 =	vmul.f32 v2, v42;
	v57 =	vcvt.f32.s32 v57;
	v20 =	vadd.f32 v17, v3  }
0x15f: {  	vm9 =	vge.f32 v53, $0.0e+00;
	v62 =	vmul.f32 $1.442695020e+00, v53;
	v50 =	vadd.f32 v60, v3  }
0x160: {  	vm12 =	vge.f32 v55, $0.0e+00;
	v58 =	vmul.f32 $1.442695020e+00, v55;
	v63 =	vsel vm9, $0x3F000000, v4  }
0x161: {  	v56 =	vadd.f32 v0, v56;
	v0 =	vsel vm13, $0x3F000000, v4;
	v52 =	vadd.f32 v63, v62  }
0x162: {  	vm7 =	vgt.s32 v57, $0xFFFFFF82;
	vm15 =	vge.f32 v20, $0.0e+00;
	v1 =	vsel vm12, $0x3F000000, v4  }
0x163: {  	v59 =	vadd.f32 v0, v59;
	v2 =	vmul.f32 $1.442695020e+00, v20;
	v52 =	vtrunc.f32 v52  }
0x164: {  	v57 =	vnsel vm7, $0xFFFFFF82, v57;
	vm14 =	vge.f32 v50, $0.0e+00;
	v52 =	vcvt.f32.s32 v52  }
0x165: {  	v60 =	vmul.f32 $1.442695020e+00, v50;
	v58 =	vadd.f32 v1, v58;
	v56 =	vtrunc.f32 v56  }
0x166: {  	v0 =	vsel vm15, $0x3F000000, v4;
	vm10 =	vlt.s32 v57, $0x7E;
	vm6 =	vgt.s32 v52, $0xFFFFFF82  }
0x167: {  	v1 =	vsel vm14, $0x3F000000, v4;
	v61 =	vadd.f32 v0, v2;
	v52 =	vnsel vm6, $0xFFFFFF82, v52  }
0x168: {  	v56 =	vcvt.f32.s32 v56;
	v58 =	vtrunc.f32 v58;
	vm0 =	vlt.s32 v52, $0x7E  }
0x169: {  	v60 =	vadd.f32 v1, v60;
	v58 =	vcvt.f32.s32 v58;
	v52 =	vnsel vm0, $0x7E, v52  }
0x16a: {  	v57 =	vnsel vm10, $0x7E, v57;
	v1 =	vtrunc.f32 v59;
	v62 =	vcvt.s32.f32 v52  }
0x16b: {  	vm8 =	vgt.s32 v56, $0xFFFFFF82;
	v2 =	vtrunc.f32 v60;
	vm9 =	vgt.s32 v58, $0xFFFFFF82  }
0x16c: {  	v56 =	vnsel vm8, $0xFFFFFF82, v56;
	v58 =	vnsel vm9, $0xFFFFFF82, v58;
	v10 =	vmul.f32 $6.933593750e-01, v62  }
0x16d: {  	v60 =	vcvt.s32.f32 v57;
	vm11 =	vlt.s32 v56, $0x7E;
	vm12 =	vlt.s32 v58, $0x7E  }
0x16e: {  	v58 =	vnsel vm12, $0x7E, v58;
	v21 =	vsub.f32 v53, v10;
	v53 =	vcvt.f32.s32 v1  }
0x16f: {  	v56 =	vnsel vm11, $0x7E, v56;
	v18 =	vcvt.s32.f32 v58  }
0x170: {  	v63 =	vcvt.s32.f32 v56;
	v10 =	vmul.f32 $6.933593750e-01, v60;
	vm13 =	vgt.s32 v53, $0xFFFFFF82  }
0x171: {  	v0 =	vmul.f32 $6.933593750e-01, v18;
	v53 =	vnsel vm13, $0xFFFFFF82, v53  }
0x172: {  	v17 =	vmul.f32 $6.933593750e-01, v63;
	v10 =	vsub.f32 v19, v10;
	vm0 =	vlt.s32 v53, $0x7E  }
0x173: {  	v19 =	vnsel vm0, $0x7E, v53;
	v53 =	vsub.f32 v55, v0;
	v0 =	vmul.f32 $2.121944420e-04, v63;
	v63 =	vld [tilespmem:$0x1FFB0];
	_ =	sdelay $0x1  }
0x174: {  	v59 =	vcvt.f32.s32 v2  }
0x175: {  	v62 =	vmul.f32 $2.121944420e-04, v62  }
0x176: {  	s9 =	simm.s32 $0x49C0;
	[tilespmem:$0x1FFA0] =	vst v3;
	vm14 =	vgt.s32 v59, $0xFFFFFF82;
	v17 =	vsub.f32 v51, v17;
	v60 =	vmul.f32 $2.121944420e-04, v60  }
0x177: {  	v23 =	vadd.f32 v23, v38;
	v59 =	vnsel vm14, $0xFFFFFF82, v59;
	v21 =	vadd.f32 v62, v21;
	[tilespmem:s9+$0x30] =	vst v63  }
0x178: {  	v1 =	vtrunc.f32 v61;
	v10 =	vadd.f32 v60, v10;
	v17 =	vadd.f32 v0, v17;
	v0 =	vld [tilespmem:$0x1FFC0]  }
0x179: {  	v21 =	vmul.f32 $1.442695020e+00, v21;
	v55 =	vcvt.f32.s32 v1;
	vm0 =	vlt.s32 v59, $0x7E  }
0x17a: {  	v18 =	vmul.f32 $2.121944420e-04, v18;
	v51 =	vcvt.s32.f32 v19;
	v59 =	vnsel vm0, $0x7E, v59  }
0x17b: {  	v10 =	vmul.f32 $1.442695020e+00, v10;
	(erf) = vpow2.f32 v21;
	vm15 =	vgt.s32 v55, $0xFFFFFF82  }
0x17c: {  	s7 =	simm.s32 $0x4A40;
	v61 =	vcvt.s32.f32 v59;
	v18 =	vadd.f32 v18, v53;
	v2 =	vmul.f32 $6.933593750e-01, v51  }
0x17d: {  	v55 =	vnsel vm15, $0xFFFFFF82, v55;
	v21 =	vmul.f32 $2.121944420e-04, v51;
	(erf) = vpow2.f32 v10;
	[tilespmem:s7+$0x30] =	vst v0  }
0x17e: {  	vm0 =	vlt.s32 v55, $0x7E;
	v1 =	vmul.f32 $6.933593750e-01, v61;
	v17 =	vmul.f32 $1.442695020e+00, v17;
	v0 =	vld [tilespmem:$0x1FFD0]  }
0x17f: {  	v18 =	vmul.f32 $1.442695020e+00, v18;
	v46 =	vsub.f32 v46, v2;
	v55 =	vnsel vm0, $0x7E, v55  }
0x180: {  	v19 =	vshll.u32 v19, $0x17;
	v2 =	vcvt.s32.f32 v55;
	(erf) = vpow2.f32 v17  }
0x181: {  	v50 =	vsub.f32 v50, v1;
	v21 =	vadd.f32 v21, v46;
	(erf) = vpow2.f32 v18  }
0x182: {  	v18 =	vadd.f32 v24, v22;
	v22 =	vadd.f32 v26, v25;
	v10 =	vmul.f32 $6.933593750e-01, v2  }
0x183: {  	v61 =	vmul.f32 $2.121944420e-04, v61;
	v24 =	vadd.f32 v31, v28;
	v25 =	vadd.f32 v33, v32;
	[tilespmem:s9+$0xFFFFFFC0] =	vst v0  }
0x184: {  	v32 =	vadd.f32 v41, v23;
	v10 =	vsub.f32 v20, v10;
	v20 =	vmul.f32 $2.121944420e-04, v2;
	v0 =	vld [tilespmem:$0x1FFE0]  }
0x185: {  	v17 =	vmul.f32 $1.442695020e+00, v21;
	v21 =	vadd.f32 v61, v50;
	v23 =	vadd.f32 v40, v22  }
0x186: {  	v41 =	vadd.s32 $0x3F800000, v19;
	v24 =	vadd.f32 v47, v24;
	v20 =	vadd.f32 v20, v10  }
0x187: {  	v26 =	vadd.f32 v44, v25;
	(erf) = vpow2.f32 v17;
	v17 =	vmul.f32 $1.442695020e+00, v21  }
0x188: {  	v22 =	vshll.u32 v58, $0x17;
	v25 =	vshll.u32 v59, $0x17;
	v20 =	vmul.f32 $1.442695020e+00, v20;
	[tilespmem:s9+$0xFFFFFFE0] =	vst v54  }
0x189: {  	s8 =	simm.s32 $0x4AC0;
	v21 =	vadd.f32 $1.000000000e+00, v27;
	v10 =	vadd.f32 v35, v34;
	(erf) = vpow2.f32 v17;
	[tilespmem:s9+$0xFFFFFFD0] =	vst v0  }
0x18a: {  	v35 =	vadd.f32 v39, v18;
	v18 =	vadd.f32 $1.000000000e+00, v29;
	(erf) = vpow2.f32 v20;
	v0 =	vld [tilespmem:$0x1FFF0];
	[tilespmem:s8+$0x30] =	vst v48  }
0x18b: {  	v44 =	vadd.s32 $0x3F800000, v22;
	v27 =	vshll.u32 v55, $0x17;
	(erf) = vrcp.f32 v21;
	[tilespmem:s7+$0xFFFFFFC0] =	vst v49  }
0x18c: {  	v20 =	vadd.f32 $1.000000000e+00, v30;
	(erf) = vrcp.f32 v18;
	v18 =	vshll.u32 v52, $0x17;
	[tilespmem:s7+$0xFFFFFFD0] =	vst v45  }
0x18d: {  	v39 =	vadd.s32 $0x3F800000, v25;
	v40 =	vadd.s32 $0x3F800000, v27;
	v17 =	vadd.f32 v37, v36;
	[tilespmem:s7+$0xFFFFFFE0] =	vst v43  }
0x18e: {  	v21 =	vshll.u32 v56, $0x17;
	(erf) = vrcp.f32 v20;
	v20 =	vshll.u32 v57, $0x17;
	[tilespmem:s7+$0xFFFFFFF0] =	vst v42  }
0x18f: {  	s11 =	simm.s32 $0x1C0;
	s10 =	simm.s32 $0x100;
	v46 =	vadd.s32 $0x3F800000, v21;
	v47 =	vadd.s32 $0x3F800000, v20;
	v45 =	vadd.s32 $0x3F800000, v18;
	v18 =	vpop (erf);
	[tilespmem:s9+$0xFFFFFFF0] =	vst v0  }
.LBB2_1:
0x190: {  	v43 =	vld [tilespmem:s11+$0x30]  }
0x191: {  	s5 =	sadd.s32 $0x80, s5;
	v20 =	vld [tilespmem:s11+$0xFFFFFFF0]  }
0x192: {  	v1 =	vmul.f32 v45, v18;
	v15 =	vadd.f32 v15, v10;
	v10 =	vpop (erf);
	v45 =	vld [tilespmem:s5+$0x30]  }
0x193: {  	v0 =	vmov v11;
	v16 =	vadd.f32 v16, v17;
	v37 =	vld [tilespmem:s5+$0xFFFFFFC0];
	v10 =	vmul.f32 v47, v10;
	v17 =	vpop (erf)  }
0x194: {  	[tilespmem:$0x1FF20] =	vst v0;
	v0 =	vld [tilespmem:s11+$0xFFFFFFD0];
	v2 =	vadd.f32 $1.000000000e+00, v1;
	v17 =	vmul.f32 v46, v17;
	v18 =	vpop (erf);
	v14 =	vmul.f32 v14, v5  }
0x195: {  	v21 =	vld [tilespmem:s5+$0xFFFFFFF0];
	v3 =	vmul.f32 v13, v6;
	v18 =	vmul.f32 v44, v18  }
0x196: {  	v1 =	vld [tilespmem:s5+$0xFFFFFFD0];
	v13 =	vadd.f32 $1.000000000e+00, v10;
	v19 =	vpop (erf);
	v7 =	vmul.f32 v12, v7;
	(erf) = vrcp.f32 v2  }
0x197: {  	v42 =	vadd.f32 $1.000000000e+00, v17;
	v58 =	vmul.f32 v41, v19;
	v11 =	vpop (erf);
	v36 =	vshrl.u32 v20, $0x10  }
0x198: {  	s6 =	sadd.s32 $0x80, s6;
	v44 =	vadd.f32 $1.000000000e+00, v18;
	v59 =	vmul.f32 v39, v11;
	(erf) = vrcp.f32 v13  }
0x199: {  	v46 =	vld [tilespmem:s6+$0x30];
	v6 =	vpop (erf);
	[tilespmem:s9+$0x20] =	vst v7;
	v7 =	vshrl.u32 v43, $0x10;
	v11 =	vshrl.u32 v45, $0x10;
	v29 =	vshrl.u32 v37, $0x10  }
0x19a: {  	v30 =	vshrl.u32 v0, $0x10;
	v49 =	vshrl.u32 v21, $0x10;
	v40 =	vmul.f32 v40, v6  }
0x19b: {  	v4 =	vand.u32 $0x1, v7;
	v7 =	vand.u32 $0x1, v11;
	v31 =	vshrl.u32 v1, $0x10  }
0x19c: {  	v2 =	vld [tilespmem:s11+$0xFFFFFFE0];
	[tilespmem:$0x1FED0] =	vst v58;
	v50 =	vand.u32 $0x1, v29;
	v52 =	vand.u32 $0x1, v30;
	v58 =	vand.u32 $0x1, v36  }
0x19d: {  	v49 =	vand.u32 $0x1, v49;
	v10 =	vadd.s32 v4, v43;
	v7 =	vadd.s32 v7, v45  }
0x19e: {  	v19 =	vld [tilespmem:s5+$0xFFFFFFE0];
	v11 =	vshrl.u32 v46, $0x10;
	v53 =	vand.u32 $0x1, v31;
	v50 =	vadd.s32 v50, v37  }
0x19f: {  	v41 =	vld [tilespmem:s11+$0xFFFFFFC0];
	v52 =	vadd.s32 v52, v0;
	v58 =	vadd.s32 v58, v20;
	v49 =	vadd.s32 v49, v21  }
0x1a0: {  	v43 =	vadd.f32 v45, v43;
	v25 =	vadd.s32 $0x7FFF, v10;
	v7 =	vadd.s32 $0x7FFF, v7  }
0x1a1: {  	v12 =	vld [tilespmem:$0x1FF70];
	v11 =	vand.u32 $0x1, v11;
	v33 =	vshrl.u32 v2, $0x10;
	v10 =	vimm.f32 $-5.000000000e-01  }
0x1a2: {  	[tilespmem:s9+$0x0] =	vst v14;
	v13 =	vld [tilespmem:$0x1FF80];
	v53 =	vadd.s32 v53, v1;
	v50 =	vadd.s32 $0x7FFF, v50;
	v52 =	vadd.s32 $0x7FFF, v52  }
0x1a3: {  	v5 =	vmovc v15;
	[tilespmem:s9+$0x10] =	vst v3;
	v22 =	vld [tilespmem:s11+$0x0];
	v15 =	vand.u32 $0xFFFF0000, v25;
	v27 =	vand.u32 $0xFFFF0000, v7;
	v11 =	vadd.s32 v11, v46  }
0x1a4: {  	v38 =	vmovc v26;
	v26 =	vld [tilespmem:s11+$0x10];
	v34 =	vshrl.u32 v19, $0x10;
	v54 =	vand.u32 $0x1, v33;
	v63 =	vshrl.u32 v41, $0x10  }
0x1a5: {  	v29 =	vld [tilespmem:s5+$0x20];
	v53 =	vadd.s32 $0x7FFF, v53;
	v50 =	vand.u32 $0xFFFF0000, v50;
	v52 =	vand.u32 $0xFFFF0000, v52  }
0x1a6: {  	v30 =	vld [tilespmem:s6+$0xFFFFFFC0];
	v43 =	vadd.f32 v46, v43;
	v37 =	vadd.f32 v37, v41;
	v15 =	vmul.f32 v15, v12  }
0x1a7: {  	v36 =	vld [tilespmem:s6+$0x0];
	v3 =	vmovc v16;
	v16 =	vmul.f32 v27, v13;
	v27 =	vadd.s32 $0x7FFF, v11;
	v57 =	vand.u32 $0x1, v34  }
0x1a8: {  	v11 =	vld [tilespmem:$0x1FF90];
	v63 =	vand.u32 $0x1, v63;
	v54 =	vadd.s32 v54, v2;
	v53 =	vand.u32 $0xFFFF0000, v53  }
0x1a9: {  	v31 =	vld [tilespmem:s6+$0xFFFFFFD0];
	v50 =	vmul.f32 v50, v13;
	v52 =	vmul.f32 v52, v12;
	v28 =	vand.u32 $0xFFFF0000, v27  }
0x1aa: {  	v6 =	vmovc v8;
	v51 =	vshrl.u32 v22, $0x10;
	v55 =	vshrl.u32 v26, $0x10;
	v61 =	vshrl.u32 v29, $0x10  }
0x1ab: {  	[tilespmem:$0x1FF50] =	vst v6;
	v63 =	vadd.s32 v63, v41;
	v57 =	vadd.s32 v57, v19;
	v6 =	vshrl.u32 v30, $0x10  }
0x1ac: {  	[tilespmem:$0x1FF30] =	vst v0;
	v14 =	vld [tilespmem:$0x1FFA0];
	v0 =	vshrl.u32 v36, $0x10;
	v54 =	vadd.s32 $0x7FFF, v54;
	v53 =	vmul.f32 v53, v13  }
0x1ad: {  	v15 =	vadd.f32 v16, v15;
	v51 =	vand.u32 $0x1, v51;
	v16 =	vmul.f32 v28, v11  }
0x1ae: {  	v55 =	vand.u32 $0x1, v55;
	v61 =	vand.u32 $0x1, v61;
	v7 =	vshrl.u32 v31, $0x10  }
0x1af: {  	v33 =	vld [tilespmem:s6+$0xFFFFFFE0];
	v63 =	vadd.s32 $0x7FFF, v63;
	v6 =	vand.u32 $0x1, v6;
	v15 =	vadd.f32 v16, v15  }
0x1b0: {  	v0 =	vand.u32 $0x1, v0;
	v54 =	vand.u32 $0xFFFF0000, v54;
	v51 =	vadd.s32 v51, v22  }
0x1b1: {  	v34 =	vld [tilespmem:s6+$0xFFFFFFF0];
	v55 =	vadd.s32 v55, v26;
	v61 =	vadd.s32 v61, v29;
	v56 =	vadd.f32 v15, v14  }
0x1b2: {  	v25 =	vld [tilespmem:s5+$0x0];
	v7 =	vand.u32 $0x1, v7;
	v6 =	vadd.s32 v6, v30;
	v0 =	vadd.s32 v0, v36  }
0x1b3: {  	v27 =	vld [tilespmem:s5+$0x10];
	v54 =	vmul.f32 v54, v12;
	vm0 =	vge.f32 v56, $0.0e+00;
	v15 =	vmul.f32 $1.442695020e+00, v56  }
0x1b4: {  	v8 =	vshrl.u32 v33, $0x10;
	v7 =	vadd.s32 v7, v31;
	v62 =	vsel vm0, $0x3F000000, v10  }
0x1b5: {  	v6 =	vadd.s32 $0x7FFF, v6;
	v0 =	vadd.s32 $0x7FFF, v0;
	v62 =	vadd.f32 v62, v15  }
0x1b6: {  	v4 =	vmovc v9;
	v9 =	vshrl.u32 v34, $0x10;
	v8 =	vand.u32 $0x1, v8;
	v7 =	vadd.s32 $0x7FFF, v7  }
0x1b7: {  	v6 =	vand.u32 $0xFFFF0000, v6;
	v0 =	vand.u32 $0xFFFF0000, v0;
	v62 =	vtrunc.f32 v62  }
0x1b8: {  	[tilespmem:$0x1FEE0] =	vst v59;
	v59 =	vshrl.u32 v27, $0x10;
	v16 =	vshrl.u32 v25, $0x10;
	v62 =	vcvt.f32.s32 v62  }
0x1b9: {  	[tilespmem:$0x1FEF0] =	vst v4;
	v8 =	vadd.s32 v8, v33;
	v7 =	vand.u32 $0xFFFF0000, v7;
	v4 =	vand.u32 $0x1, v16;
	v16 =	vld [tilespmem:s6+$0x20]  }
0x1ba: {  	v28 =	vld [tilespmem:s11+$0x20];
	v6 =	vmul.f32 v6, v11;
	v0 =	vmul.f32 v0, v11;
	vm12 =	vgt.s32 v62, $0xFFFFFF82  }
0x1bb: {  	v59 =	vand.u32 $0x1, v59;
	v8 =	vadd.s32 $0x7FFF, v8;
	v62 =	vnsel vm12, $0xFFFFFF82, v62  }
0x1bc: {  	v7 =	vmul.f32 v7, v11;
	v59 =	vadd.s32 v59, v27;
	vm0 =	vlt.s32 v62, $0x7E  }
0x1bd: {  	[tilespmem:$0x1FF00] =	vst v5;
	v8 =	vand.u32 $0xFFFF0000, v8;
	v4 =	vadd.s32 v4, v25;
	v15 =	vld [tilespmem:s6+$0x10];
	v62 =	vnsel vm0, $0x7E, v62  }
0x1be: {  	[tilespmem:$0x1FF10] =	vst v3;
	v8 =	vmul.f32 v8, v11;
	v3 =	vshrl.u32 v16, $0x10;
	v5 =	vcvt.s32.f32 v62  }
0x1bf: {  	v60 =	vshrl.u32 v28, $0x10;
	v4 =	vadd.s32 $0x7FFF, v4;
	v3 =	vand.u32 $0x1, v3  }
0x1c0: {  	[tilespmem:$0x1FF40] =	vst v1;
	v60 =	vand.u32 $0x1, v60;
	v3 =	vadd.s32 v3, v16;
	v1 =	vmul.f32 $6.933593750e-01, v5  }
0x1c1: {  	v4 =	vand.u32 $0xFFFF0000, v4;
	v60 =	vadd.s32 v60, v28;
	v3 =	vadd.s32 $0x7FFF, v3  }
0x1c2: {  	[tilespmem:$0x1FF60] =	vst v2;
	v2 =	vshrl.u32 v15, $0x10;
	v5 =	vmul.f32 $2.121944420e-04, v5;
	v1 =	vsub.f32 v56, v1  }
0x1c3: {  	v4 =	vmul.f32 v4, v13;
	v3 =	vand.u32 $0xFFFF0000, v3;
	v2 =	vand.u32 $0x1, v2  }
0x1c4: {  	v39 =	vpop (erf);
	v3 =	vmul.f32 v3, v11;
	v2 =	vadd.s32 v2, v15;
	v1 =	vadd.f32 v5, v1  }
0x1c5: {  	v18 =	vpop (erf);
	v2 =	vadd.s32 $0x7FFF, v2;
	v56 =	vadd.s32 $0x7FFF, v57;
	v57 =	vadd.s32 $0x7FFF, v58  }
0x1c6: {  	v17 =	vpop (erf);
	v58 =	vadd.s32 $0x7FFF, v60;
	v60 =	vadd.s32 $0x7FFF, v61;
	v1 =	vmul.f32 $1.442695020e+00, v1  }
0x1c7: {  	v47 =	vpop (erf);
	v61 =	vand.u32 $0x1, v9;
	v9 =	vand.u32 $0xFFFF0000, v63;
	v63 =	vadd.f32 v53, v52  }
0x1c8: {  	v48 =	vpop (erf);
	v56 =	vand.u32 $0xFFFF0000, v56;
	v57 =	vand.u32 $0xFFFF0000, v57;
	(erf) = vpow2.f32 v1  }
0x1c9: {  	v58 =	vand.u32 $0xFFFF0000, v58;
	v9 =	vmul.f32 v9, v12;
	v5 =	vadd.s32 $0x7FFF, v49  }
0x1ca: {  	v49 =	vadd.s32 $0x7FFF, v51;
	v51 =	vadd.s32 $0x7FFF, v55;
	v55 =	vadd.s32 $0x7FFF, v59  }
0x1cb: {  	v59 =	vand.u32 $0xFFFF0000, v60;
	v60 =	vshll.u32 v62, $0x17;
	v56 =	vmul.f32 v56, v13  }
0x1cc: {  	v57 =	vmul.f32 v57, v12;
	v58 =	vmul.f32 v58, v12;
	v7 =	vadd.f32 v7, v63  }
0x1cd: {  	v5 =	vand.u32 $0xFFFF0000, v5;
	v49 =	vand.u32 $0xFFFF0000, v49;
	v51 =	vand.u32 $0xFFFF0000, v51  }
0x1ce: {  	v55 =	vand.u32 $0xFFFF0000, v55;
	v60 =	vadd.s32 $0x3F800000, v60;
	v59 =	vmul.f32 v59, v13  }
0x1cf: {  	v9 =	vadd.f32 v50, v9;
	v5 =	vmul.f32 v5, v13;
	v49 =	vmul.f32 v49, v12  }
0x1d0: {  	v51 =	vmul.f32 v51, v12;
	v55 =	vmul.f32 v55, v13;
	v54 =	vadd.f32 v56, v54  }
0x1d1: {  	v6 =	vadd.f32 v6, v9;
	v1 =	vadd.s32 v61, v34;
	v5 =	vadd.f32 v5, v57;
	v61 =	vpop (erf)  }
0x1d2: {  	v4 =	vadd.f32 v4, v49;
	v55 =	vadd.f32 v55, v51;
	v60 =	vmul.f32 v60, v61  }
0x1d3: {  	v2 =	vand.u32 $0xFFFF0000, v2;
	v57 =	vadd.f32 v59, v58;
	v46 =	vadd.f32 v6, v14  }
0x1d4: {  	v2 =	vmul.f32 v2, v11;
	v8 =	vadd.f32 v8, v54;
	v60 =	vadd.f32 $1.000000000e+00, v60  }
0x1d5: {  	v0 =	vadd.f32 v0, v4;
	vm13 =	vge.f32 v46, $0.0e+00;
	v59 =	vmul.f32 $1.442695020e+00, v46  }
0x1d6: {  	v58 =	vmul.f32 v48, v35;
	v6 =	vsel vm13, $0x3F000000, v10;
	(erf) = vrcp.f32 v60  }
0x1d7: {  	v1 =	vadd.s32 $0x7FFF, v1;
	v35 =	vadd.f32 v0, v14;
	v0 =	vadd.f32 v6, v59  }
0x1d8: {  	v1 =	vand.u32 $0xFFFF0000, v1;
	v3 =	vadd.f32 v3, v57;
	v4 =	vmul.f32 v47, v32  }
0x1d9: {  	v32 =	vadd.f32 v8, v14;
	v1 =	vmul.f32 v1, v11;
	v0 =	vtrunc.f32 v0  }
0x1da: {  	v12 =	vmovc v17;
	v17 =	vadd.f32 v29, v28;
	v2 =	vadd.f32 v2, v55;
	v0 =	vcvt.f32.s32 v0  }
0x1db: {  	v45 =	vadd.f32 v3, v14;
	vm2 =	vge.f32 v32, $0.0e+00;
	v1 =	vadd.f32 v1, v5  }
0x1dc: {  	s9 =	smov.u32 s7;
	s7 =	smov.u32 s8;
	v62 =	vsel vm2, $0x3F000000, v10;
	vm4 =	vge.f32 v35, $0.0e+00;
	vm15 =	vgt.s32 v0, $0xFFFFFF82  }
0x1dd: {  	[tilespmem:s7+$0xFFFFFFC0] =	vst v4;
	v4 =	vmul.f32 $1.442695020e+00, v35;
	vm14 =	vge.f32 v45, $0.0e+00;
	v0 =	vnsel vm15, $0xFFFFFF82, v0  }
0x1de: {  	v57 =	vsel vm14, $0x3F000000, v10;
	v61 =	vmul.f32 $1.442695020e+00, v32;
	vm14 =	vlt.s32 v0, $0x7E  }
0x1df: {  	v0 =	vnsel vm14, $0x7E, v0;
	v56 =	vpop (erf);
	(erf) = vrcp.f32 v42;
	v42 =	vadd.f32 v1, v14  }
0x1e0: {  	v43 =	vmul.f32 v56, v43;
	(erf) = vrcp.f32 v44;
	v44 =	vadd.f32 v7, v14  }
0x1e1: {  	s8 =	sadd.s32 $0x80, s8;
	v7 =	vmul.f32 $1.442695020e+00, v45;
	vm3 =	vge.f32 v42, $0.0e+00;
	v3 =	vmul.f32 $1.442695020e+00, v42  }
0x1e2: {  	[tilespmem:s8+$0x30] =	vst v43;
	v43 =	vadd.f32 v2, v14;
	vm1 =	vge.f32 v44, $0.0e+00;
	v60 =	vmul.f32 $1.442695020e+00, v44  }
0x1e3: {  	v14 =	vmovc v39;
	v63 =	vsel vm3, $0x3F000000, v10;
	v39 =	vsel vm4, $0x3F000000, v10;
	v2 =	vadd.f32 v62, v61  }
0x1e4: {  	v9 =	vsel vm1, $0x3F000000, v10;
	v3 =	vadd.f32 v63, v3;
	v4 =	vadd.f32 v39, v4  }
0x1e5: {  	v5 =	vmul.f32 $1.442695020e+00, v43;
	v1 =	vadd.f32 v9, v60;
	v2 =	vtrunc.f32 v2  }
0x1e6: {  	vm5 =	vge.f32 v43, $0.0e+00;
	v3 =	vtrunc.f32 v3;
	v4 =	vtrunc.f32 v4  }
0x1e7: {  	v56 =	vsel vm5, $0x3F000000, v10;
	v2 =	vcvt.f32.s32 v2;
	v1 =	vtrunc.f32 v1  }
0x1e8: {  	v5 =	vadd.f32 v56, v5;
	v3 =	vcvt.f32.s32 v3;
	v4 =	vcvt.f32.s32 v4  }
0x1e9: {  	v10 =	vadd.f32 v27, v26;
	v1 =	vcvt.f32.s32 v1;
	vm9 =	vgt.s32 v2, $0xFFFFFF82  }
0x1ea: {  	v8 =	vpop (erf);
	v5 =	vtrunc.f32 v5;
	vm10 =	vgt.s32 v3, $0xFFFFFF82;
	vm11 =	vgt.s32 v4, $0xFFFFFF82  }
0x1eb: {  	v11 =	vmovc v38;
	v2 =	vnsel vm9, $0xFFFFFF82, v2;
	v6 =	vmul.f32 v8, v23;
	v5 =	vcvt.f32.s32 v5  }
0x1ec: {  	v38 =	vpop (erf);
	vm8 =	vgt.s32 v1, $0xFFFFFF82;
	v3 =	vnsel vm10, $0xFFFFFF82, v3;
	v4 =	vnsel vm11, $0xFFFFFF82, v4  }
0x1ed: {  	vm2 =	vlt.s32 v2, $0x7E;
	v8 =	vmul.f32 v38, v24;
	v38 =	vadd.f32 $1.000000000e+00, v40  }
0x1ee: {  	v1 =	vnsel vm8, $0xFFFFFF82, v1;
	vm3 =	vlt.s32 v3, $0x7E;
	vm4 =	vlt.s32 v4, $0x7E  }
0x1ef: {  	v2 =	vnsel vm2, $0x7E, v2;
	[tilespmem:s7+$0xFFFFFFE0] =	vst v6;
	v6 =	vadd.f32 v57, v7;
	vm12 =	vgt.s32 v5, $0xFFFFFF82  }
0x1f0: {  	v7 =	vld [tilespmem:$0x1FED0];
	vm15 =	vlt.s32 v1, $0x7E;
	v3 =	vnsel vm3, $0x7E, v3;
	v4 =	vnsel vm4, $0x7E, v4  }
0x1f1: {  	v9 =	vcvt.s32.f32 v2;
	v2 =	vshll.u32 v2, $0x17;
	v5 =	vnsel vm12, $0xFFFFFF82, v5  }
0x1f2: {  	v1 =	vnsel vm15, $0x7E, v1;
	v39 =	vcvt.s32.f32 v3;
	v40 =	vcvt.s32.f32 v4  }
0x1f3: {  	v3 =	vshll.u32 v3, $0x17;
	v4 =	vshll.u32 v4, $0x17;
	v6 =	vtrunc.f32 v6  }
0x1f4: {  	[tilespmem:s7+$0xFFFFFFF0] =	vst v8;
	vm5 =	vlt.s32 v5, $0x7E;
	v8 =	vcvt.s32.f32 v1;
	v61 =	vmul.f32 $6.933593750e-01, v9  }
0x1f5: {  	v9 =	vmul.f32 $2.121944420e-04, v9;
	v6 =	vcvt.f32.s32 v6;
	v23 =	vadd.f32 $1.000000000e+00, v7;
	v7 =	vld [tilespmem:$0x1FEE0]  }
0x1f6: {  	v1 =	vshll.u32 v1, $0x17;
	v62 =	vmul.f32 $6.933593750e-01, v39;
	v63 =	vmul.f32 $6.933593750e-01, v40  }
0x1f7: {  	v5 =	vnsel vm5, $0x7E, v5;
	v39 =	vmul.f32 $2.121944420e-04, v39;
	v40 =	vmul.f32 $2.121944420e-04, v40  }
0x1f8: {  	v47 =	vadd.s32 $0x3F800000, v1;
	v41 =	vcvt.s32.f32 v5;
	v60 =	vmul.f32 $6.933593750e-01, v8  }
0x1f9: {  	v32 =	vsub.f32 v32, v61;
	v8 =	vmul.f32 $2.121944420e-04, v8;
	v5 =	vshll.u32 v5, $0x17  }
0x1fa: {  	v42 =	vsub.f32 v42, v62;
	v24 =	vadd.f32 $1.000000000e+00, v7;
	v7 =	vcvt.s32.f32 v0  }
0x1fb: {  	vm13 =	vgt.s32 v6, $0xFFFFFF82;
	v35 =	vsub.f32 v35, v63;
	v63 =	vadd.f32 v21, v20  }
0x1fc: {  	[tilespmem:s7+$0xFFFFFFD0] =	vst v58;
	v6 =	vnsel vm13, $0xFFFFFF82, v6;
	v44 =	vsub.f32 v44, v60;
	v58 =	vmul.f32 $6.933593750e-01, v7  }
0x1fd: {  	v56 =	vmul.f32 $6.933593750e-01, v41;
	v41 =	vmul.f32 $2.121944420e-04, v41;
	v9 =	vadd.f32 v9, v32  }
0x1fe: {  	vm6 =	vlt.s32 v6, $0x7E;
	v7 =	vmul.f32 $2.121944420e-04, v7;
	v46 =	vsub.f32 v46, v58  }
0x1ff: {  	v39 =	vadd.f32 v39, v42;
	v35 =	vadd.f32 v40, v35;
	v6 =	vnsel vm6, $0x7E, v6  }
0x200: {  	v43 =	vsub.f32 v43, v56;
	v59 =	vcvt.s32.f32 v6;
	v7 =	vadd.f32 v7, v46  }
0x201: {  	v8 =	vadd.f32 v8, v44;
	v9 =	vmul.f32 $1.442695020e+00, v9;
	v42 =	vmul.f32 $1.442695020e+00, v39  }
0x202: {  	v44 =	vadd.s32 $0x3F800000, v3;
	v57 =	vmul.f32 $6.933593750e-01, v59;
	v7 =	vmul.f32 $1.442695020e+00, v7  }
0x203: {  	v61 =	vld [tilespmem:$0x1FF40];
	v3 =	vadd.f32 v25, v22;
	v35 =	vmul.f32 $1.442695020e+00, v35;
	v8 =	vmul.f32 $1.442695020e+00, v8  }
0x204: {  	v62 =	vld [tilespmem:$0x1FF60];
	v45 =	vsub.f32 v45, v57;
	v58 =	vmul.f32 $2.121944420e-04, v59;
	(erf) = vpow2.f32 v7  }
0x205: {  	v60 =	vld [tilespmem:$0x1FF30];
	v6 =	vshll.u32 v6, $0x17;
	v59 =	vadd.f32 v41, v43;
	(erf) = vpow2.f32 v8  }
0x206: {  	v39 =	vadd.s32 $0x3F800000, v5;
	v32 =	vadd.f32 v58, v45;
	(erf) = vpow2.f32 v9  }
0x207: {  	s10 =	sadd.s32 $0x80, s10;
	v0 =	vshll.u32 v0, $0x17;
	v43 =	vmul.f32 $1.442695020e+00, v59;
	(erf) = vpow2.f32 v42  }
0x208: {  	p0 =	slt.u32 s10, $0xB80;
	v40 =	vadd.s32 $0x3F800000, v6;
	v32 =	vmul.f32 $1.442695020e+00, v32;
	(erf) = vpow2.f32 v35  }
.Ltmp0:
0x209: {  	v5 =	vld [tilespmem:$0x1FF20];
	v1 =	vadd.f32 v19, v62;
	v26 =	vadd.f32 v36, v3;
	(erf) = vpow2.f32 v43;
	(pc) =	sbr.rel @p0 .LBB2_1-.Ltmp0, $4  }
0x20a: {  	v6 =	vld [tilespmem:$0x1FF50];
	v45 =	vadd.s32 $0x3F800000, v0;
	v0 =	vadd.f32 v61, v60;
	(erf) = vpow2.f32 v32  }
0x20b: {  	v41 =	vadd.s32 $0x3F800000, v4;
	v46 =	vadd.s32 $0x3F800000, v2;
	v7 =	vld [tilespmem:$0x1FEF0];
	(erf) = vrcp.f32 v23  }
0x20c: {  	v13 =	vmovc v18;
	v8 =	vld [tilespmem:$0x1FF00];
	v35 =	vadd.f32 v31, v0;
	v32 =	vadd.f32 v30, v37;
	(erf) = vrcp.f32 v24  }
0x20d: {  	s11 =	sadd.s32 $0x80, s11;
	v9 =	vld [tilespmem:$0x1FF10];
	v23 =	vadd.f32 v33, v1;
	v24 =	vadd.f32 v34, v63;
	v18 =	vpop (erf);
	(erf) = vrcp.f32 v38  }
0x20e: {  	v0 =	vmul.f32 v45, v18;
	v1 =	vpop (erf)  }
0x20f: {  	v1 =	vmul.f32 v47, v1  }
0x210: {  	v2 =	vpop (erf);
	v0 =	vadd.f32 $1.000000000e+00, v0  }
0x211: {  	v2 =	vmul.f32 v46, v2;
	v3 =	vpop (erf);
	v1 =	vadd.f32 $1.000000000e+00, v1  }
0x212: {  	v3 =	vmul.f32 v44, v3;
	v46 =	vpop (erf);
	(erf) = vrcp.f32 v0  }
0x213: {  	v2 =	vadd.f32 $1.000000000e+00, v2;
	v47 =	vpop (erf);
	(erf) = vrcp.f32 v1;
	v1 =	vmul.f32 v41, v46  }
0x214: {  	v45 =	vadd.f32 $1.000000000e+00, v3;
	v48 =	vmul.f32 v39, v47;
	v49 =	vpop (erf)  }
0x215: {  	(erf) = vrcp.f32 v2;
	v2 =	vmul.f32 v40, v49;
	v1 =	vadd.f32 $1.000000000e+00, v1  }
0x216: {  	(erf) = vrcp.f32 v45;
	v3 =	vpop (erf);
	v0 =	vadd.f32 $1.000000000e+00, v48  }
0x217: {  	v4 =	vmul.f32 v14, v5;
	v5 =	vpop (erf);
	v2 =	vadd.f32 $1.000000000e+00, v2;
	(erf) = vrcp.f32 v1  }
0x218: {  	v50 =	vmul.f32 v13, v6;
	(erf) = vrcp.f32 v0  }
0x219: {  	[tilespmem:s9+$0x0] =	vst v4;
	v51 =	vmul.f32 v12, v7;
	v6 =	vpop (erf);
	(erf) = vrcp.f32 v2  }
0x21a: {  	[tilespmem:s9+$0x10] =	vst v50;
	v58 =	vmul.f32 v3, v11  }
0x21b: {  	[tilespmem:s9+$0x20] =	vst v51;
	v59 =	vmul.f32 v5, v8  }
0x21c: {  	[tilespmem:s7+$0x0] =	vst v58;
	v61 =	vmul.f32 v6, v9;
	v4 =	vpop (erf)  }
0x21d: {  	[tilespmem:s7+$0x10] =	vst v59;
	v52 =	vpop (erf);
	v53 =	vmul.f32 v4, v32  }
0x21e: {  	[tilespmem:s7+$0x20] =	vst v61;
	v54 =	vmul.f32 v52, v35;
	v55 =	vpop (erf)  }
0x21f: {  	[tilespmem:s8+$0xFFFFFFC0] =	vst v53;
	v56 =	vpop (erf);
	v1 =	vmul.f32 v55, v23  }
0x220: {  	v60 =	vadd.f32 v15, v10;
	[tilespmem:s8+$0xFFFFFFD0] =	vst v54;
	v57 =	vmul.f32 v56, v24;
	v3 =	vpop (erf)  }
0x221: {  	v4 =	vadd.f32 v16, v17;
	[tilespmem:s8+$0xFFFFFFE0] =	vst v1;
	v62 =	vpop (erf);
	v3 =	vmul.f32 v3, v26  }
0x222: {  	[tilespmem:s8+$0xFFFFFFF0] =	vst v57;
	v63 =	vpop (erf);
	v0 =	vmul.f32 v62, v60  }
0x223: {  	[tilespmem:s8+$0x0] =	vst v3;
	v1 =	vmul.f32 v63, v4  }
0x224: {  	[tilespmem:s8+$0x10] =	vst v0  }
0x225: {  	[tilespmem:s8+$0x20] =	vst v1  }
0x226: {  	v15 =	vld [tilespmem:$0x1FF70]  }
0x227: {  	v18 =	vld [tilespmem:$0x1FF80]  }
0x228: {  	s5 =	simm.s32 $0xBF0;
	s6 =	simm.s32 $0x5580;
	v25 =	vld [tilespmem:$0x1FF90]  }
0x229: {  	s9 =	simm.s32 $0xC00;
	s7 =	simm.s32 $0x3D00;
	v4 =	vimm.f32 $-5.000000000e-01;
	s8 =	simm.s32 $0x2480;
	v23 =	vld [tilespmem:$0x1FFA0]  }
.LBB2_3:
0x22a: {  	v0 =	vld [tilespmem:s9+$0x0]  }
0x22b: {  	v1 =	vld [tilespmem:s8+$0x0];
	_ =	sdelay $0x1  }
0x22c: {  	v2 =	vld [tilespmem:s7+$0x0];
	_ =	sdelay $0x2  }
0x22d: {  	v3 =	vshrl.u32 v0, $0x10;
	v5 =	vshrl.u32 v1, $0x10  }
0x22e: {  	v3 =	vand.u32 $0x1, v3;
	v5 =	vand.u32 $0x1, v5  }
0x22f: {  	v6 =	vshrl.u32 v2, $0x10;
	v3 =	vadd.s32 v3, v0;
	v5 =	vadd.s32 v5, v1  }
0x230: {  	v6 =	vand.u32 $0x1, v6;
	v3 =	vadd.s32 $0x7FFF, v3;
	v5 =	vadd.s32 $0x7FFF, v5  }
0x231: {  	v6 =	vadd.s32 v6, v2;
	v3 =	vand.u32 $0xFFFF0000, v3;
	v5 =	vand.u32 $0xFFFF0000, v5  }
0x232: {  	v6 =	vadd.s32 $0x7FFF, v6;
	v3 =	vmul.f32 v3, v15;
	v5 =	vmul.f32 v5, v18  }
0x233: {  	v6 =	vand.u32 $0xFFFF0000, v6  }
0x234: {  	v3 =	vadd.f32 v5, v3;
	v5 =	vmul.f32 v6, v25;
	_ =	sdelay $0x1  }
0x235: {  	v3 =	vadd.f32 v5, v3;
	_ =	sdelay $0x1  }
0x236: {  	v3 =	vadd.f32 v3, v23;
	_ =	sdelay $0x1  }
0x237: {  	vm0 =	vge.f32 v3, $0.0e+00;
	v5 =	vmul.f32 $1.442695020e+00, v3  }
0x238: {  	v6 =	vsel vm0, $0x3F000000, v4  }
0x239: {  	v5 =	vadd.f32 v6, v5;
	_ =	sdelay $0x1  }
0x23a: {  	v5 =	vtrunc.f32 v5  }
0x23b: {  	v5 =	vcvt.f32.s32 v5;
	_ =	sdelay $0x1  }
0x23c: {  	vm15 =	vgt.s32 v5, $0xFFFFFF82  }
0x23d: {  	v5 =	vnsel vm15, $0xFFFFFF82, v5  }
0x23e: {  	vm0 =	vlt.s32 v5, $0x7E  }
0x23f: {  	v5 =	vnsel vm0, $0x7E, v5  }
0x240: {  	v6 =	vcvt.s32.f32 v5;
	_ =	sdelay $0x1  }
0x241: {  	v7 =	vmul.f32 $-6.933593750e-01, v6;
	_ =	sdelay $0x1  }
0x242: {  	v6 =	vmul.f32 $2.121944420e-04, v6;
	v3 =	vadd.f32 v7, v3;
	_ =	sdelay $0x1  }
0x243: {  	v3 =	vadd.f32 v6, v3;
	_ =	sdelay $0x1  }
0x244: {  	v3 =	vmul.f32 $1.442695020e+00, v3;
	_ =	sdelay $0x1  }
0x245: {  	(erf) = vpow2.f32 v3;
	_ =	sdelay $0x7  }
0x246: {  	v3 =	vshll.u32 v5, $0x17  }
0x247: {  	v3 =	vadd.s32 $0x3F800000, v3;
	v5 =	vpop (erf)  }
0x248: {  	v3 =	vmul.f32 v3, v5;
	_ =	sdelay $0x1  }
0x249: {  	v3 =	vadd.f32 $1.000000000e+00, v3;
	_ =	sdelay $0x1  }
0x24a: {  	(erf) = vrcp.f32 v3;
	_ =	sdelay $0x5  }
0x24b: {  	s5 =	sadd.s32 $0x10, s5;
	v0 =	vadd.f32 v1, v0  }
0x24c: {  	p0 =	slt.u32 s5, $0xC30  }
.Ltmp1:
0x24d: {  	v0 =	vadd.f32 v2, v0;
	(pc) =	sbr.rel @p0 .LBB2_3-.Ltmp1, $4  }
0x24e: {  	v63 =	vpop (erf)  }
0x24f: {  	v0 =	vmul.f32 v63, v0  }
0x250: {  	s7 =	sadd.s32 $0x10, s7  }
0x251: {  	s8 =	sadd.s32 $0x10, s8;
	s9 =	sadd.s32 $0x10, s9;
	[tilespmem:s6+$0x0] =	vst v0;
	s6 =	sadd.s32 $0x10, s6  }
0x252: {  	s4 =	sadd.s32 s2, s4  }
0x253: {  	s5 =	simm.s32 $0x0;
	s6 =	simm.s32 $0x4980;
	s23 =	simm.s32 $0x2  }
0x254: {  	[hbm4b:s4+s5] =	stream.linear.scatter [tilespmem:s6], [sflag:$0x3], $0xC40, $0x38;
	[tilespmem:$0x6280] =	vst v63  }
0x255: {  	_ =	swait.ge [sflag:s23], $0xC40  }
0x256: {  	[sflag:s23] =	ssyncset.done $0x0  }
0x257: {  	[sflag:s23] =	ssyncadd.s32 $0xFFFFF3C0  }
0x258: {  	_ =	swait.ge [sflag:s23], $0xC40  }
0x259: {  	[sflag:s23] =	ssyncset.done $0x0  }
0x25a: {  	[sflag:s23] =	ssyncadd.s32 $0xFFFFF3C0  }
0x25b: {  	_ =	swait.ge [sflag:s23], $0xC40  }
0x25c: {  	[sflag:s23] =	ssyncset.done $0x0  }
0x25d: {  	s24 =	simm.s32 $0xCB0;
	[sflag:s23] =	ssyncadd.s32 $0xFFFFF3C0  }
0x25e: {  	s25 =	simm.s32 $0x2530;
	v27 =	vld [tilespmem:s24+$0x0]  }
0x25f: {  	v28 =	vld [tilespmem:s25+$0x0]  }
0x260: {  	s26 =	simm.s32 $0x3DB0;
	v51 =	vld [tilespmem:s25+$0xFFFFFF90]  }
0x261: {  	v8 =	vld [tilespmem:s26+$0x0]  }
0x262: {  	v5 =	vld [tilespmem:s24+$0xFFFFFFA0]  }
0x263: {  	v6 =	vld [tilespmem:s25+$0xFFFFFFA0]  }
0x264: {  	v9 =	vld [tilespmem:s24+$0xFFFFFFB0]  }
0x265: {  	v10 =	vld [tilespmem:s25+$0xFFFFFFB0]  }
0x266: {  	v11 =	vld [tilespmem:s24+$0xFFFFFFC0]  }
0x267: {  	v12 =	vld [tilespmem:s25+$0xFFFFFFC0]  }
0x268: {  	v13 =	vld [tilespmem:s24+$0xFFFFFFD0]  }
0x269: {  	v17 =	vld [tilespmem:s24+$0xFFFFFFF0]  }
0x26a: {  	v50 =	vld [tilespmem:s25+$0xFFFFFFF0]  }
0x26b: {  	v26 =	vld [tilespmem:s24+$0xFFFFFF90]  }
0x26c: {  	v52 =	vimm.f32 $-5.000000000e-01;
	v54 =	vld [tilespmem:s26+$0xFFFFFFB0];
	v0 =	vshrl.u32 v27, $0x10  }
0x26d: {  	v1 =	vshrl.u32 v28, $0x10;
	v2 =	vshrl.u32 v8, $0x10;
	v3 =	vshrl.u32 v51, $0x10  }
0x26e: {  	v14 =	vld [tilespmem:s25+$0xFFFFFFD0];
	v7 =	vshrl.u32 v5, $0x10;
	v19 =	vshrl.u32 v6, $0x10;
	v57 =	vshrl.u32 v9, $0x10  }
0x26f: {  	v16 =	vld [tilespmem:s25+$0xFFFFFFE0];
	v20 =	vshrl.u32 v10, $0x10;
	v21 =	vshrl.u32 v11, $0x10;
	v22 =	vshrl.u32 v12, $0x10  }
0x270: {  	v58 =	vshrl.u32 v13, $0x10;
	v31 =	vshrl.u32 v17, $0x10;
	v33 =	vshrl.u32 v50, $0x10  }
0x271: {  	v34 =	vshrl.u32 v26, $0x10;
	v44 =	vshrl.u32 v54, $0x10;
	v0 =	vand.u32 $0x1, v0  }
0x272: {  	v1 =	vand.u32 $0x1, v1;
	v2 =	vand.u32 $0x1, v2;
	v3 =	vand.u32 $0x1, v3  }
0x273: {  	v7 =	vand.u32 $0x1, v7;
	v24 =	vand.u32 $0x1, v19;
	v19 =	vshrl.u32 v14, $0x10  }
0x274: {  	v29 =	vand.u32 $0x1, v20;
	v30 =	vand.u32 $0x1, v21;
	v21 =	vshrl.u32 v16, $0x10  }
0x275: {  	v32 =	vand.u32 $0x1, v22;
	v34 =	vand.u32 $0x1, v34;
	v31 =	vand.u32 $0x1, v31  }
0x276: {  	v33 =	vand.u32 $0x1, v33;
	v61 =	vand.u32 $0x1, v44;
	v0 =	vadd.s32 v0, v27  }
0x277: {  	v1 =	vadd.s32 v1, v28;
	v2 =	vadd.s32 v2, v8;
	v35 =	vand.u32 $0x1, v19  }
0x278: {  	v37 =	vand.u32 $0x1, v21;
	v34 =	vadd.s32 v34, v26;
	v3 =	vadd.s32 v3, v51  }
0x279: {  	v38 =	vadd.s32 v7, v5;
	v39 =	vadd.s32 v24, v6;
	v29 =	vadd.s32 v29, v10  }
0x27a: {  	v30 =	vadd.s32 v30, v11;
	v32 =	vadd.s32 v32, v12;
	v31 =	vadd.s32 v31, v17  }
0x27b: {  	v33 =	vadd.s32 v33, v50;
	v27 =	vadd.f32 v28, v27;
	v5 =	vadd.f32 v6, v5  }
0x27c: {  	v6 =	vadd.f32 v10, v9;
	v10 =	vadd.f32 v14, v13;
	v0 =	vadd.s32 $0x7FFF, v0  }
0x27d: {  	v1 =	vadd.s32 $0x7FFF, v1;
	v2 =	vadd.s32 $0x7FFF, v2;
	v35 =	vadd.s32 v35, v14  }
0x27e: {  	v37 =	vadd.s32 v37, v16;
	v34 =	vadd.s32 $0x7FFF, v34;
	v3 =	vadd.s32 $0x7FFF, v3  }
0x27f: {  	v38 =	vadd.s32 $0x7FFF, v38;
	v39 =	vadd.s32 $0x7FFF, v39;
	v29 =	vadd.s32 $0x7FFF, v29  }
0x280: {  	v30 =	vadd.s32 $0x7FFF, v30;
	v32 =	vadd.s32 $0x7FFF, v32;
	v31 =	vadd.s32 $0x7FFF, v31  }
0x281: {  	v33 =	vadd.s32 $0x7FFF, v33;
	v0 =	vand.u32 $0xFFFF0000, v0;
	v1 =	vand.u32 $0xFFFF0000, v1  }
0x282: {  	v2 =	vand.u32 $0xFFFF0000, v2;
	v35 =	vadd.s32 $0x7FFF, v35;
	v37 =	vadd.s32 $0x7FFF, v37  }
0x283: {  	v34 =	vand.u32 $0xFFFF0000, v34;
	v3 =	vand.u32 $0xFFFF0000, v3;
	v38 =	vand.u32 $0xFFFF0000, v38  }
0x284: {  	v39 =	vand.u32 $0xFFFF0000, v39;
	v29 =	vand.u32 $0xFFFF0000, v29;
	v30 =	vand.u32 $0xFFFF0000, v30  }
0x285: {  	v32 =	vand.u32 $0xFFFF0000, v32;
	v31 =	vand.u32 $0xFFFF0000, v31;
	v33 =	vand.u32 $0xFFFF0000, v33  }
0x286: {  	v4 =	vmovc v15;
	v8 =	vadd.f32 v8, v27;
	v0 =	vmul.f32 v0, v15;
	v1 =	vmul.f32 v1, v18  }
0x287: {  	v21 =	vld [tilespmem:s26+$0xFFFFFFA0];
	v56 =	vmul.f32 v2, v25;
	v2 =	vand.u32 $0x1, v57;
	v34 =	vmul.f32 v34, v4  }
0x288: {  	v24 =	vld [tilespmem:s26+$0xFFFFFFD0];
	v35 =	vand.u32 $0xFFFF0000, v35;
	v3 =	vmul.f32 v3, v18;
	v38 =	vmul.f32 v38, v4  }
0x289: {  	v7 =	vld [tilespmem:s26+$0xFFFFFFF0];
	v39 =	vmul.f32 v39, v18;
	v29 =	vmul.f32 v29, v18;
	v0 =	vadd.f32 v1, v0  }
0x28a: {  	v37 =	vand.u32 $0xFFFF0000, v37;
	v30 =	vmul.f32 v30, v4;
	v32 =	vmul.f32 v32, v18  }
0x28b: {  	v31 =	vmul.f32 v31, v4;
	v33 =	vmul.f32 v33, v18;
	v0 =	vadd.f32 v56, v0  }
0x28c: {  	v2 =	vadd.s32 v2, v9;
	v35 =	vmul.f32 v35, v18;
	v37 =	vmul.f32 v37, v18  }
0x28d: {  	v1 =	vand.u32 $0x1, v58;
	v43 =	vshrl.u32 v21, $0x10;
	v0 =	vadd.f32 v0, v23  }
0x28e: {  	v15 =	vld [tilespmem:s24+$0xFFFFFFE0];
	v47 =	vshrl.u32 v24, $0x10;
	v49 =	vshrl.u32 v7, $0x10;
	v2 =	vadd.s32 $0x7FFF, v2  }
0x28f: {  	v3 =	vadd.f32 v3, v34;
	vm0 =	vge.f32 v0, $0.0e+00;
	v20 =	vmul.f32 $1.442695020e+00, v0  }
0x290: {  	v38 =	vadd.f32 v39, v38;
	v30 =	vadd.f32 v32, v30;
	v22 =	vsel vm0, $0x3F000000, v52  }
0x291: {  	v31 =	vadd.f32 v33, v31;
	v1 =	vadd.s32 v1, v13;
	v22 =	vadd.f32 v22, v20  }
0x292: {  	v60 =	vand.u32 $0x1, v43;
	v63 =	vand.u32 $0x1, v47;
	v2 =	vand.u32 $0xFFFF0000, v2  }
0x293: {  	v53 =	vmovc v23;
	v1 =	vadd.s32 $0x7FFF, v1;
	v23 =	vshrl.u32 v15, $0x10;
	v19 =	vtrunc.f32 v22  }
0x294: {  	v56 =	vand.u32 $0x1, v49;
	v36 =	vand.u32 $0x1, v23;
	v23 =	vld [tilespmem:s26+$0xFFFFFFC0];
	v22 =	vcvt.f32.s32 v19  }
0x295: {  	v44 =	vadd.s32 v63, v24;
	v2 =	vmul.f32 v2, v4;
	v1 =	vand.u32 $0xFFFF0000, v1;
	v20 =	vld [tilespmem:s26+$0xFFFFFF90]  }
0x296: {  	v1 =	vmul.f32 v1, v4;
	v36 =	vadd.s32 v36, v15;
	vm12 =	vgt.s32 v22, $0xFFFFFF82  }
0x297: {  	v2 =	vadd.f32 v29, v2;
	v36 =	vadd.s32 $0x7FFF, v36;
	v40 =	vnsel vm12, $0xFFFFFF82, v22;
	v22 =	vld [tilespmem:s26+$0xFFFFFFE0]  }
0x298: {  	v1 =	vadd.f32 v35, v1;
	v36 =	vand.u32 $0xFFFF0000, v36;
	vm0 =	vlt.s32 v40, $0x7E  }
0x299: {  	v36 =	vmul.f32 v36, v4;
	v45 =	vshrl.u32 v23, $0x10;
	v40 =	vnsel vm0, $0x7E, v40  }
0x29a: {  	v62 =	vand.u32 $0x1, v45;
	v42 =	vshrl.u32 v20, $0x10;
	v41 =	vcvt.s32.f32 v40  }
0x29b: {  	v27 =	vadd.f32 v37, v36;
	v43 =	vadd.s32 v62, v23;
	v59 =	vand.u32 $0x1, v42  }
0x29c: {  	v42 =	vadd.s32 v60, v21;
	v46 =	vmul.f32 $6.933593750e-01, v41;
	v48 =	vshrl.u32 v22, $0x10  }
0x29d: {  	v58 =	vadd.s32 $0x7FFF, v43;
	v42 =	vadd.s32 $0x7FFF, v42;
	v55 =	vand.u32 $0x1, v48  }
0x29e: {  	v41 =	vmul.f32 $2.121944420e-04, v41;
	v0 =	vsub.f32 v0, v46;
	v45 =	vadd.s32 v55, v22  }
0x29f: {  	v42 =	vand.u32 $0xFFFF0000, v42;
	v40 =	vshll.u32 v40, $0x17;
	v60 =	vadd.s32 $0x7FFF, v45  }
0x2a0: {  	v0 =	vadd.f32 v41, v0;
	v41 =	vadd.s32 v59, v20;
	v59 =	vadd.s32 $0x7FFF, v44  }
0x2a1: {  	v44 =	vand.u32 $0xFFFF0000, v60;
	v41 =	vadd.s32 $0x7FFF, v41;
	v43 =	vand.u32 $0xFFFF0000, v59  }
0x2a2: {  	v44 =	vmul.f32 v44, v25;
	v0 =	vmul.f32 $1.442695020e+00, v0;
	v41 =	vand.u32 $0xFFFF0000, v41  }
0x2a3: {  	v40 =	vadd.s32 $0x3F800000, v40;
	v43 =	vmul.f32 v43, v25;
	v63 =	vmul.f32 v41, v25  }
0x2a4: {  	v46 =	vadd.s32 v56, v7;
	v41 =	vmul.f32 v42, v25;
	(erf) = vpow2.f32 v0  }
0x2a5: {  	v27 =	vadd.f32 v44, v27;
	v0 =	vadd.s32 v61, v54;
	v61 =	vadd.s32 $0x7FFF, v46  }
0x2a6: {  	v1 =	vadd.f32 v43, v1;
	v0 =	vadd.s32 $0x7FFF, v0;
	v3 =	vadd.f32 v63, v3  }
0x2a7: {  	v62 =	vand.u32 $0xFFFF0000, v61;
	v29 =	vadd.f32 v41, v38;
	v27 =	vadd.f32 v27, v53  }
0x2a8: {  	v0 =	vand.u32 $0xFFFF0000, v0;
	v45 =	vmul.f32 v62, v25;
	v1 =	vadd.f32 v1, v53  }
0x2a9: {  	v0 =	vmul.f32 v0, v25;
	v3 =	vadd.f32 v3, v53;
	v29 =	vadd.f32 v29, v53  }
0x2aa: {  	vm5 =	vge.f32 v27, $0.0e+00;
	vm4 =	vge.f32 v1, $0.0e+00;
	v56 =	vmul.f32 $1.442695020e+00, v1  }
0x2ab: {  	v0 =	vadd.f32 v0, v2;
	v2 =	vadd.f32 v45, v31;
	vm13 =	vge.f32 v3, $0.0e+00  }
0x2ac: {  	v47 =	vmul.f32 $1.442695020e+00, v3;
	vm1 =	vge.f32 v29, $0.0e+00;
	v48 =	vmul.f32 $1.442695020e+00, v29  }
0x2ad: {  	v63 =	vsel vm4, $0x3F000000, v52;
	v45 =	vsel vm5, $0x3F000000, v52;
	v60 =	vsel vm1, $0x3F000000, v52;
	v57 =	vpop (erf)  }
0x2ae: {  	v34 =	vadd.f32 v63, v56;
	v0 =	vadd.f32 v0, v53;
	v40 =	vmul.f32 v40, v57  }
0x2af: {  	v2 =	vadd.f32 v2, v53;
	v31 =	vadd.f32 v60, v48;
	v57 =	vmul.f32 $1.442695020e+00, v27  }
0x2b0: {  	v34 =	vtrunc.f32 v34;
	vm2 =	vge.f32 v0, $0.0e+00;
	v40 =	vadd.f32 $1.000000000e+00, v40  }
0x2b1: {  	v49 =	vmul.f32 $1.442695020e+00, v0;
	v31 =	vtrunc.f32 v31;
	v35 =	vadd.f32 v45, v57  }
0x2b2: {  	v48 =	vcvt.f32.s32 v34;
	(erf) = vrcp.f32 v40;
	v40 =	vand.u32 $0xFFFF0000, v58  }
0x2b3: {  	v61 =	vsel vm2, $0x3F000000, v52;
	v35 =	vtrunc.f32 v35;
	v42 =	vmul.f32 v40, v25  }
0x2b4: {  	v31 =	vcvt.f32.s32 v31;
	v32 =	vadd.f32 v61, v49;
	v49 =	vcvt.f32.s32 v35  }
0x2b5: {  	vm14 =	vge.f32 v2, $0.0e+00;
	v59 =	vmul.f32 $1.442695020e+00, v2;
	v30 =	vadd.f32 v42, v30  }
0x2b6: {  	vm11 =	vgt.s32 v48, $0xFFFFFF82;
	vm8 =	vgt.s32 v31, $0xFFFFFF82;
	vm12 =	vgt.s32 v49, $0xFFFFFF82  }
0x2b7: {  	v58 =	vsel vm13, $0x3F000000, v52;
	v34 =	vnsel vm12, $0xFFFFFF82, v49;
	v28 =	vadd.f32 v30, v53  }
0x2b8: {  	v32 =	vtrunc.f32 v32;
	v30 =	vadd.f32 v58, v47;
	vm5 =	vlt.s32 v34, $0x7E  }
0x2b9: {  	v34 =	vnsel vm5, $0x7E, v34;
	vm3 =	vge.f32 v28, $0.0e+00;
	v55 =	vmul.f32 $1.442695020e+00, v28  }
0x2ba: {  	v30 =	vtrunc.f32 v30;
	v58 =	vcvt.s32.f32 v34;
	v62 =	vsel vm3, $0x3F000000, v52  }
0x2bb: {  	v31 =	vnsel vm8, $0xFFFFFF82, v31;
	v30 =	vcvt.f32.s32 v30;
	v46 =	vpop (erf);
	v33 =	vadd.f32 v62, v55  }
0x2bc: {  	v49 =	vmul.f32 $6.933593750e-01, v58;
	v8 =	vmul.f32 v46, v8;
	v46 =	vsel vm14, $0x3F000000, v52  }
0x2bd: {  	vm15 =	vgt.s32 v30, $0xFFFFFF82;
	v36 =	vadd.f32 v46, v59;
	v33 =	vtrunc.f32 v33  }
0x2be: {  	v30 =	vnsel vm15, $0xFFFFFF82, v30;
	vm15 =	vlt.s32 v31, $0x7E;
	v27 =	vsub.f32 v27, v49  }
0x2bf: {  	[tilespmem:$0x1FEA0] =	vst v8;
	v8 =	vadd.f32 v51, v26;
	v26 =	vcvt.f32.s32 v32;
	v47 =	vcvt.f32.s32 v33  }
0x2c0: {  	v33 =	vnsel vm11, $0xFFFFFF82, v48;
	vm14 =	vlt.s32 v30, $0x7E;
	v31 =	vnsel vm15, $0x7E, v31  }
0x2c1: {  	v36 =	vtrunc.f32 v36;
	v30 =	vnsel vm14, $0x7E, v30;
	v37 =	vcvt.s32.f32 v31  }
0x2c2: {  	vm4 =	vlt.s32 v33, $0x7E;
	v51 =	vcvt.f32.s32 v36;
	v36 =	vcvt.s32.f32 v30  }
0x2c3: {  	vm9 =	vgt.s32 v26, $0xFFFFFF82;
	vm10 =	vgt.s32 v47, $0xFFFFFF82;
	v33 =	vnsel vm4, $0x7E, v33  }
0x2c4: {  	v26 =	vnsel vm9, $0xFFFFFF82, v26;
	v57 =	vcvt.s32.f32 v33;
	v59 =	vmul.f32 $6.933593750e-01, v36  }
0x2c5: {  	v32 =	vnsel vm10, $0xFFFFFF82, v47;
	v61 =	vmul.f32 $6.933593750e-01, v37;
	v37 =	vmul.f32 $2.121944420e-04, v37  }
0x2c6: {  	vm2 =	vlt.s32 v26, $0x7E;
	v36 =	vmul.f32 $2.121944420e-04, v36;
	v3 =	vsub.f32 v3, v59  }
0x2c7: {  	vm3 =	vlt.s32 v32, $0x7E;
	v26 =	vnsel vm2, $0x7E, v26;
	v29 =	vsub.f32 v29, v61  }
0x2c8: {  	v32 =	vnsel vm3, $0x7E, v32;
	v55 =	vcvt.s32.f32 v26;
	v3 =	vadd.f32 v36, v3  }
0x2c9: {  	vm13 =	vgt.s32 v51, $0xFFFFFF82;
	v56 =	vcvt.s32.f32 v32;
	v29 =	vadd.f32 v37, v29  }
0x2ca: {  	v35 =	vnsel vm13, $0xFFFFFF82, v51;
	v62 =	vmul.f32 $6.933593750e-01, v55;
	v3 =	vmul.f32 $1.442695020e+00, v3  }
0x2cb: {  	vm6 =	vlt.s32 v35, $0x7E;
	v63 =	vmul.f32 $6.933593750e-01, v56;
	v29 =	vmul.f32 $1.442695020e+00, v29  }
0x2cc: {  	v38 =	vmul.f32 $2.121944420e-04, v55;
	v0 =	vsub.f32 v0, v62;
	(erf) = vpow2.f32 v3  }
0x2cd: {  	v48 =	vmul.f32 $6.933593750e-01, v57;
	v35 =	vnsel vm6, $0x7E, v35;
	(erf) = vpow2.f32 v29  }
0x2ce: {  	v39 =	vmul.f32 $2.121944420e-04, v56;
	v28 =	vsub.f32 v28, v63;
	v0 =	vadd.f32 v38, v0  }
0x2cf: {  	v1 =	vsub.f32 v1, v48;
	v60 =	vcvt.s32.f32 v35;
	v55 =	vmul.f32 $2.121944420e-04, v57  }
0x2d0: {  	v56 =	vmul.f32 $2.121944420e-04, v58;
	v28 =	vadd.f32 v39, v28;
	v0 =	vmul.f32 $1.442695020e+00, v0  }
0x2d1: {  	v9 =	vadd.f32 v12, v11;
	v51 =	vmul.f32 $6.933593750e-01, v60;
	v1 =	vadd.f32 v55, v1  }
0x2d2: {  	v27 =	vadd.f32 v56, v27;
	v58 =	vmul.f32 $1.442695020e+00, v28;
	(erf) = vpow2.f32 v0  }
0x2d3: {  	v11 =	vadd.f32 v16, v15;
	v57 =	vmul.f32 $2.121944420e-04, v60;
	v1 =	vmul.f32 $1.442695020e+00, v1  }
0x2d4: {  	v31 =	vshll.u32 v31, $0x17;
	v27 =	vmul.f32 $1.442695020e+00, v27;
	(erf) = vpow2.f32 v58  }
0x2d5: {  	v63 =	vadd.s32 $0x3F800000, v31;
	v2 =	vsub.f32 v2, v51;
	(erf) = vpow2.f32 v1;
	v12 =	vpop (erf)  }
0x2d6: {  	v38 =	vadd.f32 v20, v8;
	v8 =	vadd.f32 v21, v5;
	(erf) = vpow2.f32 v27;
	v5 =	vpop (erf)  }
0x2d7: {  	s29 =	simm.s32 $0x25B0;
	v20 =	vadd.f32 v23, v9;
	v9 =	vmul.f32 v63, v5;
	v5 =	vadd.f32 v24, v10  }
0x2d8: {  	s28 =	simm.s32 $0xD30;
	v41 =	vld [tilespmem:s29+$0x0];
	v30 =	vshll.u32 v30, $0x17;
	v59 =	vshll.u32 v33, $0x17;
	v2 =	vadd.f32 v57, v2  }
0x2d9: {  	v33 =	vadd.f32 v50, v17;
	v17 =	vld [tilespmem:s28+$0x0];
	v62 =	vadd.s32 $0x3F800000, v30;
	[tilespmem:$0x1FE80] =	vst v5;
	v5 =	vadd.f32 v22, v11  }
0x2da: {  	v26 =	vshll.u32 v26, $0x17;
	v2 =	vmul.f32 $1.442695020e+00, v2;
	v1 =	vmul.f32 v62, v12  }
0x2db: {  	s30 =	simm.s32 $0x3E30;
	v26 =	vadd.s32 $0x3F800000, v26;
	v60 =	vshll.u32 v34, $0x17;
	v21 =	vadd.f32 v54, v6;
	v6 =	vpop (erf);
	v34 =	vld [tilespmem:s29+$0xFFFFFF90];
	[tilespmem:$0x1FE90] =	vst v5  }
0x2dc: {  	(erf) = vpow2.f32 v2;
	v1 =	vadd.f32 $1.000000000e+00, v1;
	v10 =	vmul.f32 v26, v6;
	v42 =	vld [tilespmem:s30+$0x0]  }
0x2dd: {  	v11 =	vadd.f32 $1.000000000e+00, v9;
	v12 =	vpop (erf);
	v9 =	vld [tilespmem:s28+$0xFFFFFFA0]  }
0x2de: {  	v32 =	vshll.u32 v32, $0x17;
	v13 =	vpop (erf);
	(erf) = vrcp.f32 v1;
	v5 =	vadd.f32 $1.000000000e+00, v10;
	v10 =	vld [tilespmem:s29+$0xFFFFFFA0]  }
0x2df: {  	v48 =	vshrl.u32 v41, $0x10;
	v61 =	vshll.u32 v35, $0x17;
	v45 =	vpop (erf);
	(erf) = vrcp.f32 v11;
	v11 =	vld [tilespmem:s28+$0xFFFFFFB0]  }
0x2e0: {  	v7 =	vadd.f32 v7, v33;
	v31 =	vadd.s32 $0x3F800000, v59;
	v2 =	vand.u32 $0x1, v48;
	v15 =	vld [tilespmem:s28+$0xFFFFFFC0]  }
0x2e1: {  	v47 =	vshrl.u32 v17, $0x10;
	v3 =	vadd.s32 $0x3F800000, v61;
	v2 =	vadd.s32 v2, v41;
	v16 =	vld [tilespmem:s29+$0xFFFFFFC0]  }
0x2e2: {  	v0 =	vadd.s32 $0x3F800000, v60;
	v27 =	vadd.s32 $0x3F800000, v32;
	v2 =	vadd.s32 $0x7FFF, v2;
	v22 =	vld [tilespmem:s28+$0xFFFFFFD0]  }
0x2e3: {  	v2 =	vand.u32 $0xFFFF0000, v2;
	v12 =	vmul.f32 v27, v12;
	v1 =	vand.u32 $0x1, v47;
	v24 =	vld [tilespmem:s28+$0xFFFFFFE0]  }
0x2e4: {  	v2 =	vmul.f32 v2, v18;
	v35 =	vmul.f32 v31, v13;
	v1 =	vadd.s32 v1, v17;
	v6 =	vld [tilespmem:s29+$0xFFFFFFE0]  }
0x2e5: {  	v26 =	vld [tilespmem:s28+$0xFFFFFFF0];
	v17 =	vadd.f32 v41, v17;
	v40 =	vadd.f32 $1.000000000e+00, v12;
	v46 =	vpop (erf);
	v1 =	vadd.s32 $0x7FFF, v1  }
0x2e6: {  	v27 =	vld [tilespmem:s29+$0xFFFFFFF0];
	v37 =	vmul.f32 v3, v46;
	v1 =	vand.u32 $0xFFFF0000, v1;
	v49 =	vshrl.u32 v34, $0x10  }
0x2e7: {  	v39 =	vld [tilespmem:s28+$0xFFFFFF90];
	v36 =	vmul.f32 v0, v45;
	v1 =	vmul.f32 v1, v4;
	v0 =	vand.u32 $0x1, v49  }
0x2e8: {  	v12 =	vld [tilespmem:s29+$0xFFFFFFB0];
	v33 =	vadd.f32 $1.000000000e+00, v37;
	v50 =	vshrl.u32 v42, $0x10;
	v13 =	vshrl.u32 v9, $0x10  }
0x2e9: {  	v23 =	vld [tilespmem:s29+$0xFFFFFFD0];
	v14 =	vshrl.u32 v10, $0x10;
	v51 =	vshrl.u32 v11, $0x10;
	v1 =	vadd.f32 v2, v1  }
0x2ea: {  	v56 =	vshrl.u32 v15, $0x10;
	v57 =	vshrl.u32 v16, $0x10;
	v58 =	vshrl.u32 v22, $0x10  }
0x2eb: {  	v59 =	vshrl.u32 v24, $0x10;
	v60 =	vshrl.u32 v6, $0x10;
	v32 =	vshrl.u32 v26, $0x10  }
0x2ec: {  	v63 =	vshrl.u32 v27, $0x10;
	v0 =	vadd.s32 v0, v34;
	v17 =	vadd.f32 v42, v17  }
0x2ed: {  	v34 =	vadd.f32 v34, v39;
	v3 =	vand.u32 $0x1, v50;
	v55 =	vshrl.u32 v12, $0x10  }
0x2ee: {  	v2 =	vand.u32 $0x1, v13;
	v13 =	vand.u32 $0x1, v14;
	v14 =	vshrl.u32 v23, $0x10  }
0x2ef: {  	v43 =	vand.u32 $0x1, v51;
	v44 =	vand.u32 $0x1, v56;
	v62 =	vand.u32 $0x1, v57  }
0x2f0: {  	v31 =	vld [tilespmem:s30+$0xFFFFFF90];
	v56 =	vshrl.u32 v39, $0x10;
	v57 =	vand.u32 $0x1, v58;
	v59 =	vand.u32 $0x1, v59  }
0x2f1: {  	v30 =	vld [tilespmem:s30+$0xFFFFFFA0];
	v60 =	vand.u32 $0x1, v60;
	v47 =	vand.u32 $0x1, v63;
	v0 =	vadd.s32 $0x7FFF, v0  }
0x2f2: {  	v29 =	vld [tilespmem:s30+$0xFFFFFFC0];
	v3 =	vadd.s32 v3, v42;
	v48 =	vand.u32 $0x1, v56;
	v58 =	vand.u32 $0x1, v14  }
0x2f3: {  	v2 =	vadd.s32 v2, v9;
	v43 =	vadd.s32 v43, v11;
	v3 =	vadd.s32 $0x7FFF, v3  }
0x2f4: {  	v44 =	vadd.s32 v44, v15;
	v46 =	vadd.s32 v62, v16;
	v3 =	vand.u32 $0xFFFF0000, v3  }
0x2f5: {  	v49 =	vadd.s32 v57, v22;
	v51 =	vadd.s32 v59, v24;
	v54 =	vmul.f32 v3, v25  }
0x2f6: {  	v47 =	vadd.s32 v47, v27;
	v56 =	vshrl.u32 v31, $0x10;
	v57 =	vshrl.u32 v30, $0x10  }
0x2f7: {  	v59 =	vshrl.u32 v29, $0x10;
	v0 =	vand.u32 $0xFFFF0000, v0;
	v1 =	vadd.f32 v54, v1  }
0x2f8: {  	v50 =	vadd.s32 v58, v23;
	v2 =	vadd.s32 $0x7FFF, v2;
	v43 =	vadd.s32 $0x7FFF, v43  }
0x2f9: {  	v44 =	vadd.s32 $0x7FFF, v44;
	v46 =	vadd.s32 $0x7FFF, v46;
	v1 =	vadd.f32 v1, v53  }
0x2fa: {  	v49 =	vadd.s32 $0x7FFF, v49;
	v51 =	vadd.s32 $0x7FFF, v51;
	v47 =	vadd.s32 $0x7FFF, v47  }
0x2fb: {  	v0 =	vmul.f32 v0, v18;
	vm9 =	vge.f32 v1, $0.0e+00;
	v61 =	vmul.f32 $1.442695020e+00, v1  }
0x2fc: {  	v50 =	vadd.s32 $0x7FFF, v50;
	v3 =	vand.u32 $0x1, v55;
	v55 =	vsel vm9, $0x3F000000, v52  }
0x2fd: {  	v2 =	vand.u32 $0xFFFF0000, v2;
	v43 =	vand.u32 $0xFFFF0000, v43;
	v45 =	vadd.f32 v55, v61  }
0x2fe: {  	v44 =	vand.u32 $0xFFFF0000, v44;
	v46 =	vand.u32 $0xFFFF0000, v46;
	v49 =	vand.u32 $0xFFFF0000, v49  }
0x2ff: {  	v51 =	vand.u32 $0xFFFF0000, v51;
	v47 =	vand.u32 $0xFFFF0000, v47;
	v14 =	vtrunc.f32 v45  }
0x300: {  	v50 =	vand.u32 $0xFFFF0000, v50;
	v2 =	vmul.f32 v2, v4;
	v14 =	vcvt.f32.s32 v14  }
0x301: {  	v43 =	vmul.f32 v43, v4;
	v44 =	vmul.f32 v44, v4;
	v3 =	vadd.s32 v3, v12  }
0x302: {  	v28 =	vld [tilespmem:s30+$0xFFFFFFD0];
	v46 =	vmul.f32 v46, v18;
	v3 =	vadd.s32 $0x7FFF, v3;
	vm10 =	vgt.s32 v14, $0xFFFFFF82  }
0x303: {  	v49 =	vmul.f32 v49, v4;
	v3 =	vand.u32 $0xFFFF0000, v3;
	v62 =	vnsel vm10, $0xFFFFFF82, v14  }
0x304: {  	v51 =	vmul.f32 v51, v4;
	v3 =	vmul.f32 v3, v18;
	vm0 =	vlt.s32 v62, $0x7E  }
0x305: {  	v47 =	vmul.f32 v47, v18;
	v50 =	vmul.f32 v50, v18;
	v54 =	vnsel vm0, $0x7E, v62  }
0x306: {  	v44 =	vadd.f32 v46, v44;
	v3 =	vadd.f32 v3, v43;
	v55 =	vcvt.s32.f32 v54  }
0x307: {  	v52 =	vadd.s32 v60, v6;
	v60 =	vshrl.u32 v28, $0x10;
	v61 =	vand.u32 $0x1, v32  }
0x308: {  	v19 =	vmovc v53;
	v52 =	vadd.s32 $0x7FFF, v52;
	v53 =	vadd.s32 v61, v26;
	v61 =	vmul.f32 $6.933593750e-01, v55  }
0x309: {  	v52 =	vand.u32 $0xFFFF0000, v52;
	v45 =	vadd.s32 v48, v39;
	v48 =	vadd.s32 v13, v10  }
0x30a: {  	v32 =	vld [tilespmem:s30+$0xFFFFFFB0];
	v53 =	vadd.s32 $0x7FFF, v53;
	v55 =	vmul.f32 $2.121944420e-04, v55;
	v1 =	vsub.f32 v1, v61  }
0x30b: {  	v13 =	vld [tilespmem:s30+$0xFFFFFFE0];
	v52 =	vmul.f32 v52, v18;
	v45 =	vadd.s32 $0x7FFF, v45;
	v48 =	vadd.s32 $0x7FFF, v48  }
0x30c: {  	v53 =	vand.u32 $0xFFFF0000, v53;
	v45 =	vand.u32 $0xFFFF0000, v45;
	v14 =	vld [tilespmem:s30+$0xFFFFFFF0];
	v1 =	vadd.f32 v55, v1  }
0x30d: {  	v48 =	vand.u32 $0xFFFF0000, v48;
	v53 =	vmul.f32 v53, v4;
	v45 =	vmul.f32 v45, v4  }
0x30e: {  	v52 =	vadd.f32 v52, v51;
	v48 =	vmul.f32 v48, v18;
	v1 =	vmul.f32 $1.442695020e+00, v1  }
0x30f: {  	v58 =	vshrl.u32 v32, $0x10;
	v47 =	vadd.f32 v47, v53;
	v0 =	vadd.f32 v0, v45  }
0x310: {  	v2 =	vadd.f32 v48, v2;
	v54 =	vshll.u32 v54, $0x17;
	(erf) = vpow2.f32 v1  }
0x311: {  	v62 =	vshrl.u32 v13, $0x10;
	v54 =	vadd.s32 $0x3F800000, v54;
	v63 =	vshrl.u32 v14, $0x10  }
0x312: {  	v55 =	vand.u32 $0x1, v56;
	v56 =	vand.u32 $0x1, v57;
	v57 =	vand.u32 $0x1, v58  }
0x313: {  	v58 =	vand.u32 $0x1, v60;
	v55 =	vadd.s32 v55, v31;
	v1 =	vand.u32 $0x1, v59  }
0x314: {  	v60 =	vand.u32 $0x1, v63;
	v55 =	vadd.s32 $0x7FFF, v55;
	v1 =	vadd.s32 v1, v29  }
0x315: {  	v56 =	vadd.s32 v56, v30;
	v55 =	vand.u32 $0xFFFF0000, v55;
	v1 =	vadd.s32 $0x7FFF, v1  }
0x316: {  	v57 =	vadd.s32 v57, v32;
	v41 =	vmul.f32 v55, v25;
	v1 =	vand.u32 $0xFFFF0000, v1  }
0x317: {  	v61 =	vpop (erf);
	v58 =	vadd.s32 v58, v28;
	v60 =	vadd.s32 v60, v14;
	v1 =	vmul.f32 v1, v25  }
0x318: {  	v56 =	vadd.s32 $0x7FFF, v56;
	v59 =	vand.u32 $0x1, v62;
	v62 =	vpop (erf);
	v0 =	vadd.f32 v41, v0  }
0x319: {  	v57 =	vadd.s32 $0x7FFF, v57;
	v56 =	vand.u32 $0xFFFF0000, v56;
	v1 =	vadd.f32 v1, v44;
	v63 =	vpop (erf)  }
0x31a: {  	v57 =	vand.u32 $0xFFFF0000, v57;
	v0 =	vadd.f32 v0, v19;
	v54 =	vmul.f32 v54, v63  }
0x31b: {  	v1 =	vadd.f32 v1, v19;
	v63 =	vadd.s32 $0x7FFF, v60;
	v60 =	vmul.f32 v57, v25  }
0x31c: {  	v59 =	vadd.s32 v59, v13;
	vm11 =	vge.f32 v0, $0.0e+00;
	v54 =	vadd.f32 $1.000000000e+00, v54  }
0x31d: {  	vm14 =	vge.f32 v1, $0.0e+00;
	v45 =	vand.u32 $0xFFFF0000, v63;
	v3 =	vadd.f32 v60, v3  }
0x31e: {  	(erf) = vrcp.f32 v54;
	v54 =	vadd.s32 $0x7FFF, v58;
	v58 =	vadd.s32 $0x7FFF, v59  }
0x31f: {  	v59 =	vmul.f32 v56, v25;
	v3 =	vadd.f32 v3, v19;
	v54 =	vand.u32 $0xFFFF0000, v54  }
0x320: {  	v58 =	vand.u32 $0xFFFF0000, v58;
	(erf) = vrcp.f32 v5;
	v5 =	vmul.f32 v62, v8  }
0x321: {  	v63 =	vadd.f32 v50, v49;
	v56 =	vmul.f32 v54, v25;
	v57 =	vmul.f32 v58, v25  }
0x322: {  	v2 =	vadd.f32 v59, v2;
	v58 =	vmul.f32 v45, v25;
	vm13 =	vge.f32 v3, $0.0e+00  }
0x323: {  	v44 =	vmul.f32 $1.442695020e+00, v3;
	v45 =	vmul.f32 $1.442695020e+00, v1;
	v41 =	vadd.f32 v56, v63  }
0x324: {  	[tilespmem:$0x1FEC0] =	vst v5;
	v5 =	vimm.f32 $-5.000000000e-01;
	v59 =	vadd.f32 v57, v52;
	v42 =	vadd.f32 v58, v47  }
0x325: {  	v2 =	vadd.f32 v2, v19;
	v51 =	vsel vm13, $0x3F000000, v5;
	v52 =	vsel vm14, $0x3F000000, v5  }
0x326: {  	(erf) = vrcp.f32 v40;
	v44 =	vadd.f32 v51, v44;
	v45 =	vadd.f32 v52, v45  }
0x327: {  	v48 =	vsel vm11, $0x3F000000, v5;
	v40 =	vadd.f32 v41, v19;
	v41 =	vadd.f32 v59, v19  }
0x328: {  	vm12 =	vge.f32 v2, $0.0e+00;
	v42 =	vadd.f32 v42, v19;
	v43 =	vmul.f32 $1.442695020e+00, v2  }
0x329: {  	v50 =	vsel vm12, $0x3F000000, v5;
	v44 =	vtrunc.f32 v44;
	v45 =	vtrunc.f32 v45  }
0x32a: {  	vm15 =	vge.f32 v40, $0.0e+00;
	v46 =	vmul.f32 $1.442695020e+00, v40;
	vm8 =	vge.f32 v41, $0.0e+00  }
0x32b: {  	v47 =	vmul.f32 $1.442695020e+00, v41;
	vm9 =	vge.f32 v42, $0.0e+00;
	v49 =	vmul.f32 $1.442695020e+00, v42  }
0x32c: {  	v43 =	vadd.f32 v50, v43;
	v56 =	vcvt.f32.s32 v44;
	v57 =	vcvt.f32.s32 v45;
	v55 =	vpop (erf)  }
0x32d: {  	v60 =	vsel vm15, $0x3F000000, v5;
	v62 =	vsel vm9, $0x3F000000, v5;
	v17 =	vmul.f32 v55, v17  }
0x32e: {  	v53 =	vpop (erf);
	v51 =	vadd.f32 v60, v46;
	v43 =	vtrunc.f32 v43;
	vm12 =	vgt.s32 v56, $0xFFFFFF82  }
0x32f: {  	vm13 =	vgt.s32 v57, $0xFFFFFF82;
	v21 =	vmul.f32 v53, v21;
	v53 =	vadd.f32 v62, v49  }
0x330: {  	v43 =	vcvt.f32.s32 v43;
	v37 =	vnsel vm12, $0xFFFFFF82, v56;
	v39 =	vnsel vm13, $0xFFFFFF82, v57  }
0x331: {  	v63 =	vpop (erf);
	[tilespmem:$0x1FEB0] =	vst v17;
	v17 =	vmul.f32 v61, v38;
	v38 =	vmul.f32 $1.442695020e+00, v0;
	v61 =	vsel vm8, $0x3F000000, v5  }
0x332: {  	v5 =	vimm.f32 $-5.000000000e-01;
	v20 =	vmul.f32 v63, v20;
	v54 =	vtrunc.f32 v51  }
0x333: {  	vm2 =	vlt.s32 v37, $0x7E;
	vm3 =	vlt.s32 v39, $0x7E;
	v52 =	vadd.f32 v61, v47  }
0x334: {  	v47 =	vtrunc.f32 v53;
	v58 =	vcvt.f32.s32 v54;
	vm11 =	vgt.s32 v43, $0xFFFFFF82  }
0x335: {  	v37 =	vnsel vm2, $0x7E, v37;
	v39 =	vnsel vm3, $0x7E, v39;
	v38 =	vadd.f32 v48, v38  }
0x336: {  	v60 =	vcvt.f32.s32 v47;
	v43 =	vnsel vm11, $0xFFFFFF82, v43;
	v51 =	vcvt.s32.f32 v39  }
0x337: {  	v39 =	vshll.u32 v39, $0x17;
	v46 =	vtrunc.f32 v52;
	vm14 =	vgt.s32 v58, $0xFFFFFF82  }
0x338: {  	v39 =	vadd.s32 $0x3F800000, v39;
	v48 =	vtrunc.f32 v38;
	v38 =	vadd.f32 $1.000000000e+00, v35  }
0x339: {  	v35 =	vadd.f32 $1.000000000e+00, v36;
	v59 =	vcvt.f32.s32 v46;
	vm8 =	vgt.s32 v60, $0xFFFFFF82  }
0x33a: {  	v44 =	vnsel vm14, $0xFFFFFF82, v58;
	v57 =	vmul.f32 $6.933593750e-01, v51;
	v51 =	vmul.f32 $2.121944420e-04, v51  }
0x33b: {  	v55 =	vcvt.f32.s32 v48;
	v46 =	vnsel vm8, $0xFFFFFF82, v60;
	vm4 =	vlt.s32 v44, $0x7E  }
0x33c: {  	vm15 =	vgt.s32 v59, $0xFFFFFF82;
	vm11 =	vlt.s32 v46, $0x7E;
	v44 =	vnsel vm4, $0x7E, v44  }
0x33d: {  	v1 =	vsub.f32 v1, v57;
	vm10 =	vgt.s32 v55, $0xFFFFFF82;
	v45 =	vnsel vm15, $0xFFFFFF82, v59  }
0x33e: {  	v50 =	vnsel vm11, $0x7E, v46;
	v46 =	vcvt.s32.f32 v37;
	v52 =	vcvt.s32.f32 v44  }
0x33f: {  	v37 =	vshll.u32 v37, $0x17;
	v44 =	vshll.u32 v44, $0x17;
	v36 =	vnsel vm10, $0xFFFFFF82, v55  }
0x340: {  	vm10 =	vlt.s32 v43, $0x7E;
	vm5 =	vlt.s32 v45, $0x7E;
	v54 =	vcvt.s32.f32 v50  }
0x341: {  	v1 =	vadd.f32 v51, v1;
	v50 =	vshll.u32 v50, $0x17;
	v37 =	vadd.s32 $0x3F800000, v37  }
0x342: {  	vm9 =	vlt.s32 v36, $0x7E;
	v43 =	vnsel vm10, $0x7E, v43;
	v56 =	vmul.f32 $6.933593750e-01, v46  }
0x343: {  	s31 =	simm.s32 $0xDB0;
	v45 =	vnsel vm5, $0x7E, v45;
	v58 =	vmul.f32 $6.933593750e-01, v52;
	v52 =	vmul.f32 $2.121944420e-04, v52  }
0x344: {  	v47 =	vld [tilespmem:s31+$0x0];
	v36 =	vnsel vm9, $0x7E, v36;
	v49 =	vcvt.s32.f32 v43;
	v53 =	vcvt.s32.f32 v45  }
0x345: {  	v43 =	vshll.u32 v43, $0x17;
	v59 =	vmul.f32 $6.933593750e-01, v54;
	v1 =	vmul.f32 $1.442695020e+00, v1  }
0x346: {  	v45 =	vshll.u32 v45, $0x17;
	v61 =	vcvt.s32.f32 v36;
	v36 =	vshll.u32 v36, $0x17  }
0x347: {  	v40 =	vsub.f32 v40, v58;
	v58 =	vmul.f32 $2.121944420e-04, v46;
	v63 =	vmul.f32 $6.933593750e-01, v49  }
0x348: {  	v3 =	vsub.f32 v3, v56;
	v55 =	vmul.f32 $6.933593750e-01, v53;
	v49 =	vmul.f32 $2.121944420e-04, v49  }
0x349: {  	s5 =	simm.s32 $0x3EB0;
	v42 =	vsub.f32 v42, v59;
	v53 =	vmul.f32 $2.121944420e-04, v53;
	v59 =	vshrl.u32 v47, $0x10  }
0x34a: {  	s4 =	simm.s32 $0x2630;
	v46 =	vld [tilespmem:s5+$0x0];
	v57 =	vadd.s32 $0x3F800000, v36;
	v62 =	vmul.f32 $6.933593750e-01, v61;
	v3 =	vadd.f32 v58, v3  }
0x34b: {  	v48 =	vld [tilespmem:s4+$0x0];
	v40 =	vadd.f32 v52, v40;
	v58 =	vadd.s32 $0x3F800000, v43;
	v43 =	vadd.f32 v27, v26  }
0x34c: {  	v60 =	vmul.f32 $2.121944420e-04, v61;
	v2 =	vsub.f32 v2, v63;
	v41 =	vsub.f32 v41, v55  }
0x34d: {  	v0 =	vsub.f32 v0, v62;
	v3 =	vmul.f32 $1.442695020e+00, v3;
	v40 =	vmul.f32 $1.442695020e+00, v40  }
0x34e: {  	v14 =	vadd.f32 v14, v43;
	v2 =	vadd.f32 v49, v2;
	v49 =	vmul.f32 $2.121944420e-04, v54  }
0x34f: {  	v54 =	vand.u32 $0x1, v59;
	v61 =	vshrl.u32 v46, $0x10;
	v41 =	vadd.f32 v53, v41  }
0x350: {  	v0 =	vadd.f32 v60, v0;
	v60 =	vshrl.u32 v48, $0x10;
	v54 =	vadd.s32 v54, v47  }
0x351: {  	v56 =	vand.u32 $0x1, v61;
	v61 =	vadd.s32 $0x3F800000, v44;
	v47 =	vadd.f32 v48, v47  }
0x352: {  	v55 =	vand.u32 $0x1, v60;
	v54 =	vadd.s32 $0x7FFF, v54;
	v56 =	vadd.s32 v56, v46  }
0x353: {  	v2 =	vmul.f32 $1.442695020e+00, v2;
	v42 =	vadd.f32 v49, v42;
	v55 =	vadd.s32 v55, v48  }
0x354: {  	v41 =	vmul.f32 $1.442695020e+00, v41;
	v49 =	vadd.f32 v31, v34;
	v55 =	vadd.s32 $0x7FFF, v55  }
0x355: {  	v0 =	vmul.f32 $1.442695020e+00, v0;
	v54 =	vand.u32 $0xFFFF0000, v54;
	v55 =	vand.u32 $0xFFFF0000, v55  }
0x356: {  	v56 =	vadd.s32 $0x7FFF, v56;
	v54 =	vmul.f32 v54, v4;
	v55 =	vmul.f32 v55, v18  }
0x357: {  	v46 =	vadd.f32 v46, v47;
	v62 =	vand.u32 $0xFFFF0000, v56;
	(erf) = vpow2.f32 v0  }
0x358: {  	v51 =	vmul.f32 v62, v25;
	(erf) = vpow2.f32 v2;
	v63 =	vadd.f32 v55, v54  }
0x359: {  	v42 =	vmul.f32 $1.442695020e+00, v42;
	v62 =	vadd.s32 $0x3F800000, v45;
	(erf) = vpow2.f32 v3  }
0x35a: {  	(erf) = vpow2.f32 v1;
	v56 =	vadd.f32 v51, v63;
	v63 =	vadd.f32 v10, v9  }
0x35b: {  	(erf) = vpow2.f32 v40;
	v9 =	vadd.f32 v12, v11;
	v11 =	vadd.f32 v16, v15  }
0x35c: {  	(erf) = vpow2.f32 v41;
	v12 =	vadd.f32 v23, v22;
	v41 =	vadd.f32 v6, v24  }
0x35d: {  	v10 =	vadd.s32 $0x3F800000, v50;
	v23 =	vld [tilespmem:s4+$0xFFFFFF90];
	v52 =	vadd.f32 v56, v19;
	v50 =	vadd.f32 v30, v63  }
0x35e: {  	v22 =	vld [tilespmem:s31+$0xFFFFFFA0];
	(erf) = vpow2.f32 v42;
	v44 =	vadd.f32 v32, v9;
	v45 =	vadd.f32 v29, v11  }
0x35f: {  	v36 =	vld [tilespmem:s31+$0xFFFFFFF0];
	(erf) = vrcp.f32 v38;
	v9 =	vadd.f32 v28, v12;
	v13 =	vadd.f32 v13, v41  }
0x360: {  	(erf) = vrcp.f32 v35;
	v35 =	vld [tilespmem:s4+$0xFFFFFFE0];
	vm12 =	vge.f32 v52, $0.0e+00;
	v59 =	vmul.f32 $1.442695020e+00, v52;
	v34 =	vpop (erf)  }
0x361: {  	v60 =	vsel vm12, $0x3F000000, v5;
	v0 =	vmul.f32 v57, v34;
	v38 =	vpop (erf);
	(erf) = vrcp.f32 v33  }
0x362: {  	v31 =	vld [tilespmem:s4+$0xFFFFFFC0];
	v2 =	vadd.f32 v60, v59;
	v1 =	vmul.f32 v58, v38;
	v11 =	vpop (erf);
	v58 =	vshrl.u32 v23, $0x10  }
0x363: {  	v32 =	vld [tilespmem:s31+$0xFFFFFFD0];
	v60 =	vshrl.u32 v22, $0x10;
	v11 =	vmul.f32 v37, v11;
	v0 =	vadd.f32 $1.000000000e+00, v0  }
0x364: {  	v12 =	vpop (erf);
	v3 =	vand.u32 $0x1, v60;
	v60 =	vshrl.u32 v36, $0x10;
	v2 =	vtrunc.f32 v2  }
0x365: {  	v33 =	vld [tilespmem:s4+$0xFFFFFFD0];
	v1 =	vadd.f32 $1.000000000e+00, v1;
	v12 =	vmul.f32 v39, v12;
	v63 =	vshrl.u32 v35, $0x10  }
0x366: {  	v16 =	vpop (erf);
	v60 =	vand.u32 $0x1, v60;
	v3 =	vadd.s32 v3, v22;
	v2 =	vcvt.f32.s32 v2  }
0x367: {  	v24 =	vld [tilespmem:s4+$0xFFFFFFA0];
	v51 =	vadd.f32 $1.000000000e+00, v11;
	v26 =	vmul.f32 v61, v16;
	(erf) = vrcp.f32 v0  }
0x368: {  	v42 =	vpop (erf);
	v16 =	vshrl.u32 v31, $0x10;
	v0 =	vand.u32 $0x1, v58;
	v61 =	vshrl.u32 v32, $0x10  }
0x369: {  	v60 =	vadd.s32 v60, v36;
	v3 =	vadd.s32 $0x7FFF, v3;
	v29 =	vmul.f32 v62, v42  }
0x36a: {  	v38 =	vld [tilespmem:s31+$0xFFFFFF90];
	(erf) = vrcp.f32 v1;
	v62 =	vshrl.u32 v33, $0x10;
	v16 =	vand.u32 $0x1, v16  }
0x36b: {  	v57 =	vpop (erf);
	v0 =	vadd.s32 v0, v23;
	v60 =	vadd.s32 $0x7FFF, v60;
	v3 =	vand.u32 $0xFFFF0000, v3  }
0x36c: {  	vm13 =	vgt.s32 v2, $0xFFFFFF82;
	v30 =	vmul.f32 v10, v57;
	v10 =	vshrl.u32 v24, $0x10  }
0x36d: {  	v57 =	vand.u32 $0x1, v61;
	v16 =	vadd.s32 v16, v31;
	v0 =	vadd.s32 $0x7FFF, v0  }
0x36e: {  	v28 =	vld [tilespmem:s31+$0xFFFFFFC0];
	v3 =	vmul.f32 v3, v4;
	v60 =	vand.u32 $0xFFFF0000, v60;
	v2 =	vnsel vm13, $0xFFFFFF82, v2  }
0x36f: {  	v23 =	vadd.f32 v23, v38;
	v57 =	vadd.s32 v57, v32;
	vm0 =	vlt.s32 v2, $0x7E  }
0x370: {  	v27 =	vld [tilespmem:s4+$0xFFFFFFB0];
	v0 =	vand.u32 $0xFFFF0000, v0;
	v16 =	vadd.s32 $0x7FFF, v16;
	v2 =	vnsel vm0, $0x7E, v2  }
0x371: {  	v34 =	vld [tilespmem:s31+$0xFFFFFFE0];
	v60 =	vmul.f32 v60, v4;
	v57 =	vadd.s32 $0x7FFF, v57;
	v15 =	vcvt.s32.f32 v2  }
0x372: {  	v6 =	vld [tilespmem:s31+$0xFFFFFFB0];
	v0 =	vmul.f32 v0, v18;
	v16 =	vand.u32 $0xFFFF0000, v16;
	v57 =	vand.u32 $0xFFFF0000, v57  }
0x373: {  	v37 =	vld [tilespmem:s4+$0xFFFFFFF0];
	v40 =	vmul.f32 $6.933593750e-01, v15;
	v11 =	vmul.f32 $2.121944420e-04, v15;
	v15 =	vshrl.u32 v28, $0x10  }
0x374: {  	v16 =	vmul.f32 v16, v18;
	v57 =	vmul.f32 v57, v4;
	v15 =	vand.u32 $0x1, v15  }
0x375: {  	v56 =	vsub.f32 v52, v40;
	v52 =	vadd.f32 $1.000000000e+00, v12;
	v12 =	vshrl.u32 v27, $0x10  }
0x376: {  	v40 =	vand.u32 $0x1, v10;
	v10 =	vshrl.u32 v34, $0x10;
	v15 =	vadd.s32 v15, v28  }
0x377: {  	v55 =	vand.u32 $0x1, v12;
	v58 =	vand.u32 $0x1, v10;
	v15 =	vadd.s32 $0x7FFF, v15  }
0x378: {  	v59 =	vadd.f32 v11, v56;
	v11 =	vshrl.u32 v6, $0x10;
	v56 =	vshrl.u32 v37, $0x10  }
0x379: {  	v55 =	vadd.s32 v55, v27;
	v58 =	vadd.s32 v58, v34;
	v15 =	vand.u32 $0xFFFF0000, v15  }
0x37a: {  	v42 =	vand.u32 $0x1, v11;
	v11 =	vshrl.u32 v38, $0x10;
	v56 =	vand.u32 $0x1, v56  }
0x37b: {  	v55 =	vadd.s32 $0x7FFF, v55;
	v58 =	vadd.s32 $0x7FFF, v58;
	v15 =	vmul.f32 v15, v4  }
0x37c: {  	v1 =	vmul.f32 $1.442695020e+00, v59;
	v39 =	vand.u32 $0x1, v11;
	v59 =	vand.u32 $0x1, v63  }
0x37d: {  	v63 =	vadd.s32 v42, v6;
	v56 =	vadd.s32 v56, v37;
	v55 =	vand.u32 $0xFFFF0000, v55  }
0x37e: {  	v58 =	vand.u32 $0xFFFF0000, v58;
	v61 =	vadd.s32 v39, v38;
	v59 =	vadd.s32 v59, v35  }
0x37f: {  	v56 =	vadd.s32 $0x7FFF, v56;
	v55 =	vmul.f32 v55, v18;
	v58 =	vmul.f32 v58, v4  }
0x380: {  	(erf) = vpow2.f32 v1;
	v1 =	vand.u32 $0x1, v62;
	v62 =	vadd.s32 v40, v24  }
0x381: {  	v61 =	vadd.s32 $0x7FFF, v61;
	v59 =	vadd.s32 $0x7FFF, v59;
	v56 =	vand.u32 $0xFFFF0000, v56  }
0x382: {  	v39 =	vld [tilespmem:s5+$0xFFFFFFA0];
	v1 =	vadd.s32 v1, v33;
	v61 =	vand.u32 $0xFFFF0000, v61;
	v48 =	vadd.s32 $0x7FFF, v62  }
0x383: {  	v62 =	vadd.s32 $0x7FFF, v63;
	v59 =	vand.u32 $0xFFFF0000, v59;
	v56 =	vmul.f32 v56, v18  }
0x384: {  	v61 =	vmul.f32 v61, v4;
	v1 =	vadd.s32 $0x7FFF, v1;
	v48 =	vand.u32 $0xFFFF0000, v48  }
0x385: {  	v62 =	vand.u32 $0xFFFF0000, v62;
	v48 =	vmul.f32 v48, v18;
	v63 =	vand.u32 $0xFFFF0000, v1;
	v1 =	vld [tilespmem:s5+$0xFFFFFFC0]  }
0x386: {  	v2 =	vshll.u32 v2, $0x17;
	v59 =	vmul.f32 v59, v18;
	v62 =	vmul.f32 v62, v4;
	v4 =	vld [tilespmem:$0x1FEA0]  }
0x387: {  	v12 =	vpop (erf);
	v0 =	vadd.f32 v0, v61;
	v61 =	vshrl.u32 v39, $0x10;
	v3 =	vadd.f32 v48, v3;
	v48 =	vld [tilespmem:s5+$0xFFFFFFD0]  }
0x388: {  	v11 =	vpop (erf);
	v55 =	vadd.f32 v55, v62;
	v62 =	vadd.f32 v16, v15;
	v15 =	vld [tilespmem:s5+$0xFFFFFFE0];
	v61 =	vand.u32 $0x1, v61  }
0x389: {  	v2 =	vadd.s32 $0x3F800000, v2;
	v10 =	vpop (erf);
	v47 =	vmul.f32 v63, v18;
	v61 =	vadd.s32 v61, v39  }
0x38a: {  	s8 =	simm.s32 $0x5630;
	v53 =	vpop (erf);
	v56 =	vadd.f32 v56, v60;
	v58 =	vadd.f32 v59, v58;
	v61 =	vadd.s32 $0x7FFF, v61  }
0x38b: {  	v54 =	vpop (erf);
	v47 =	vadd.f32 v47, v57;
	v57 =	vshrl.u32 v1, $0x10;
	v61 =	vand.u32 $0xFFFF0000, v61;
	[tilespmem:s8+$0x0] =	vst v4  }
0x38c: {  	v40 =	vpop (erf);
	v57 =	vand.u32 $0x1, v57;
	v61 =	vmul.f32 v61, v25;
	v4 =	vld [tilespmem:$0x1FEB0];
	[tilespmem:s8+$0xFFFFFF90] =	vst v17;
	v17 =	vadd.f32 v37, v36  }
0x38d: {  	v42 =	vld [tilespmem:s5+$0xFFFFFF90];
	v2 =	vmul.f32 v2, v40;
	v59 =	vshrl.u32 v48, $0x10;
	v60 =	vshrl.u32 v15, $0x10  }
0x38e: {  	v40 =	vld [tilespmem:s5+$0xFFFFFFB0];
	v57 =	vadd.s32 v57, v1;
	v59 =	vand.u32 $0x1, v59;
	v60 =	vand.u32 $0x1, v60  }
0x38f: {  	v57 =	vadd.s32 $0x7FFF, v57;
	v3 =	vadd.f32 v61, v3;
	v2 =	vadd.f32 $1.000000000e+00, v2  }
0x390: {  	v59 =	vadd.s32 v59, v48;
	v60 =	vadd.s32 v60, v15;
	v57 =	vand.u32 $0xFFFF0000, v57  }
0x391: {  	v59 =	vadd.s32 $0x7FFF, v59;
	v60 =	vadd.s32 $0x7FFF, v60;
	v57 =	vmul.f32 v57, v25  }
0x392: {  	v3 =	vadd.f32 v3, v19;
	(erf) = vrcp.f32 v2;
	v2 =	vshrl.u32 v42, $0x10  }
0x393: {  	v59 =	vand.u32 $0xFFFF0000, v59;
	v60 =	vand.u32 $0xFFFF0000, v60;
	v8 =	vshrl.u32 v40, $0x10  }
0x394: {  	v2 =	vand.u32 $0x1, v2;
	v59 =	vmul.f32 v59, v25;
	v60 =	vmul.f32 v60, v25  }
0x395: {  	v16 =	vld [tilespmem:s5+$0xFFFFFFF0];
	(erf) = vrcp.f32 v51;
	v51 =	vmul.f32 v53, v49;
	v2 =	vadd.s32 v2, v42  }
0x396: {  	v49 =	vmul.f32 v54, v50;
	v8 =	vand.u32 $0x1, v8;
	v2 =	vadd.s32 $0x7FFF, v2  }
0x397: {  	v8 =	vadd.s32 v8, v40;
	v47 =	vadd.f32 v59, v47;
	v2 =	vand.u32 $0xFFFF0000, v2  }
0x398: {  	vm15 =	vge.f32 v3, $0.0e+00;
	v8 =	vadd.s32 $0x7FFF, v8;
	v2 =	vmul.f32 v2, v25  }
0x399: {  	v54 =	vmul.f32 $1.442695020e+00, v3;
	v8 =	vand.u32 $0xFFFF0000, v8;
	v47 =	vadd.f32 v47, v19  }
0x39a: {  	v8 =	vmul.f32 v8, v25;
	v0 =	vadd.f32 v2, v0;
	v2 =	vshrl.u32 v16, $0x10  }
0x39b: {  	(erf) = vrcp.f32 v52;
	vm10 =	vge.f32 v47, $0.0e+00;
	v2 =	vand.u32 $0x1, v2  }
0x39c: {  	v8 =	vadd.f32 v8, v55;
	v2 =	vadd.s32 v2, v16;
	v61 =	vpop (erf);
	v0 =	vadd.f32 v0, v19  }
0x39d: {  	v2 =	vadd.s32 $0x7FFF, v2;
	v46 =	vmul.f32 v61, v46;
	v61 =	vadd.f32 v57, v62  }
0x39e: {  	v62 =	vadd.f32 v60, v58;
	v8 =	vadd.f32 v8, v19;
	v57 =	vmul.f32 $1.442695020e+00, v47  }
0x39f: {  	v2 =	vand.u32 $0xFFFF0000, v2;
	vm14 =	vge.f32 v0, $0.0e+00;
	v53 =	vmul.f32 $1.442695020e+00, v0  }
0x3a0: {  	v2 =	vmul.f32 v2, v25;
	v52 =	vadd.f32 v61, v19;
	v50 =	vadd.f32 v62, v19  }
0x3a1: {  	vm8 =	vge.f32 v8, $0.0e+00;
	v55 =	vmul.f32 $1.442695020e+00, v8;
	v59 =	vsel vm14, $0x3F000000, v5  }
0x3a2: {  	v61 =	vsel vm15, $0x3F000000, v5;
	v25 =	vadd.f32 v33, v32;
	v32 =	vadd.f32 v42, v23  }
0x3a3: {  	v53 =	vadd.f32 v59, v53;
	v62 =	vsel vm8, $0x3F000000, v5;
	v54 =	vadd.f32 v61, v54  }
0x3a4: {  	v2 =	vadd.f32 v2, v56;
	vm9 =	vge.f32 v52, $0.0e+00;
	v56 =	vmul.f32 $1.442695020e+00, v52  }
0x3a5: {  	vm11 =	vge.f32 v50, $0.0e+00;
	v58 =	vmul.f32 $1.442695020e+00, v50;
	v55 =	vadd.f32 v62, v55  }
0x3a6: {  	v62 =	vsel vm10, $0x3F000000, v5;
	v61 =	vsel vm9, $0x3F000000, v5;
	v53 =	vtrunc.f32 v53  }
0x3a7: {  	v59 =	vpop (erf);
	v57 =	vadd.f32 v62, v57;
	v54 =	vtrunc.f32 v54;
	v2 =	vadd.f32 v2, v19  }
0x3a8: {  	v44 =	vmul.f32 v59, v44;
	v56 =	vadd.f32 v61, v56;
	v55 =	vtrunc.f32 v55  }
0x3a9: {  	v59 =	vpop (erf);
	v61 =	vsel vm11, $0x3F000000, v5;
	v53 =	vcvt.f32.s32 v53;
	v54 =	vcvt.f32.s32 v54  }
0x3aa: {  	v19 =	vadd.f32 $1.000000000e+00, v26;
	v26 =	vadd.f32 v48, v25;
	v45 =	vmul.f32 v59, v45  }
0x3ab: {  	v58 =	vadd.f32 v61, v58;
	v57 =	vtrunc.f32 v57;
	v55 =	vcvt.f32.s32 v55  }
0x3ac: {  	vm12 =	vge.f32 v2, $0.0e+00;
	v60 =	vmul.f32 $1.442695020e+00, v2;
	v56 =	vtrunc.f32 v56  }
0x3ad: {  	vm13 =	vgt.s32 v53, $0xFFFFFF82;
	v57 =	vcvt.f32.s32 v57;
	vm14 =	vgt.s32 v54, $0xFFFFFF82  }
0x3ae: {  	v63 =	vsel vm12, $0x3F000000, v5;
	v61 =	vtrunc.f32 v58;
	v56 =	vcvt.f32.s32 v56  }
0x3af: {  	vm15 =	vgt.s32 v55, $0xFFFFFF82;
	v53 =	vnsel vm13, $0xFFFFFF82, v53;
	v54 =	vnsel vm14, $0xFFFFFF82, v54  }
0x3b0: {  	v59 =	vadd.f32 v63, v60;
	v41 =	vcvt.f32.s32 v61;
	vm9 =	vlt.s32 v53, $0x7E  }
0x3b1: {  	vm10 =	vgt.s32 v57, $0xFFFFFF82;
	vm11 =	vlt.s32 v54, $0x7E;
	v55 =	vnsel vm15, $0xFFFFFF82, v55  }
0x3b2: {  	vm8 =	vgt.s32 v56, $0xFFFFFF82;
	v53 =	vnsel vm9, $0x7E, v53;
	v54 =	vnsel vm11, $0x7E, v54  }
0x3b3: {  	vm2 =	vlt.s32 v55, $0x7E;
	v57 =	vnsel vm10, $0xFFFFFF82, v57;
	v62 =	vtrunc.f32 v59  }
0x3b4: {  	v58 =	vcvt.s32.f32 v53;
	vm12 =	vgt.s32 v41, $0xFFFFFF82;
	v59 =	vcvt.s32.f32 v54  }
0x3b5: {  	v56 =	vnsel vm8, $0xFFFFFF82, v56;
	v55 =	vnsel vm2, $0x7E, v55;
	vm14 =	vlt.s32 v57, $0x7E  }
0x3b6: {  	v43 =	vcvt.f32.s32 v62;
	vm0 =	vlt.s32 v56, $0x7E;
	v61 =	vcvt.s32.f32 v55  }
0x3b7: {  	v41 =	vnsel vm12, $0xFFFFFF82, v41;
	v57 =	vnsel vm14, $0x7E, v57;
	v60 =	vmul.f32 $6.933593750e-01, v58  }
0x3b8: {  	v62 =	vmul.f32 $6.933593750e-01, v59;
	v56 =	vnsel vm0, $0x7E, v56;
	vm15 =	vlt.s32 v41, $0x7E  }
0x3b9: {  	v58 =	vmul.f32 $2.121944420e-04, v58;
	v59 =	vmul.f32 $2.121944420e-04, v59;
	vm13 =	vgt.s32 v43, $0xFFFFFF82  }
0x3ba: {  	s6 =	simm.s32 $0x56B0;
	v41 =	vnsel vm15, $0x7E, v41;
	v0 =	vsub.f32 v0, v60;
	v60 =	vcvt.s32.f32 v56  }
0x3bb: {  	[tilespmem:s6+$0x0] =	vst v4;
	v3 =	vsub.f32 v3, v62;
	v62 =	vmul.f32 $6.933593750e-01, v61;
	v43 =	vnsel vm13, $0xFFFFFF82, v43  }
0x3bc: {  	v4 =	vld [tilespmem:$0x1FEC0];
	[tilespmem:s8+$0xFFFFFFC0] =	vst v20;
	v61 =	vmul.f32 $2.121944420e-04, v61;
	v20 =	vshll.u32 v41, $0x17;
	vm0 =	vlt.s32 v43, $0x7E  }
0x3bd: {  	v8 =	vsub.f32 v8, v62;
	v62 =	vmul.f32 $6.933593750e-01, v60;
	v0 =	vadd.f32 v58, v0  }
0x3be: {  	v58 =	vcvt.s32.f32 v41;
	v3 =	vadd.f32 v59, v3;
	v43 =	vnsel vm0, $0x7E, v43  }
0x3bf: {  	v60 =	vmul.f32 $2.121944420e-04, v60;
	v52 =	vsub.f32 v52, v62;
	v62 =	vcvt.s32.f32 v57  }
0x3c0: {  	[tilespmem:s8+$0xFFFFFFB0] =	vst v21;
	v21 =	vshll.u32 v43, $0x17;
	v63 =	vmul.f32 $6.933593750e-01, v58;
	v0 =	vmul.f32 $1.442695020e+00, v0  }
0x3c1: {  	v3 =	vmul.f32 $1.442695020e+00, v3;
	v8 =	vadd.f32 v61, v8;
	v59 =	vmul.f32 $6.933593750e-01, v62  }
0x3c2: {  	v50 =	vsub.f32 v50, v63;
	(erf) = vpow2.f32 v0;
	v63 =	vmul.f32 $2.121944420e-04, v62  }
0x3c3: {  	v52 =	vadd.f32 v60, v52;
	v62 =	vmul.f32 $2.121944420e-04, v58;
	v8 =	vmul.f32 $1.442695020e+00, v8  }
0x3c4: {  	v58 =	vadd.f32 $1.000000000e+00, v29;
	v47 =	vsub.f32 v47, v59;
	v59 =	vcvt.s32.f32 v43  }
0x3c5: {  	v60 =	vshll.u32 v53, $0x17;
	(erf) = vpow2.f32 v3;
	v52 =	vmul.f32 $1.442695020e+00, v52  }
0x3c6: {  	(erf) = vpow2.f32 v8;
	v8 =	vadd.f32 v62, v50;
	v61 =	vmul.f32 $6.933593750e-01, v59  }
0x3c7: {  	v50 =	vadd.f32 v24, v22;
	v22 =	vadd.f32 v31, v28;
	v62 =	vshll.u32 v55, $0x17  }
0x3c8: {  	v0 =	vadd.f32 v63, v47;
	v63 =	vmul.f32 $2.121944420e-04, v59;
	v2 =	vsub.f32 v2, v61  }
0x3c9: {  	(erf) = vpow2.f32 v52;
	v52 =	vadd.f32 v27, v6;
	v24 =	vmul.f32 $1.442695020e+00, v8  }
0x3ca: {  	v8 =	vadd.f32 v35, v34;
	v0 =	vmul.f32 $1.442695020e+00, v0;
	v2 =	vadd.f32 v63, v2  }
0x3cb: {  	[tilespmem:s6+$0xFFFFFFB0] =	vst v44;
	v44 =	vadd.s32 $0x3F800000, v62;
	v35 =	vadd.f32 v39, v50;
	v59 =	vadd.f32 $1.000000000e+00, v30  }
0x3cc: {  	v47 =	vadd.s32 $0x3F800000, v60;
	(erf) = vpow2.f32 v0;
	v2 =	vmul.f32 $1.442695020e+00, v2  }
0x3cd: {  	[tilespmem:s6+$0xFFFFFF90] =	vst v51;
	v39 =	vadd.s32 $0x3F800000, v20;
	v23 =	vadd.f32 v40, v52;
	(erf) = vpow2.f32 v24  }
0x3ce: {  	s7 =	simm.s32 $0x5730;
	[tilespmem:s6+$0xFFFFFFA0] =	vst v49;
	v61 =	vshll.u32 v54, $0x17;
	v40 =	vadd.s32 $0x3F800000, v21;
	(erf) = vpow2.f32 v2  }
0x3cf: {  	[tilespmem:s7+$0x0] =	vst v46;
	v46 =	vadd.s32 $0x3F800000, v61;
	v63 =	vshll.u32 v56, $0x17;
	(erf) = vrcp.f32 v19  }
0x3d0: {  	[tilespmem:s8+$0xFFFFFFA0] =	vst v4;
	v24 =	vadd.f32 v1, v22;
	v19 =	vshll.u32 v57, $0x17;
	(erf) = vrcp.f32 v58  }
0x3d1: {  	s9 =	simm.s32 $0xD40;
	s10 =	simm.s32 $0xE30;
	[tilespmem:s6+$0xFFFFFFC0] =	vst v45;
	v42 =	vadd.s32 $0x3F800000, v63;
	v18 =	vpop (erf);
	v41 =	vadd.s32 $0x3F800000, v19;
	(erf) = vrcp.f32 v59  }
.LBB2_5:
0x3d2: {  	v43 =	vld [tilespmem:s10+$0x0]  }
0x3d3: {  	v4 =	vld [tilespmem:$0x1FE80]  }
0x3d4: {  	s4 =	sadd.s32 $0x80, s4;
	v20 =	vld [tilespmem:s10+$0xFFFFFFC0]  }
0x3d5: {  	v37 =	vld [tilespmem:s4+$0xFFFFFF90]  }
0x3d6: {  	v3 =	vpop (erf);
	v19 =	vld [tilespmem:s4+$0xFFFFFFB0]  }
0x3d7: {  	v0 =	vmul.f32 v47, v18;
	v3 =	vmul.f32 v46, v3;
	v21 =	vld [tilespmem:s4+$0xFFFFFFC0]  }
0x3d8: {  	s5 =	sadd.s32 $0x80, s5;
	v1 =	vadd.f32 v15, v8;
	v2 =	vadd.f32 v16, v17  }
0x3d9: {  	v8 =	vpop (erf);
	v30 =	vld [tilespmem:s5+$0xFFFFFF90];
	v16 =	vadd.f32 $1.000000000e+00, v0;
	v3 =	vadd.f32 $1.000000000e+00, v3;
	v7 =	vmul.f32 v10, v7  }
0x3da: {  	v10 =	vld [tilespmem:s10+$0xFFFFFFB0];
	v12 =	vmul.f32 v12, v4;
	v4 =	vmov v9;
	v9 =	vmul.f32 v44, v8;
	v8 =	vpop (erf)  }
0x3db: {  	v53 =	vshrl.u32 v43, $0x10;
	v33 =	vshrl.u32 v20, $0x10;
	v15 =	vpop (erf);
	(erf) = vrcp.f32 v16  }
0x3dc: {  	[tilespmem:$0x1FE80] =	vst v4;
	v4 =	vld [tilespmem:$0x1FE90];
	v54 =	vshrl.u32 v37, $0x10;
	v60 =	vshrl.u32 v19, $0x10;
	v36 =	vshrl.u32 v21, $0x10  }
0x3dd: {  	v45 =	vld [tilespmem:s4+$0x0];
	v51 =	vpop (erf);
	(erf) = vrcp.f32 v3;
	v3 =	vand.u32 $0x1, v53;
	v0 =	vand.u32 $0x1, v54  }
0x3de: {  	v46 =	vld [tilespmem:s5+$0x0];
	[tilespmem:s8+$0xFFFFFFF0] =	vst v7;
	v62 =	vshrl.u32 v30, $0x10;
	v52 =	vpop (erf);
	v3 =	vadd.s32 v3, v43;
	v0 =	vadd.s32 v0, v37  }
0x3df: {  	v28 =	vld [tilespmem:s10+$0xFFFFFFF0];
	v40 =	vmul.f32 v40, v52;
	v3 =	vadd.s32 $0x7FFF, v3;
	v31 =	vshrl.u32 v10, $0x10  }
0x3e0: {  	[tilespmem:s8+$0xFFFFFFD0] =	vst v12;
	v12 =	vld [tilespmem:$0x1FF80];
	v52 =	vand.u32 $0x1, v33;
	v0 =	vadd.s32 $0x7FFF, v0;
	v55 =	vand.u32 $0xFFFF0000, v3  }
0x3e1: {  	v22 =	vld [tilespmem:s10+$0xFFFFFFD0];
	v52 =	vadd.s32 v52, v20;
	v0 =	vand.u32 $0xFFFF0000, v0;
	v6 =	vmul.f32 v11, v4  }
0x3e2: {  	v11 =	vmul.f32 v42, v8;
	v42 =	vadd.f32 $1.000000000e+00, v9;
	v4 =	vmul.f32 v41, v15  }
0x3e3: {  	v9 =	vmul.f32 v39, v51;
	v51 =	vand.u32 $0x1, v31;
	v52 =	vadd.s32 $0x7FFF, v52  }
0x3e4: {  	v8 =	vld [tilespmem:s4+$0xFFFFFFA0];
	v54 =	vshrl.u32 v28, $0x10;
	v51 =	vadd.s32 v51, v10;
	v52 =	vand.u32 $0xFFFF0000, v52  }
0x3e5: {  	v31 =	vld [tilespmem:s5+$0xFFFFFFA0];
	v0 =	vmul.f32 v0, v12;
	[tilespmem:s8+$0xFFFFFFE0] =	vst v6;
	v44 =	vadd.f32 $1.000000000e+00, v11;
	v6 =	vshrl.u32 v45, $0x10  }
0x3e6: {  	v41 =	vld [tilespmem:s10+$0xFFFFFF90];
	v11 =	vshrl.u32 v46, $0x10;
	v49 =	vshrl.u32 v22, $0x10;
	v54 =	vand.u32 $0x1, v54  }
0x3e7: {  	v5 =	vld [tilespmem:s10+$0xFFFFFFA0];
	v51 =	vadd.s32 $0x7FFF, v51;
	v6 =	vand.u32 $0x1, v6;
	v15 =	vand.u32 $0x1, v11  }
0x3e8: {  	v49 =	vand.u32 $0x1, v49;
	v54 =	vadd.s32 v54, v28;
	v51 =	vand.u32 $0xFFFF0000, v51  }
0x3e9: {  	v25 =	vld [tilespmem:s4+$0xFFFFFFD0];
	v18 =	vpop (erf);
	v6 =	vadd.s32 v6, v45;
	v49 =	vadd.s32 v49, v22;
	v54 =	vadd.s32 $0x7FFF, v54  }
0x3ea: {  	v17 =	vpop (erf);
	[tilespmem:$0x1FE10] =	vst v9;
	v11 =	vld [tilespmem:$0x1FF70];
	v9 =	vadd.s32 $0x7FFF, v6;
	v16 =	vshrl.u32 v8, $0x10;
	v63 =	vshrl.u32 v31, $0x10  }
0x3eb: {  	[tilespmem:$0x1FE00] =	vst v4;
	v27 =	vld [tilespmem:s4+$0xFFFFFFE0];
	v4 =	vpop (erf);
	v49 =	vadd.s32 $0x7FFF, v49;
	v54 =	vand.u32 $0xFFFF0000, v54;
	v37 =	vadd.f32 v37, v41  }
0x3ec: {  	[tilespmem:$0x1FE40] =	vst v4;
	v4 =	vmovc v13;
	v13 =	vld [tilespmem:$0x1FF90];
	v56 =	vand.u32 $0xFFFF0000, v9;
	v9 =	vadd.s32 v15, v46;
	v15 =	vshrl.u32 v5, $0x10  }
0x3ed: {  	v34 =	vld [tilespmem:s5+$0xFFFFFFC0];
	v50 =	vand.u32 $0x1, v16;
	v49 =	vand.u32 $0xFFFF0000, v49;
	v57 =	vmul.f32 v56, v12  }
0x3ee: {  	[tilespmem:$0x1FE50] =	vst v5;
	v29 =	vld [tilespmem:s4+$0xFFFFFFF0];
	v39 =	vmovc v2;
	v58 =	vadd.s32 $0x7FFF, v9;
	v2 =	vand.u32 $0x1, v15;
	v15 =	vshrl.u32 v25, $0x10  }
0x3ef: {  	v38 =	vmovc v1;
	v7 =	vmovc v14;
	v33 =	vld [tilespmem:s5+$0xFFFFFFB0];
	[tilespmem:$0x1FE60] =	vst v8;
	v56 =	vand.u32 $0x1, v36;
	v1 =	vmul.f32 v55, v11;
	v3 =	vand.u32 $0xFFFF0000, v58  }
0x3f0: {  	v14 =	vld [tilespmem:$0x1FFA0];
	[tilespmem:$0x1FE90] =	vst v4;
	v4 =	vmovc v5;
	v5 =	vmovc v8;
	v53 =	vshrl.u32 v27, $0x10;
	v8 =	vimm.f32 $-5.000000000e-01;
	v51 =	vmul.f32 v51, v11  }
0x3f1: {  	v52 =	vmul.f32 v52, v11;
	v1 =	vadd.f32 v57, v1;
	v59 =	vmul.f32 v3, v13  }
0x3f2: {  	v56 =	vadd.s32 v56, v21;
	v49 =	vmul.f32 v49, v11;
	v54 =	vmul.f32 v54, v11  }
0x3f3: {  	v53 =	vand.u32 $0x1, v53;
	v2 =	vadd.s32 v2, v4;
	v1 =	vadd.f32 v59, v1  }
0x3f4: {  	v50 =	vadd.s32 v50, v5;
	v4 =	vshrl.u32 v33, $0x10;
	v5 =	vshrl.u32 v34, $0x10  }
0x3f5: {  	v6 =	vmovc v26;
	v26 =	vld [tilespmem:s10+$0xFFFFFFE0];
	v3 =	vand.u32 $0x1, v60;
	v57 =	vshrl.u32 v29, $0x10;
	v1 =	vadd.f32 v1, v14  }
0x3f6: {  	v53 =	vadd.s32 v53, v27;
	v2 =	vadd.s32 $0x7FFF, v2;
	v50 =	vadd.s32 $0x7FFF, v50  }
0x3f7: {  	v36 =	vld [tilespmem:s5+$0xFFFFFFD0];
	v4 =	vand.u32 $0x1, v4;
	vm0 =	vge.f32 v1, $0.0e+00;
	v55 =	vmul.f32 $1.442695020e+00, v1  }
0x3f8: {  	v57 =	vand.u32 $0x1, v57;
	v3 =	vadd.s32 v3, v19;
	v58 =	vsel vm0, $0x3F000000, v8  }
0x3f9: {  	v53 =	vadd.s32 $0x7FFF, v53;
	v2 =	vand.u32 $0xFFFF0000, v2;
	v55 =	vadd.f32 v58, v55  }
0x3fa: {  	v50 =	vand.u32 $0xFFFF0000, v50;
	v4 =	vadd.s32 v4, v33;
	v16 =	vshrl.u32 v26, $0x10  }
0x3fb: {  	v59 =	vshrl.u32 v41, $0x10;
	v57 =	vadd.s32 v57, v29;
	v55 =	vtrunc.f32 v55  }
0x3fc: {  	[tilespmem:$0x1FE30] =	vst v6;
	v6 =	vshrl.u32 v36, $0x10;
	v3 =	vadd.s32 $0x7FFF, v3;
	v55 =	vcvt.f32.s32 v55  }
0x3fd: {  	v53 =	vand.u32 $0xFFFF0000, v53;
	v2 =	vmul.f32 v2, v11;
	v50 =	vmul.f32 v50, v12  }
0x3fe: {  	v4 =	vadd.s32 $0x7FFF, v4;
	v60 =	vand.u32 $0x1, v16;
	vm12 =	vgt.s32 v55, $0xFFFFFF82  }
0x3ff: {  	v57 =	vadd.s32 $0x7FFF, v57;
	v3 =	vand.u32 $0xFFFF0000, v3;
	v55 =	vnsel vm12, $0xFFFFFF82, v55  }
0x400: {  	v16 =	vld [tilespmem:s5+$0xFFFFFFF0];
	v53 =	vmul.f32 v53, v12;
	v4 =	vand.u32 $0xFFFF0000, v4;
	vm0 =	vlt.s32 v55, $0x7E  }
0x401: {  	v60 =	vadd.s32 v60, v26;
	v3 =	vmul.f32 v3, v12;
	v55 =	vnsel vm0, $0x7E, v55  }
0x402: {  	v57 =	vand.u32 $0xFFFF0000, v57;
	v2 =	vadd.f32 v50, v2;
	v61 =	vcvt.s32.f32 v55  }
0x403: {  	v4 =	vmul.f32 v4, v13;
	v57 =	vmul.f32 v57, v12;
	v3 =	vadd.f32 v3, v51  }
0x404: {  	[tilespmem:$0x1FE20] =	vst v7;
	v58 =	vand.u32 $0x1, v59;
	v59 =	vand.u32 $0x1, v15;
	v15 =	vld [tilespmem:s5+$0xFFFFFFE0];
	v7 =	vmul.f32 $6.933593750e-01, v61  }
0x405: {  	[tilespmem:$0x1FE70] =	vst v10;
	v10 =	vshrl.u32 v16, $0x10;
	v3 =	vadd.f32 v4, v3;
	v58 =	vadd.s32 v58, v41  }
0x406: {  	v10 =	vand.u32 $0x1, v10;
	v1 =	vsub.f32 v1, v7;
	v7 =	vmul.f32 $2.121944420e-04, v61  }
0x407: {  	v59 =	vadd.s32 v59, v25;
	v58 =	vadd.s32 $0x7FFF, v58;
	v10 =	vadd.s32 v10, v16  }
0x408: {  	v10 =	vadd.s32 $0x7FFF, v10;
	v55 =	vshll.u32 v55, $0x17;
	v1 =	vadd.f32 v7, v1  }
0x409: {  	v9 =	vshrl.u32 v15, $0x10;
	v55 =	vadd.s32 $0x3F800000, v55;
	v61 =	vand.u32 $0x1, v63  }
0x40a: {  	v7 =	vadd.s32 $0x7FFF, v56;
	v56 =	vadd.s32 $0x7FFF, v59;
	v1 =	vmul.f32 $1.442695020e+00, v1  }
0x40b: {  	v47 =	vpop (erf);
	v59 =	vadd.s32 $0x7FFF, v60;
	v60 =	vand.u32 $0x1, v62;
	v7 =	vand.u32 $0xFFFF0000, v7  }
0x40c: {  	v48 =	vpop (erf);
	v56 =	vand.u32 $0xFFFF0000, v56;
	v7 =	vmul.f32 v7, v12;
	(erf) = vpow2.f32 v1  }
0x40d: {  	v1 =	vand.u32 $0x1, v5;
	v5 =	vand.u32 $0x1, v6;
	v6 =	vand.u32 $0x1, v9  }
0x40e: {  	v9 =	vand.u32 $0xFFFF0000, v58;
	v58 =	vand.u32 $0xFFFF0000, v59;
	v59 =	vadd.s32 v60, v30  }
0x40f: {  	v60 =	vadd.s32 v61, v31;
	v7 =	vadd.f32 v7, v52;
	v1 =	vadd.s32 v1, v34  }
0x410: {  	v5 =	vadd.s32 v5, v36;
	v6 =	vadd.s32 v6, v15;
	v9 =	vmul.f32 v9, v11  }
0x411: {  	v59 =	vadd.s32 $0x7FFF, v59;
	v60 =	vadd.s32 $0x7FFF, v60;
	v1 =	vadd.s32 $0x7FFF, v1  }
0x412: {  	v5 =	vadd.s32 $0x7FFF, v5;
	v6 =	vadd.s32 $0x7FFF, v6;
	v62 =	vand.u32 $0xFFFF0000, v59  }
0x413: {  	v63 =	vand.u32 $0xFFFF0000, v60;
	v1 =	vand.u32 $0xFFFF0000, v1;
	v5 =	vand.u32 $0xFFFF0000, v5  }
0x414: {  	v6 =	vand.u32 $0xFFFF0000, v6;
	v0 =	vadd.f32 v0, v9;
	v9 =	vand.u32 $0xFFFF0000, v10  }
0x415: {  	v10 =	vadd.f32 v45, v43;
	v59 =	vmul.f32 v63, v13;
	v63 =	vadd.f32 v57, v54  }
0x416: {  	v54 =	vmul.f32 v47, v32;
	v32 =	vadd.f32 v3, v14;
	v4 =	vmul.f32 v9, v13;
	v61 =	vpop (erf)  }
0x417: {  	v1 =	vmul.f32 v1, v13;
	v10 =	vadd.f32 v46, v10;
	v55 =	vmul.f32 v55, v61  }
0x418: {  	v4 =	vadd.f32 v4, v63;
	v61 =	vmul.f32 v58, v11;
	v58 =	vmul.f32 v62, v13  }
0x419: {  	v5 =	vmul.f32 v5, v13;
	v2 =	vadd.f32 v59, v2;
	v55 =	vadd.f32 $1.000000000e+00, v55  }
0x41a: {  	v6 =	vmul.f32 v6, v13;
	v45 =	vadd.f32 v4, v14;
	v0 =	vadd.f32 v58, v0  }
0x41b: {  	v61 =	vadd.f32 v53, v61;
	(erf) = vrcp.f32 v55;
	v55 =	vmul.f32 v56, v12  }
0x41c: {  	vm2 =	vge.f32 v32, $0.0e+00;
	v1 =	vadd.f32 v1, v7;
	v46 =	vadd.f32 v0, v14  }
0x41d: {  	vm14 =	vge.f32 v45, $0.0e+00;
	v6 =	vadd.f32 v6, v61;
	v60 =	vadd.f32 v55, v49  }
0x41e: {  	v7 =	vmul.f32 $1.442695020e+00, v45;
	vm13 =	vge.f32 v46, $0.0e+00;
	v56 =	vmul.f32 $1.442695020e+00, v46  }
0x41f: {  	v43 =	vadd.f32 v6, v14;
	v6 =	vsel vm13, $0x3F000000, v8;
	v5 =	vadd.f32 v5, v60  }
0x420: {  	v11 =	vmovc v17;
	v17 =	vadd.f32 v29, v28;
	v58 =	vmul.f32 $1.442695020e+00, v32;
	v0 =	vadd.f32 v6, v56  }
0x421: {  	v55 =	vmul.f32 v48, v35;
	vm5 =	vge.f32 v43, $0.0e+00;
	v35 =	vadd.f32 v5, v14  }
0x422: {  	v60 =	vsel vm2, $0x3F000000, v8;
	v5 =	vmul.f32 $1.442695020e+00, v43;
	v0 =	vtrunc.f32 v0  }
0x423: {  	v13 =	vmovc v38;
	v38 =	vsel vm5, $0x3F000000, v8;
	v0 =	vcvt.f32.s32 v0;
	vm4 =	vge.f32 v35, $0.0e+00  }
0x424: {  	v4 =	vmul.f32 $1.442695020e+00, v35;
	v5 =	vadd.f32 v38, v5;
	v38 =	vadd.f32 $1.000000000e+00, v40  }
0x425: {  	v62 =	vpop (erf);
	(erf) = vrcp.f32 v42;
	v42 =	vadd.f32 v1, v14;
	v63 =	vsel vm4, $0x3F000000, v8  }
0x426: {  	vm15 =	vgt.s32 v0, $0xFFFFFF82;
	v10 =	vmul.f32 v62, v10;
	(erf) = vrcp.f32 v44  }
0x427: {  	v44 =	vadd.f32 v2, v14;
	v14 =	vmovc v39;
	v39 =	vsel vm14, $0x3F000000, v8;
	v2 =	vadd.f32 v60, v58  }
0x428: {  	v4 =	vadd.f32 v63, v4;
	v5 =	vtrunc.f32 v5;
	v0 =	vnsel vm15, $0xFFFFFF82, v0  }
0x429: {  	vm3 =	vge.f32 v42, $0.0e+00;
	v59 =	vmul.f32 $1.442695020e+00, v42;
	v5 =	vcvt.f32.s32 v5  }
0x42a: {  	vm14 =	vlt.s32 v0, $0x7E;
	vm1 =	vge.f32 v44, $0.0e+00;
	v57 =	vmul.f32 $1.442695020e+00, v44  }
0x42b: {  	s8 =	smov.u32 s6;
	s6 =	smov.u32 s7;
	s7 =	sadd.s32 $0x80, s7;
	v61 =	vsel vm3, $0x3F000000, v8;
	v2 =	vtrunc.f32 v2;
	v4 =	vtrunc.f32 v4  }
0x42c: {  	[tilespmem:s7+$0x0] =	vst v10;
	v0 =	vnsel vm14, $0x7E, v0;
	v10 =	vsel vm1, $0x3F000000, v8;
	v3 =	vadd.f32 v61, v59  }
0x42d: {  	v2 =	vcvt.f32.s32 v2;
	v4 =	vcvt.f32.s32 v4;
	vm12 =	vgt.s32 v5, $0xFFFFFF82  }
0x42e: {  	v8 =	vadd.f32 v27, v26;
	v1 =	vadd.f32 v10, v57;
	v5 =	vnsel vm12, $0xFFFFFF82, v5  }
0x42f: {  	v3 =	vtrunc.f32 v3;
	vm9 =	vgt.s32 v2, $0xFFFFFF82;
	vm11 =	vgt.s32 v4, $0xFFFFFF82  }
0x430: {  	vm5 =	vlt.s32 v5, $0x7E;
	v1 =	vtrunc.f32 v1;
	v3 =	vcvt.f32.s32 v3  }
0x431: {  	v2 =	vnsel vm9, $0xFFFFFF82, v2;
	v4 =	vnsel vm11, $0xFFFFFF82, v4;
	v5 =	vnsel vm5, $0x7E, v5  }
0x432: {  	v1 =	vcvt.f32.s32 v1;
	vm2 =	vlt.s32 v2, $0x7E;
	vm4 =	vlt.s32 v4, $0x7E;
	v9 =	vpop (erf)  }
0x433: {  	v41 =	vcvt.s32.f32 v5;
	v5 =	vshll.u32 v5, $0x17;
	v6 =	vmul.f32 v9, v23  }
0x434: {  	vm10 =	vgt.s32 v3, $0xFFFFFF82;
	v2 =	vnsel vm2, $0x7E, v2;
	v4 =	vnsel vm4, $0x7E, v4  }
0x435: {  	vm8 =	vgt.s32 v1, $0xFFFFFF82;
	v3 =	vnsel vm10, $0xFFFFFF82, v3;
	[tilespmem:s6+$0xFFFFFFB0] =	vst v6;
	v6 =	vadd.f32 v39, v7;
	v7 =	vld [tilespmem:$0x1FE00]  }
0x436: {  	v62 =	vpop (erf);
	v10 =	vcvt.s32.f32 v2;
	v40 =	vcvt.s32.f32 v4;
	v2 =	vshll.u32 v2, $0x17  }
0x437: {  	v4 =	vshll.u32 v4, $0x17;
	v9 =	vmul.f32 v62, v24;
	v1 =	vnsel vm8, $0xFFFFFF82, v1  }
0x438: {  	vm3 =	vlt.s32 v3, $0x7E;
	v62 =	vmul.f32 $6.933593750e-01, v41;
	v41 =	vmul.f32 $2.121944420e-04, v41  }
0x439: {  	vm15 =	vlt.s32 v1, $0x7E;
	v3 =	vnsel vm3, $0x7E, v3;
	v59 =	vmul.f32 $6.933593750e-01, v10  }
0x43a: {  	v61 =	vmul.f32 $6.933593750e-01, v40;
	v10 =	vmul.f32 $2.121944420e-04, v10;
	v23 =	vadd.f32 $1.000000000e+00, v7;
	v7 =	vld [tilespmem:$0x1FE10]  }
0x43b: {  	v40 =	vmul.f32 $2.121944420e-04, v40;
	v1 =	vnsel vm15, $0x7E, v1;
	v39 =	vcvt.s32.f32 v3  }
0x43c: {  	v3 =	vshll.u32 v3, $0x17;
	v43 =	vsub.f32 v43, v62;
	v62 =	vadd.f32 v21, v20  }
0x43d: {  	[tilespmem:s6+$0xFFFFFFC0] =	vst v9;
	v6 =	vtrunc.f32 v6;
	v9 =	vcvt.s32.f32 v1;
	v1 =	vshll.u32 v1, $0x17  }
0x43e: {  	v32 =	vsub.f32 v32, v59;
	v6 =	vcvt.f32.s32 v6;
	v60 =	vmul.f32 $6.933593750e-01, v39  }
0x43f: {  	v39 =	vmul.f32 $2.121944420e-04, v39;
	v24 =	vadd.f32 $1.000000000e+00, v7;
	v7 =	vcvt.s32.f32 v0  }
0x440: {  	v35 =	vsub.f32 v35, v61;
	v58 =	vmul.f32 $6.933593750e-01, v9;
	v9 =	vmul.f32 $2.121944420e-04, v9  }
0x441: {  	v10 =	vadd.f32 v10, v32;
	vm13 =	vgt.s32 v6, $0xFFFFFF82;
	v56 =	vmul.f32 $6.933593750e-01, v7  }
0x442: {  	v35 =	vadd.f32 v40, v35;
	v42 =	vsub.f32 v42, v60;
	v6 =	vnsel vm13, $0xFFFFFF82, v6  }
0x443: {  	vm6 =	vlt.s32 v6, $0x7E;
	v7 =	vmul.f32 $2.121944420e-04, v7;
	v46 =	vsub.f32 v46, v56  }
0x444: {  	v44 =	vsub.f32 v44, v58;
	v10 =	vmul.f32 $1.442695020e+00, v10;
	v6 =	vnsel vm6, $0x7E, v6  }
0x445: {  	v35 =	vmul.f32 $1.442695020e+00, v35;
	v57 =	vcvt.s32.f32 v6;
	v7 =	vadd.f32 v7, v46  }
0x446: {  	v39 =	vadd.f32 v39, v42;
	v42 =	vadd.s32 $0x3F800000, v3;
	v9 =	vadd.f32 v9, v44  }
0x447: {  	v44 =	vadd.s32 $0x3F800000, v2;
	v63 =	vmul.f32 $6.933593750e-01, v57;
	v7 =	vmul.f32 $1.442695020e+00, v7  }
0x448: {  	v59 =	vld [tilespmem:$0x1FE50];
	v6 =	vshll.u32 v6, $0x17;
	v0 =	vshll.u32 v0, $0x17;
	v9 =	vmul.f32 $1.442695020e+00, v9  }
0x449: {  	[tilespmem:s6+$0xFFFFFFA0] =	vst v55;
	v60 =	vld [tilespmem:$0x1FE60];
	v55 =	vmul.f32 $2.121944420e-04, v57;
	v45 =	vsub.f32 v45, v63;
	(erf) = vpow2.f32 v7  }
0x44a: {  	v57 =	vmul.f32 $1.442695020e+00, v39;
	v56 =	vadd.f32 v41, v43;
	(erf) = vpow2.f32 v9  }
0x44b: {  	v61 =	vld [tilespmem:$0x1FE70];
	v40 =	vadd.s32 $0x3F800000, v6;
	v32 =	vadd.f32 v55, v45;
	(erf) = vpow2.f32 v10  }
0x44c: {  	s9 =	sadd.s32 $0x80, s9;
	v47 =	vadd.s32 $0x3F800000, v0;
	v58 =	vmul.f32 $1.442695020e+00, v56;
	(erf) = vpow2.f32 v57  }
0x44d: {  	p0 =	slt.u32 s9, $0x17C0;
	v63 =	vadd.f32 v25, v22;
	v32 =	vmul.f32 $1.442695020e+00, v32;
	(erf) = vpow2.f32 v35  }
.Ltmp2:
0x44e: {  	v39 =	vadd.s32 $0x3F800000, v5;
	v0 =	vadd.f32 v60, v59;
	(erf) = vpow2.f32 v58;
	(pc) =	sbr.rel @p0 .LBB2_5-.Ltmp2, $4  }
0x44f: {  	v41 =	vadd.s32 $0x3F800000, v4;
	v26 =	vadd.f32 v36, v63;
	(erf) = vpow2.f32 v32  }
0x450: {  	v46 =	vadd.s32 $0x3F800000, v1;
	v1 =	vadd.f32 v19, v61;
	v7 =	vld [tilespmem:$0x1FE20];
	(erf) = vrcp.f32 v23  }
0x451: {  	v12 =	vmovc v18;
	v9 =	vld [tilespmem:$0x1FE30];
	v35 =	vadd.f32 v31, v0;
	v32 =	vadd.f32 v30, v37;
	(erf) = vrcp.f32 v24  }
0x452: {  	s10 =	sadd.s32 $0x80, s10;
	[tilespmem:s6+$0xFFFFFF90] =	vst v54;
	v10 =	vld [tilespmem:$0x1FE40];
	v23 =	vadd.f32 v33, v1;
	v24 =	vadd.f32 v34, v62;
	v18 =	vpop (erf);
	(erf) = vrcp.f32 v38  }
0x453: {  	v0 =	vmul.f32 v47, v18;
	v1 =	vpop (erf)  }
0x454: {  	v1 =	vmul.f32 v46, v1  }
0x455: {  	v2 =	vpop (erf);
	v0 =	vadd.f32 $1.000000000e+00, v0  }
0x456: {  	v2 =	vmul.f32 v44, v2;
	v3 =	vpop (erf);
	v1 =	vadd.f32 $1.000000000e+00, v1  }
0x457: {  	v3 =	vmul.f32 v42, v3;
	v46 =	vpop (erf);
	(erf) = vrcp.f32 v0  }
0x458: {  	v4 =	vld [tilespmem:$0x1FE80];
	v2 =	vadd.f32 $1.000000000e+00, v2;
	v47 =	vpop (erf);
	(erf) = vrcp.f32 v1;
	v1 =	vmul.f32 v41, v46  }
0x459: {  	v45 =	vadd.f32 $1.000000000e+00, v3;
	v48 =	vmul.f32 v39, v47;
	v49 =	vpop (erf)  }
0x45a: {  	v50 =	vld [tilespmem:$0x1FE90];
	(erf) = vrcp.f32 v2;
	v2 =	vmul.f32 v40, v49;
	v1 =	vadd.f32 $1.000000000e+00, v1  }
0x45b: {  	(erf) = vrcp.f32 v45;
	v3 =	vpop (erf);
	v0 =	vadd.f32 $1.000000000e+00, v48  }
0x45c: {  	v51 =	vmul.f32 v10, v7;
	v5 =	vpop (erf);
	v2 =	vadd.f32 $1.000000000e+00, v2;
	(erf) = vrcp.f32 v1  }
0x45d: {  	v4 =	vmul.f32 v12, v4;
	(erf) = vrcp.f32 v0  }
0x45e: {  	[tilespmem:s8+$0xFFFFFFF0] =	vst v51;
	v58 =	vmul.f32 v3, v9;
	v6 =	vpop (erf);
	(erf) = vrcp.f32 v2  }
0x45f: {  	[tilespmem:s8+$0xFFFFFFD0] =	vst v4;
	v1 =	vmul.f32 v11, v50  }
0x460: {  	v59 =	vmul.f32 v5, v13;
	[tilespmem:s6+$0xFFFFFFD0] =	vst v58  }
0x461: {  	v61 =	vmul.f32 v6, v14;
	[tilespmem:s8+$0xFFFFFFE0] =	vst v1;
	v4 =	vpop (erf)  }
0x462: {  	[tilespmem:s6+$0xFFFFFFE0] =	vst v59;
	v52 =	vpop (erf);
	v53 =	vmul.f32 v4, v32  }
0x463: {  	[tilespmem:s6+$0xFFFFFFF0] =	vst v61;
	v54 =	vmul.f32 v52, v35;
	v55 =	vpop (erf)  }
0x464: {  	[tilespmem:s7+$0xFFFFFF90] =	vst v53;
	v56 =	vpop (erf);
	v1 =	vmul.f32 v55, v23  }
0x465: {  	v60 =	vadd.f32 v15, v8;
	[tilespmem:s7+$0xFFFFFFA0] =	vst v54;
	v57 =	vmul.f32 v56, v24;
	v3 =	vpop (erf)  }
0x466: {  	v4 =	vadd.f32 v16, v17;
	[tilespmem:s7+$0xFFFFFFB0] =	vst v1;
	v62 =	vpop (erf);
	v3 =	vmul.f32 v3, v26  }
0x467: {  	[tilespmem:s7+$0xFFFFFFC0] =	vst v57;
	v63 =	vpop (erf);
	v0 =	vmul.f32 v62, v60  }
0x468: {  	[tilespmem:s7+$0xFFFFFFD0] =	vst v3;
	v1 =	vmul.f32 v63, v4  }
0x469: {  	[tilespmem:s7+$0xFFFFFFE0] =	vst v0  }
0x46a: {  	[tilespmem:s7+$0xFFFFFFF0] =	vst v1  }
0x46b: {  	v8 =	vld [tilespmem:$0x1FF70]  }
0x46c: {  	v9 =	vld [tilespmem:$0x1FF80]  }
0x46d: {  	s4 =	simm.s32 $0x1830;
	s5 =	simm.s32 $0x61C0;
	v10 =	vld [tilespmem:$0x1FF90]  }
0x46e: {  	s8 =	simm.s32 $0x1840;
	s6 =	simm.s32 $0x4940;
	v4 =	vimm.f32 $-5.000000000e-01;
	s7 =	simm.s32 $0x30C0;
	v11 =	vld [tilespmem:$0x1FFA0]  }
.LBB2_7:
0x46f: {  	v0 =	vld [tilespmem:s8+$0x0]  }
0x470: {  	v1 =	vld [tilespmem:s7+$0x0];
	_ =	sdelay $0x1  }
0x471: {  	v2 =	vld [tilespmem:s6+$0x0];
	_ =	sdelay $0x2  }
0x472: {  	v3 =	vshrl.u32 v0, $0x10;
	v5 =	vshrl.u32 v1, $0x10  }
0x473: {  	v3 =	vand.u32 $0x1, v3;
	v5 =	vand.u32 $0x1, v5  }
0x474: {  	v6 =	vshrl.u32 v2, $0x10;
	v3 =	vadd.s32 v3, v0;
	v5 =	vadd.s32 v5, v1  }
0x475: {  	v6 =	vand.u32 $0x1, v6;
	v3 =	vadd.s32 $0x7FFF, v3;
	v5 =	vadd.s32 $0x7FFF, v5  }
0x476: {  	v6 =	vadd.s32 v6, v2;
	v3 =	vand.u32 $0xFFFF0000, v3;
	v5 =	vand.u32 $0xFFFF0000, v5  }
0x477: {  	v6 =	vadd.s32 $0x7FFF, v6;
	v3 =	vmul.f32 v3, v8;
	v5 =	vmul.f32 v5, v9  }
0x478: {  	v6 =	vand.u32 $0xFFFF0000, v6  }
0x479: {  	v3 =	vadd.f32 v5, v3;
	v5 =	vmul.f32 v6, v10;
	_ =	sdelay $0x1  }
0x47a: {  	v3 =	vadd.f32 v5, v3;
	_ =	sdelay $0x1  }
0x47b: {  	v3 =	vadd.f32 v3, v11;
	_ =	sdelay $0x1  }
0x47c: {  	vm0 =	vge.f32 v3, $0.0e+00;
	v5 =	vmul.f32 $1.442695020e+00, v3  }
0x47d: {  	v6 =	vsel vm0, $0x3F000000, v4  }
0x47e: {  	v5 =	vadd.f32 v6, v5;
	_ =	sdelay $0x1  }
0x47f: {  	v5 =	vtrunc.f32 v5  }
0x480: {  	v5 =	vcvt.f32.s32 v5;
	_ =	sdelay $0x1  }
0x481: {  	vm15 =	vgt.s32 v5, $0xFFFFFF82  }
0x482: {  	v5 =	vnsel vm15, $0xFFFFFF82, v5  }
0x483: {  	vm0 =	vlt.s32 v5, $0x7E  }
0x484: {  	v5 =	vnsel vm0, $0x7E, v5  }
0x485: {  	v6 =	vcvt.s32.f32 v5;
	_ =	sdelay $0x1  }
0x486: {  	v7 =	vmul.f32 $-6.933593750e-01, v6;
	_ =	sdelay $0x1  }
0x487: {  	v6 =	vmul.f32 $2.121944420e-04, v6;
	v3 =	vadd.f32 v7, v3;
	_ =	sdelay $0x1  }
0x488: {  	v3 =	vadd.f32 v6, v3;
	_ =	sdelay $0x1  }
0x489: {  	v3 =	vmul.f32 $1.442695020e+00, v3;
	_ =	sdelay $0x1  }
0x48a: {  	(erf) = vpow2.f32 v3;
	_ =	sdelay $0x7  }
0x48b: {  	v3 =	vshll.u32 v5, $0x17  }
0x48c: {  	v3 =	vadd.s32 $0x3F800000, v3;
	v5 =	vpop (erf)  }
0x48d: {  	v3 =	vmul.f32 v3, v5;
	_ =	sdelay $0x1  }
0x48e: {  	v3 =	vadd.f32 $1.000000000e+00, v3;
	_ =	sdelay $0x1  }
0x48f: {  	(erf) = vrcp.f32 v3;
	_ =	sdelay $0x5  }
0x490: {  	s4 =	sadd.s32 $0x10, s4;
	v0 =	vadd.f32 v1, v0  }
0x491: {  	p0 =	slt.u32 s4, $0x1870  }
.Ltmp3:
0x492: {  	v0 =	vadd.f32 v2, v0;
	(pc) =	sbr.rel @p0 .LBB2_7-.Ltmp3, $4  }
0x493: {  	v63 =	vpop (erf)  }
0x494: {  	v0 =	vmul.f32 v63, v0  }
0x495: {  	s6 =	sadd.s32 $0x10, s6  }
0x496: {  	s7 =	sadd.s32 $0x10, s7;
	s8 =	sadd.s32 $0x10, s8;
	[tilespmem:s5+$0x0] =	vst v0;
	s5 =	sadd.s32 $0x10, s5  }
0x497: {  	s2 =	sadd.s32 s2, s3  }
0x498: {  	s30 =	simm.s32 $0x0;
	s4 =	simm.s32 $0x55C0;
	s31 =	simm.s32 $0x3  }
0x499: {  	[hbm4b:s2+s30] =	stream.linear.scatter [tilespmem:s4], [sflag:$0x3], $0xC40, $0x38;
	[tilespmem:$0x6280] =	vst v63  }
0x49a: {  	_ =	swait.ge [sflag:s31], $0xC40  }
0x49b: {  	[sflag:s31] =	ssyncset.done $0x0  }
0x49c: {  	[sflag:s31] =	ssyncadd.s32 $0xFFFFF3C0  }
0x49d: {  	_ =	swait.ge [sflag:s31], $0xC40  }
0x49e: {  	[sflag:s31] =	ssyncset.done $0x0  }
0x49f: {  	[sflag:s31] =	ssyncadd.s32 $0xFFFFF3C0  }
0x4a0: {  	_ =	sfence.sel $0x180000  }
0x4a1: {  	[bflag:$0x0] =	sbarrier.arrive $0xFFFF  }
0x4a2: {  	p0 =	sne.s32 s1, $0x0;
	_ =	strace $0x90000047  }
0x4a3: {  	s0 =	sadd.s32 @!p0 $0x100000, s0;
	[bflag:$0x2] =	sbarrier.arrive $0xFFFF  }
0x4a4: {  	[sflag:s0] =	ssyncadd.tile.s32 @!p0 $0x1;
	_ =	shalt  }
.Lfunc_end2:
_tile_overlayer_lowered:
.L_overlay_start_2:
0x4a5: {  	(tag) =	ssettag $0x2  }
0x4a6: {  	s0 =	rddreg [dreg:$0x0];
	s2 =	stileid.u32  }
0x4a7: {  	s1 =	rddreg [dreg:$0x1];
	p0 =	sne.s32 s2, $0x0  }
0x4a8: {  	s3 =	rddreg [dreg:$0x2];
	[bflag:$0x3] =	sbarrier.arrive $0xFFFF;
	s2 =	simm.s32 @!p0 $0x1C04  }
0x4a9: {  	[timem:s3], [sflag:s2] =	dma.local @!p0 [hbm:s0], s1  }
0x4aa: {  	s0 =	simm.s32 @!p0 $0x4  }
0x4ab: {  	_ =	swait.ge @!p0 [sflag:s0], s1  }
0x4ac: {  	s1 =	ssub.s32 @!p0 $0x0, s1;
	[sflag:s0] =	ssyncset.done @!p0 $0x0  }
0x4ad: {  	[sflag:s0] =	ssyncadd.s32 @!p0 s1  }
0x4ae: {  	[bflag:$0x3] =	sbarrier.arrive $0xFFFF  }
0x4af: {  	_ =	shalt  }

</sc_bundles>
